<compile_context>
chip_gen: v7x
topology: tpu7x:2x2x1
jax: 0.10.2.dev20260603
libtpu: 0.0.44.dev20260713+nightly
codegen_flags: <defaults>
</compile_context>

<pallas_src>
import functools

import jax
import jax.numpy as jnp
from jax import lax
from jax.experimental import pallas as pl
from jax.experimental.pallas import tpu as pltpu
from jax.experimental.pallas import tpu_sc as plsc

VOCAB = 100000
EMBED_DIM = 64
CONTEXT = 200
HIDDEN = 128

_SC_NC = 2
_SC_NS = 16
_ROWS_PER_WORKER = 8
_ACTIVE_WORKERS = CONTEXT // _ROWS_PER_WORKER


def _sc_gather(embT, idx):
    mesh = plsc.VectorSubcoreMesh(core_axis_name="c", subcore_axis_name="s")

    @functools.partial(
        pl.kernel,
        mesh=mesh,
        out_type=jax.ShapeDtypeStruct((1, CONTEXT * EMBED_DIM), jnp.float32),
        scratch_types=[
            pltpu.VMEM((16,), jnp.int32),
            pltpu.VMEM((_ROWS_PER_WORKER, EMBED_DIM, 128), jnp.float32),
            pltpu.VMEM((_ROWS_PER_WORKER * EMBED_DIM,), jnp.float32),
            pltpu.SemaphoreType.DMA,
        ],
        compiler_params=pltpu.CompilerParams(needs_layout_passes=False),
    )
    def k(embT_hbm, idx_hbm, out_hbm, idx_v, slab_v, rows_v, sem):
        wid = lax.axis_index("s") * _SC_NC + lax.axis_index("c")
        base = wid * _ROWS_PER_WORKER

        @pl.when(wid < _ACTIVE_WORKERS)
        def _():
            pltpu.sync_copy(idx_hbm.at[pl.ds(base, _ROWS_PER_WORKER)],
                            idx_v.at[pl.ds(0, _ROWS_PER_WORKER)])
            idx_vec = idx_v[...]
            copies = []
            for j in range(_ROWS_PER_WORKER):
                c0 = (idx_vec[j] // 128) * 128
                copies.append(pltpu.async_copy(
                    embT_hbm.at[:, pl.ds(c0, 128)], slab_v.at[j], sem))
            for c in copies:
                c.wait()
            for j in range(_ROWS_PER_WORKER):
                lane = idx_vec[j] % 128
                lane_vec = jnp.full((16,), lane, jnp.int32)
                j_vec = jnp.full((16,), j, jnp.int32)
                for ch in range(EMBED_DIM // 16):
                    d_vec = lax.iota(jnp.int32, 16) + 16 * ch
                    vals = plsc.load_gather(slab_v, [j_vec, d_vec, lane_vec])
                    rows_v[pl.ds(j * EMBED_DIM + 16 * ch, 16)] = vals
            pltpu.sync_copy(
                rows_v, out_hbm.at[0].at[pl.ds(base * EMBED_DIM,
                                               _ROWS_PER_WORKER * EMBED_DIM)])

    return k(embT, idx)


_BV = 4096
_NB = -(-VOCAB // _BV)


_NBUF = 6


def _mlp_body(e_ref, W1_ref, b1_ref, W2_hbm, b2_ref, out_ref,
              bufs_ref, acc_ref, sems):
    def start(i):
        rows = min(_BV, VOCAB - i * _BV)
        return pltpu.make_async_copy(
            W2_hbm.at[pl.ds(i * _BV, rows), :],
            bufs_ref.at[i % _NBUF, pl.ds(0, rows), :],
            sems.at[i % _NBUF],
        ).start()

    for i in range(_NBUF - 1):
        start(i)

    h = lax.dot_general(
        e_ref[...], W1_ref[...],
        dimension_numbers=(((1,), (1,)), ((), ())),
        preferred_element_type=jnp.float32,
    ) + b1_ref[...]
    h = jnp.maximum(h, 0.0)

    m = jnp.full((1, 1), -jnp.inf, jnp.float32)
    s = jnp.zeros((1, 1), jnp.float32)
    for i in range(_NB):
        rows = min(_BV, VOCAB - i * _BV)
        pltpu.make_async_copy(
            W2_hbm.at[pl.ds(i * _BV, rows), :],
            bufs_ref.at[i % _NBUF, pl.ds(0, rows), :],
            sems.at[i % _NBUF],
        ).wait()
        logits = lax.dot_general(
            h, bufs_ref[i % _NBUF],
            dimension_numbers=(((1,), (1,)), ((), ())),
            preferred_element_type=jnp.float32,
        ) + b2_ref[:, pl.ds(i * _BV, _BV)]
        if i + _NBUF - 1 < _NB:
            start(i + _NBUF - 1)
        acc_ref[:, pl.ds(i * _BV, _BV)] = logits
        if rows < _BV:
            colv = lax.broadcasted_iota(jnp.int32, (1, _BV), 1)
            logits = jnp.where(colv < rows, logits, -jnp.inf)
        m_new = jnp.maximum(m, jnp.max(logits, axis=(0, 1), keepdims=True))
        s = (s * jnp.exp(m - m_new)
             + jnp.sum(jnp.exp(logits - m_new), axis=(0, 1), keepdims=True))
        m = m_new

    lse = m + jnp.log(s)
    out_ref[...] = acc_ref[:, :VOCAB] - lse


def _mlp_logits(embeds, W1, b1, W2, b2):
    return pl.pallas_call(
        _mlp_body,
        in_specs=[
            pl.BlockSpec((1, CONTEXT * EMBED_DIM), lambda: (0, 0)),
            pl.BlockSpec((HIDDEN, CONTEXT * EMBED_DIM), lambda: (0, 0)),
            pl.BlockSpec((1, HIDDEN), lambda: (0, 0)),
            pl.BlockSpec(memory_space=pl.ANY),
            pl.BlockSpec((1, _BV * _NB), lambda: (0, 0)),
        ],
        out_specs=pl.BlockSpec((1, VOCAB), lambda: (0, 0)),
        out_shape=jax.ShapeDtypeStruct((1, VOCAB), jnp.float32),
        scratch_shapes=[
            pltpu.VMEM((_NBUF, _BV, HIDDEN), jnp.float32),
            pltpu.VMEM((1, _BV * _NB), jnp.float32),
            pltpu.SemaphoreType.DMA((_NBUF,)),
        ],
    )(embeds, W1, b1, W2, b2)


def kernel(inputs, emb, W1, b1, W2, b2):
    embeds = _sc_gather(emb.T, inputs)
    b2p = jnp.pad(b2, (0, _BV * _NB - VOCAB)).reshape(1, _BV * _NB)
    return _mlp_logits(embeds, W1, b1.reshape(1, HIDDEN), W2, b2p)

# --- scband reference (transcript-rebuilt; emitter-appended) ---
"""Pipeline reference for scband-ngram-language-modeler-54030688584335 (READ-ONLY COPY).

The authoritative reference and input builder live on the scoring server;
editing this copy changes nothing except your own understanding.
"""

import jax, jax.numpy as jnp
import numpy as np

VOCAB = 100000
EMBED_DIM = 64
CONTEXT = 200
HIDDEN = 128


def setup_inputs(seed: int = 0) -> dict:
    key = jax.random.key(seed)
    k0, k1, k2, k3, k4, k5 = jax.random.split(key, 6)
    inputs = jax.random.randint(k0, (CONTEXT,), 0, VOCAB, dtype=jnp.int32)
    emb = jax.random.normal(k1, (VOCAB, EMBED_DIM), dtype=jnp.float32) * 0.02
    W1 = jax.random.normal(k2, (HIDDEN, CONTEXT * EMBED_DIM), dtype=jnp.float32) * 0.02
    b1 = jax.random.normal(k3, (HIDDEN,), dtype=jnp.float32) * 0.02
    W2 = jax.random.normal(k4, (VOCAB, HIDDEN), dtype=jnp.float32) * 0.02
    b2 = jax.random.normal(k5, (VOCAB,), dtype=jnp.float32) * 0.02
    return {"inputs": inputs, "emb": emb, "W1": W1, "b1": b1, "W2": W2, "b2": b2}


def reference(inputs, emb, W1, b1, W2, b2):
    # embeds = self.embeddings(inputs).view((1, -1))
    embeds = jnp.take(emb, inputs, axis=0).reshape(1, -1)
    # out = F.relu(self.linear1(embeds))
    h = jax.nn.relu(embeds @ W1.T + b1)
    # out = self.linear2(out)
    logits = h @ W2.T + b2
    # log_probs = F.log_softmax(out)
    log_probs = jax.nn.log_softmax(logits, axis=-1)
    return log_probs

if __name__ == "__main__":
    import jax
    _d = setup_inputs()
    print(jax.jit(kernel)(*tuple(_d.values())))

</pallas_src>

<mosaic_0001>
#map = affine_map<(d0, d1) -> (0, 0)>
#map1 = affine_map<(d0, d1) -> (0)>
module attributes {stable_mosaic.version = 14 : i64} {
  func.func @k(%arg0: i32, %arg1: i32, %arg2: memref<64x100000xf32, #tpu.memory_space<hbm>>, %arg3: memref<200xi32, #tpu.memory_space<hbm>>, %arg4: memref<1x12800xf32, #tpu.memory_space<hbm>>, %arg5: memref<16xi32, #tpu.memory_space<vmem>>, %arg6: memref<8x64x128xf32, #tpu.memory_space<vmem>>, %arg7: memref<512xf32, #tpu.memory_space<vmem>>, %arg8: memref<!tpu.dma_semaphore, #tpu.memory_space<semaphore_mem>>) attributes {dimension_semantics = [#tpu.dimension_semantics<core_parallel>, #tpu.dimension_semantics<subcore_parallel>], iteration_bounds = array<i64: 2, 16>, scalar_prefetch = 0 : i64, scratch_operands = 4 : i64, tpu.core_type = #tpu.core_type<sc_vector_subcore>, window_params = [{transform_indices = #map}, {transform_indices = #map1}, {transform_indices = #map}]} {
    %mul3A = arith.constant 2 : i32
    %mul3A_0 = arith.muli %arg1, %mul3A : i32
    %add3A = arith.addi %mul3A_0, %arg0 : i32
    %mul3A_1 = arith.constant 8 : i32
    %mul3A_2 = arith.muli %add3A, %mul3A_1 : i32
    %lt3A = arith.constant 25 : i32
    %lt3A_3 = arith.cmpi slt, %add3A, %lt3A : i32
    %convert_element_type3A = arith.extui %lt3A_3 : i1 to i32
    %cond3A = arith.constant 0 : i32
    %cond3A_4 = arith.cmpi ne, %convert_element_type3A, %cond3A : i32
    scf.if %cond3A_4 {
      "tpu.region"() ({
        %run_scoped3A_815 = tpu.sem_alloc : memref<!tpu.dma_semaphore, #tpu.memory_space<semaphore_mem>>
        %dma_start3A_816 = arith.constant 0 : i32
        %dma_start3A_817 = tpu.memref_slice %arg5[%dma_start3A_816] : memref<16xi32, #tpu.memory_space<vmem>> -> memref<8xi32, #tpu.memory_space<vmem>>
        %dma_start3A_818 = tpu.memref_slice %arg3[%mul3A_2] : memref<200xi32, #tpu.memory_space<hbm>> -> memref<8xi32, #tpu.memory_space<hbm>>
        %dma_start3A_819 = arith.constant 0 : i32
        %dma_start3A_820 = tpu.memref_slice %arg5[%dma_start3A_819] : memref<16xi32, #tpu.memory_space<vmem>> -> memref<8xi32, #tpu.memory_space<vmem>>
        %dma_start3A_821 = tpu.memref_slice %arg3[%mul3A_2] : memref<200xi32, #tpu.memory_space<hbm>> -> memref<8xi32, #tpu.memory_space<hbm>>
        tpu.enqueue_dma source(%dma_start3A_821 : memref<8xi32, #tpu.memory_space<hbm>>) target(%dma_start3A_820 : memref<8xi32, #tpu.memory_space<vmem>>) target_semaphore(%run_scoped3A_815 : memref<!tpu.dma_semaphore, #tpu.memory_space<semaphore_mem>>)
        %dma_wait3A_822 = arith.constant 0 : i32
        %dma_wait3A_823 = tpu.memref_slice %arg5[%dma_wait3A_822] : memref<16xi32, #tpu.memory_space<vmem>> -> memref<8xi32, #tpu.memory_space<vmem>>
        %dma_wait3A_824 = tpu.memref_slice %arg3[%mul3A_2] : memref<200xi32, #tpu.memory_space<hbm>> -> memref<8xi32, #tpu.memory_space<hbm>>
        %dma_wait3A_825 = arith.constant 0 : i32
        %dma_wait3A_826 = tpu.memref_slice %arg5[%dma_wait3A_825] : memref<16xi32, #tpu.memory_space<vmem>> -> memref<8xi32, #tpu.memory_space<vmem>>
        %dma_wait3A_827 = tpu.memref_slice %arg3[%mul3A_2] : memref<200xi32, #tpu.memory_space<hbm>> -> memref<8xi32, #tpu.memory_space<hbm>>
        tpu.wait_dma2 semaphore(%run_scoped3A_815 : memref<!tpu.dma_semaphore, #tpu.memory_space<semaphore_mem>>) src(%dma_wait3A_827 : memref<8xi32, #tpu.memory_space<hbm>>) dst(%dma_wait3A_826 : memref<8xi32, #tpu.memory_space<vmem>>)
        tpu.yield
      }) : () -> ()
      %get3A = arith.constant 0 : index
      %get3A_5 = tpu.vector_load %arg5[%get3A] {strides = array<i32>} : memref<16xi32, #tpu.memory_space<vmem>>, vector<16xi32>,
      %slice3A = vector.extract_strided_slice %get3A_5 {offsets = [0], sizes = [1], strides = [1]} : vector<16xi32> to vector<1xi32>
      %squeeze3A = vector.extract %slice3A[0] : i32 from vector<1xi32>
      %jit3A = arith.constant 128 : i32
      %div3A = arith.divsi %squeeze3A, %jit3A : i32
      %sign3A = arith.constant 0 : i32
      %sign3A_6 = arith.cmpi sgt, %squeeze3A, %sign3A : i32
      %sign3A_7 = arith.extui %sign3A_6 : i1 to i32
      %sign3A_8 = arith.constant 0 : i32
      %sign3A_9 = arith.cmpi slt, %squeeze3A, %sign3A_8 : i32
      %sign3A_10 = arith.extui %sign3A_9 : i1 to i32
      %sign3A_11 = arith.subi %sign3A_7, %sign3A_10 : i32
      %sign3A_12 = arith.constant 0 : i32
      %sign3A_13 = arith.cmpi sgt, %jit3A, %sign3A_12 : i32
      %sign3A_14 = arith.extui %sign3A_13 : i1 to i32
      %sign3A_15 = arith.constant 0 : i32
      %sign3A_16 = arith.cmpi slt, %jit3A, %sign3A_15 : i32
      %sign3A_17 = arith.extui %sign3A_16 : i1 to i32
      %sign3A_18 = arith.subi %sign3A_14, %sign3A_17 : i32
      %ne3A = arith.cmpi ne, %sign3A_11, %sign3A_18 : i32
      %rem3A = arith.remsi %squeeze3A, %jit3A : i32
      %ne3A_19 = arith.constant 0 : i32
      %ne3A_20 = arith.cmpi ne, %rem3A, %ne3A_19 : i32
      %and3A = arith.andi %ne3A, %ne3A_20 : i1
      %sub3A = arith.constant 1 : i32
      %sub3A_21 = arith.subi %div3A, %sub3A : i32
      %select_n3A = arith.select %and3A, %sub3A_21, %div3A : i32
      %mul3A_22 = arith.constant 128 : i32
      %mul3A_23 = arith.muli %select_n3A, %mul3A_22 : i32
      %dma_start3A = arith.constant 0 : i32
      %dma_start3A_24 = arith.constant 0 : i32
      %dma_start3A_25 = arith.constant 0 : i32
      %dma_start3A_26 = tpu.memref_slice %arg6[%dma_start3A, %dma_start3A_24, %dma_start3A_25] : memref<8x64x128xf32, #tpu.memory_space<vmem>> -> memref<1x64x128xf32, #tpu.memory_space<vmem>>
      %dma_start3A_27 = tpu.memref_squeeze %dma_start3A_26 : memref<1x64x128xf32, #tpu.memory_space<vmem>> -> memref<64x128xf32, #tpu.memory_space<vmem>>
      %dma_start3A_28 = arith.constant 0 : i32
      %dma_start3A_29 = tpu.memref_slice %arg2[%dma_start3A_28, %mul3A_23] : memref<64x100000xf32, #tpu.memory_space<hbm>> -> memref<64x128xf32, #tpu.memory_space<hbm>>
      %dma_start3A_30 = arith.constant 0 : i32
      %dma_start3A_31 = arith.constant 0 : i32
      %dma_start3A_32 = tpu.memref_slice %arg6[%dma_start3A, %dma_start3A_30, %dma_start3A_31] : memref<8x64x128xf32, #tpu.memory_space<vmem>> -> memref<1x64x128xf32, #tpu.memory_space<vmem>>
      %dma_start3A_33 = tpu.memref_squeeze %dma_start3A_32 : memref<1x64x128xf32, #tpu.memory_space<vmem>> -> memref<64x128xf32, #tpu.memory_space<vmem>>
      %dma_start3A_34 = arith.constant 0 : i32
      %dma_start3A_35 = tpu.memref_slice %arg2[%dma_start3A_34, %mul3A_23] : memref<64x100000xf32, #tpu.memory_space<hbm>> -> memref<64x128xf32, #tpu.memory_space<hbm>>
      tpu.enqueue_dma source(%dma_start3A_35 : memref<64x128xf32, #tpu.memory_space<hbm>>) target(%dma_start3A_33 : memref<64x128xf32, #tpu.memory_space<vmem>>) target_semaphore(%arg8 : memref<!tpu.dma_semaphore, #tpu.memory_space<semaphore_mem>>)
      %slice3A_36 = vector.extract_strided_slice %get3A_5 {offsets = [1], sizes = [1], strides = [1]} : vector<16xi32> to vector<1xi32>
      %squeeze3A_37 = vector.extract %slice3A_36[0] : i32 from vector<1xi32>
      %jit3A_38 = arith.constant 128 : i32
      %div3A_39 = arith.divsi %squeeze3A_37, %jit3A_38 : i32
      %sign3A_40 = arith.constant 0 : i32
      %sign3A_41 = arith.cmpi sgt, %squeeze3A_37, %sign3A_40 : i32
      %sign3A_42 = arith.extui %sign3A_41 : i1 to i32
      %sign3A_43 = arith.constant 0 : i32
      %sign3A_44 = arith.cmpi slt, %squeeze3A_37, %sign3A_43 : i32
      %sign3A_45 = arith.extui %sign3A_44 : i1 to i32
      %sign3A_46 = arith.subi %sign3A_42, %sign3A_45 : i32
      %sign3A_47 = arith.constant 0 : i32
      %sign3A_48 = arith.cmpi sgt, %jit3A_38, %sign3A_47 : i32
      %sign3A_49 = arith.extui %sign3A_48 : i1 to i32
      %sign3A_50 = arith.constant 0 : i32
      %sign3A_51 = arith.cmpi slt, %jit3A_38, %sign3A_50 : i32
      %sign3A_52 = arith.extui %sign3A_51 : i1 to i32
      %sign3A_53 = arith.subi %sign3A_49, %sign3A_52 : i32
      %ne3A_54 = arith.cmpi ne, %sign3A_46, %sign3A_53 : i32
      %rem3A_55 = arith.remsi %squeeze3A_37, %jit3A_38 : i32
      %ne3A_56 = arith.constant 0 : i32
      %ne3A_57 = arith.cmpi ne, %rem3A_55, %ne3A_56 : i32
      %and3A_58 = arith.andi %ne3A_54, %ne3A_57 : i1
      %sub3A_59 = arith.constant 1 : i32
      %sub3A_60 = arith.subi %div3A_39, %sub3A_59 : i32
      %select_n3A_61 = arith.select %and3A_58, %sub3A_60, %div3A_39 : i32
      %mul3A_62 = arith.constant 128 : i32
      %mul3A_63 = arith.muli %select_n3A_61, %mul3A_62 : i32
      %dma_start3A_64 = arith.constant 1 : i32
      %dma_start3A_65 = arith.constant 0 : i32
      %dma_start3A_66 = arith.constant 0 : i32
      %dma_start3A_67 = tpu.memref_slice %arg6[%dma_start3A_64, %dma_start3A_65, %dma_start3A_66] : memref<8x64x128xf32, #tpu.memory_space<vmem>> -> memref<1x64x128xf32, #tpu.memory_space<vmem>>
      %dma_start3A_68 = tpu.memref_squeeze %dma_start3A_67 : memref<1x64x128xf32, #tpu.memory_space<vmem>> -> memref<64x128xf32, #tpu.memory_space<vmem>>
      %dma_start3A_69 = arith.constant 0 : i32
      %dma_start3A_70 = tpu.memref_slice %arg2[%dma_start3A_69, %mul3A_63] : memref<64x100000xf32, #tpu.memory_space<hbm>> -> memref<64x128xf32, #tpu.memory_space<hbm>>
      %dma_start3A_71 = arith.constant 0 : i32
      %dma_start3A_72 = arith.constant 0 : i32
      %dma_start3A_73 = tpu.memref_slice %arg6[%dma_start3A_64, %dma_start3A_71, %dma_start3A_72] : memref<8x64x128xf32, #tpu.memory_space<vmem>> -> memref<1x64x128xf32, #tpu.memory_space<vmem>>
      %dma_start3A_74 = tpu.memref_squeeze %dma_start3A_73 : memref<1x64x128xf32, #tpu.memory_space<vmem>> -> memref<64x128xf32, #tpu.memory_space<vmem>>
      %dma_start3A_75 = arith.constant 0 : i32
      %dma_start3A_76 = tpu.memref_slice %arg2[%dma_start3A_75, %mul3A_63] : memref<64x100000xf32, #tpu.memory_space<hbm>> -> memref<64x128xf32, #tpu.memory_space<hbm>>
      tpu.enqueue_dma source(%dma_start3A_76 : memref<64x128xf32, #tpu.memory_space<hbm>>) target(%dma_start3A_74 : memref<64x128xf32, #tpu.memory_space<vmem>>) target_semaphore(%arg8 : memref<!tpu.dma_semaphore, #tpu.memory_space<semaphore_mem>>)
      %slice3A_77 = vector.extract_strided_slice %get3A_5 {offsets = [2], sizes = [1], strides = [1]} : vector<16xi32> to vector<1xi32>
      %squeeze3A_78 = vector.extract %slice3A_77[0] : i32 from vector<1xi32>
      %jit3A_79 = arith.constant 128 : i32
      %div3A_80 = arith.divsi %squeeze3A_78, %jit3A_79 : i32
      %sign3A_81 = arith.constant 0 : i32
      %sign3A_82 = arith.cmpi sgt, %squeeze3A_78, %sign3A_81 : i32
      %sign3A_83 = arith.extui %sign3A_82 : i1 to i32
      %sign3A_84 = arith.constant 0 : i32
      %sign3A_85 = arith.cmpi slt, %squeeze3A_78, %sign3A_84 : i32
      %sign3A_86 = arith.extui %sign3A_85 : i1 to i32
      %sign3A_87 = arith.subi %sign3A_83, %sign3A_86 : i32
      %sign3A_88 = arith.constant 0 : i32
      %sign3A_89 = arith.cmpi sgt, %jit3A_79, %sign3A_88 : i32
      %sign3A_90 = arith.extui %sign3A_89 : i1 to i32
      %sign3A_91 = arith.constant 0 : i32
      %sign3A_92 = arith.cmpi slt, %jit3A_79, %sign3A_91 : i32
      %sign3A_93 = arith.extui %sign3A_92 : i1 to i32
      %sign3A_94 = arith.subi %sign3A_90, %sign3A_93 : i32
      %ne3A_95 = arith.cmpi ne, %sign3A_87, %sign3A_94 : i32
      %rem3A_96 = arith.remsi %squeeze3A_78, %jit3A_79 : i32
      %ne3A_97 = arith.constant 0 : i32
      %ne3A_98 = arith.cmpi ne, %rem3A_96, %ne3A_97 : i32
      %and3A_99 = arith.andi %ne3A_95, %ne3A_98 : i1
      %sub3A_100 = arith.constant 1 : i32
      %sub3A_101 = arith.subi %div3A_80, %sub3A_100 : i32
      %select_n3A_102 = arith.select %and3A_99, %sub3A_101, %div3A_80 : i32
      %mul3A_103 = arith.constant 128 : i32
      %mul3A_104 = arith.muli %select_n3A_102, %mul3A_103 : i32
      %dma_start3A_105 = arith.constant 2 : i32
      %dma_start3A_106 = arith.constant 0 : i32
      %dma_start3A_107 = arith.constant 0 : i32
      %dma_start3A_108 = tpu.memref_slice %arg6[%dma_start3A_105, %dma_start3A_106, %dma_start3A_107] : memref<8x64x128xf32, #tpu.memory_space<vmem>> -> memref<1x64x128xf32, #tpu.memory_space<vmem>>
      %dma_start3A_109 = tpu.memref_squeeze %dma_start3A_108 : memref<1x64x128xf32, #tpu.memory_space<vmem>> -> memref<64x128xf32, #tpu.memory_space<vmem>>
      %dma_start3A_110 = arith.constant 0 : i32
      %dma_start3A_111 = tpu.memref_slice %arg2[%dma_start3A_110, %mul3A_104] : memref<64x100000xf32, #tpu.memory_space<hbm>> -> memref<64x128xf32, #tpu.memory_space<hbm>>
      %dma_start3A_112 = arith.constant 0 : i32
      %dma_start3A_113 = arith.constant 0 : i32
      %dma_start3A_114 = tpu.memref_slice %arg6[%dma_start3A_105, %dma_start3A_112, %dma_start3A_113] : memref<8x64x128xf32, #tpu.memory_space<vmem>> -> memref<1x64x128xf32, #tpu.memory_space<vmem>>
      %dma_start3A_115 = tpu.memref_squeeze %dma_start3A_114 : memref<1x64x128xf32, #tpu.memory_space<vmem>> -> memref<64x128xf32, #tpu.memory_space<vmem>>
      %dma_start3A_116 = arith.constant 0 : i32
      %dma_start3A_117 = tpu.memref_slice %arg2[%dma_start3A_116, %mul3A_104] : memref<64x100000xf32, #tpu.memory_space<hbm>> -> memref<64x128xf32, #tpu.memory_space<hbm>>
      tpu.enqueue_dma source(%dma_start3A_117 : memref<64x128xf32, #tpu.memory_space<hbm>>) target(%dma_start3A_115 : memref<64x128xf32, #tpu.memory_space<vmem>>) target_semaphore(%arg8 : memref<!tpu.dma_semaphore, #tpu.memory_space<semaphore_mem>>)
      %slice3A_118 = vector.extract_strided_slice %get3A_5 {offsets = [3], sizes = [1], strides = [1]} : vector<16xi32> to vector<1xi32>
      %squeeze3A_119 = vector.extract %slice3A_118[0] : i32 from vector<1xi32>
      %jit3A_120 = arith.constant 128 : i32
      %div3A_121 = arith.divsi %squeeze3A_119, %jit3A_120 : i32
      %sign3A_122 = arith.constant 0 : i32
      %sign3A_123 = arith.cmpi sgt, %squeeze3A_119, %sign3A_122 : i32
      %sign3A_124 = arith.extui %sign3A_123 : i1 to i32
      %sign3A_125 = arith.constant 0 : i32
      %sign3A_126 = arith.cmpi slt, %squeeze3A_119, %sign3A_125 : i32
      %sign3A_127 = arith.extui %sign3A_126 : i1 to i32
      %sign3A_128 = arith.subi %sign3A_124, %sign3A_127 : i32
      %sign3A_129 = arith.constant 0 : i32
      %sign3A_130 = arith.cmpi sgt, %jit3A_120, %sign3A_129 : i32
      %sign3A_131 = arith.extui %sign3A_130 : i1 to i32
      %sign3A_132 = arith.constant 0 : i32
      %sign3A_133 = arith.cmpi slt, %jit3A_120, %sign3A_132 : i32
      %sign3A_134 = arith.extui %sign3A_133 : i1 to i32
      %sign3A_135 = arith.subi %sign3A_131, %sign3A_134 : i32
      %ne3A_136 = arith.cmpi ne, %sign3A_128, %sign3A_135 : i32
      %rem3A_137 = arith.remsi %squeeze3A_119, %jit3A_120 : i32
      %ne3A_138 = arith.constant 0 : i32
      %ne3A_139 = arith.cmpi ne, %rem3A_137, %ne3A_138 : i32
      %and3A_140 = arith.andi %ne3A_136, %ne3A_139 : i1
      %sub3A_141 = arith.constant 1 : i32
      %sub3A_142 = arith.subi %div3A_121, %sub3A_141 : i32
      %select_n3A_143 = arith.select %and3A_140, %sub3A_142, %div3A_121 : i32
      %mul3A_144 = arith.constant 128 : i32
      %mul3A_145 = arith.muli %select_n3A_143, %mul3A_144 : i32
      %dma_start3A_146 = arith.constant 3 : i32
      %dma_start3A_147 = arith.constant 0 : i32
      %dma_start3A_148 = arith.constant 0 : i32
      %dma_start3A_149 = tpu.memref_slice %arg6[%dma_start3A_146, %dma_start3A_147, %dma_start3A_148] : memref<8x64x128xf32, #tpu.memory_space<vmem>> -> memref<1x64x128xf32, #tpu.memory_space<vmem>>
      %dma_start3A_150 = tpu.memref_squeeze %dma_start3A_149 : memref<1x64x128xf32, #tpu.memory_space<vmem>> -> memref<64x128xf32, #tpu.memory_space<vmem>>
      %dma_start3A_151 = arith.constant 0 : i32
      %dma_start3A_152 = tpu.memref_slice %arg2[%dma_start3A_151, %mul3A_145] : memref<64x100000xf32, #tpu.memory_space<hbm>> -> memref<64x128xf32, #tpu.memory_space<hbm>>
      %dma_start3A_153 = arith.constant 0 : i32
      %dma_start3A_154 = arith.constant 0 : i32
      %dma_start3A_155 = tpu.memref_slice %arg6[%dma_start3A_146, %dma_start3A_153, %dma_start3A_154] : memref<8x64x128xf32, #tpu.memory_space<vmem>> -> memref<1x64x128xf32, #tpu.memory_space<vmem>>
      %dma_start3A_156 = tpu.memref_squeeze %dma_start3A_155 : memref<1x64x128xf32, #tpu.memory_space<vmem>> -> memref<64x128xf32, #tpu.memory_space<vmem>>
      %dma_start3A_157 = arith.constant 0 : i32
      %dma_start3A_158 = tpu.memref_slice %arg2[%dma_start3A_157, %mul3A_145] : memref<64x100000xf32, #tpu.memory_space<hbm>> -> memref<64x128xf32, #tpu.memory_space<hbm>>
      tpu.enqueue_dma source(%dma_start3A_158 : memref<64x128xf32, #tpu.memory_space<hbm>>) target(%dma_start3A_156 : memref<64x128xf32, #tpu.memory_space<vmem>>) target_semaphore(%arg8 : memref<!tpu.dma_semaphore, #tpu.memory_space<semaphore_mem>>)
      %slice3A_159 = vector.extract_strided_slice %get3A_5 {offsets = [4], sizes = [1], strides = [1]} : vector<16xi32> to vector<1xi32>
      %squeeze3A_160 = vector.extract %slice3A_159[0] : i32 from vector<1xi32>
      %jit3A_161 = arith.constant 128 : i32
      %div3A_162 = arith.divsi %squeeze3A_160, %jit3A_161 : i32
      %sign3A_163 = arith.constant 0 : i32
      %sign3A_164 = arith.cmpi sgt, %squeeze3A_160, %sign3A_163 : i32
      %sign3A_165 = arith.extui %sign3A_164 : i1 to i32
      %sign3A_166 = arith.constant 0 : i32
      %sign3A_167 = arith.cmpi slt, %squeeze3A_160, %sign3A_166 : i32
      %sign3A_168 = arith.extui %sign3A_167 : i1 to i32
      %sign3A_169 = arith.subi %sign3A_165, %sign3A_168 : i32
      %sign3A_170 = arith.constant 0 : i32
      %sign3A_171 = arith.cmpi sgt, %jit3A_161, %sign3A_170 : i32
      %sign3A_172 = arith.extui %sign3A_171 : i1 to i32
      %sign3A_173 = arith.constant 0 : i32
      %sign3A_174 = arith.cmpi slt, %jit3A_161, %sign3A_173 : i32
      %sign3A_175 = arith.extui %sign3A_174 : i1 to i32
      %sign3A_176 = arith.subi %sign3A_172, %sign3A_175 : i32
      %ne3A_177 = arith.cmpi ne, %sign3A_169, %sign3A_176 : i32
      %rem3A_178 = arith.remsi %squeeze3A_160, %jit3A_161 : i32
      %ne3A_179 = arith.constant 0 : i32
      %ne3A_180 = arith.cmpi ne, %rem3A_178, %ne3A_179 : i32
      %and3A_181 = arith.andi %ne3A_177, %ne3A_180 : i1
      %sub3A_182 = arith.constant 1 : i32
      %sub3A_183 = arith.subi %div3A_162, %sub3A_182 : i32
      %select_n3A_184 = arith.select %and3A_181, %sub3A_183, %div3A_162 : i32
      %mul3A_185 = arith.constant 128 : i32
      %mul3A_186 = arith.muli %select_n3A_184, %mul3A_185 : i32
      %dma_start3A_187 = arith.constant 4 : i32
      %dma_start3A_188 = arith.constant 0 : i32
      %dma_start3A_189 = arith.constant 0 : i32
      %dma_start3A_190 = tpu.memref_slice %arg6[%dma_start3A_187, %dma_start3A_188, %dma_start3A_189] : memref<8x64x128xf32, #tpu.memory_space<vmem>> -> memref<1x64x128xf32, #tpu.memory_space<vmem>>
      %dma_start3A_191 = tpu.memref_squeeze %dma_start3A_190 : memref<1x64x128xf32, #tpu.memory_space<vmem>> -> memref<64x128xf32, #tpu.memory_space<vmem>>
      %dma_start3A_192 = arith.constant 0 : i32
      %dma_start3A_193 = tpu.memref_slice %arg2[%dma_start3A_192, %mul3A_186] : memref<64x100000xf32, #tpu.memory_space<hbm>> -> memref<64x128xf32, #tpu.memory_space<hbm>>
      %dma_start3A_194 = arith.constant 0 : i32
      %dma_start3A_195 = arith.constant 0 : i32
      %dma_start3A_196 = tpu.memref_slice %arg6[%dma_start3A_187, %dma_start3A_194, %dma_start3A_195] : memref<8x64x128xf32, #tpu.memory_space<vmem>> -> memref<1x64x128xf32, #tpu.memory_space<vmem>>
      %dma_start3A_197 = tpu.memref_squeeze %dma_start3A_196 : memref<1x64x128xf32, #tpu.memory_space<vmem>> -> memref<64x128xf32, #tpu.memory_space<vmem>>
      %dma_start3A_198 = arith.constant 0 : i32
      %dma_start3A_199 = tpu.memref_slice %arg2[%dma_start3A_198, %mul3A_186] : memref<64x100000xf32, #tpu.memory_space<hbm>> -> memref<64x128xf32, #tpu.memory_space<hbm>>
      tpu.enqueue_dma source(%dma_start3A_199 : memref<64x128xf32, #tpu.memory_space<hbm>>) target(%dma_start3A_197 : memref<64x128xf32, #tpu.memory_space<vmem>>) target_semaphore(%arg8 : memref<!tpu.dma_semaphore, #tpu.memory_space<semaphore_mem>>)
      %slice3A_200 = vector.extract_strided_slice %get3A_5 {offsets = [5], sizes = [1], strides = [1]} : vector<16xi32> to vector<1xi32>
      %squeeze3A_201 = vector.extract %slice3A_200[0] : i32 from vector<1xi32>
      %jit3A_202 = arith.constant 128 : i32
      %div3A_203 = arith.divsi %squeeze3A_201, %jit3A_202 : i32
      %sign3A_204 = arith.constant 0 : i32
      %sign3A_205 = arith.cmpi sgt, %squeeze3A_201, %sign3A_204 : i32
      %sign3A_206 = arith.extui %sign3A_205 : i1 to i32
      %sign3A_207 = arith.constant 0 : i32
      %sign3A_208 = arith.cmpi slt, %squeeze3A_201, %sign3A_207 : i32
      %sign3A_209 = arith.extui %sign3A_208 : i1 to i32
      %sign3A_210 = arith.subi %sign3A_206, %sign3A_209 : i32
      %sign3A_211 = arith.constant 0 : i32
      %sign3A_212 = arith.cmpi sgt, %jit3A_202, %sign3A_211 : i32
      %sign3A_213 = arith.extui %sign3A_212 : i1 to i32
      %sign3A_214 = arith.constant 0 : i32
      %sign3A_215 = arith.cmpi slt, %jit3A_202, %sign3A_214 : i32
      %sign3A_216 = arith.extui %sign3A_215 : i1 to i32
      %sign3A_217 = arith.subi %sign3A_213, %sign3A_216 : i32
      %ne3A_218 = arith.cmpi ne, %sign3A_210, %sign3A_217 : i32
      %rem3A_219 = arith.remsi %squeeze3A_201, %jit3A_202 : i32
      %ne3A_220 = arith.constant 0 : i32
      %ne3A_221 = arith.cmpi ne, %rem3A_219, %ne3A_220 : i32
      %and3A_222 = arith.andi %ne3A_218, %ne3A_221 : i1
      %sub3A_223 = arith.constant 1 : i32
      %sub3A_224 = arith.subi %div3A_203, %sub3A_223 : i32
      %select_n3A_225 = arith.select %and3A_222, %sub3A_224, %div3A_203 : i32
      %mul3A_226 = arith.constant 128 : i32
      %mul3A_227 = arith.muli %select_n3A_225, %mul3A_226 : i32
      %dma_start3A_228 = arith.constant 5 : i32
      %dma_start3A_229 = arith.constant 0 : i32
      %dma_start3A_230 = arith.constant 0 : i32
      %dma_start3A_231 = tpu.memref_slice %arg6[%dma_start3A_228, %dma_start3A_229, %dma_start3A_230] : memref<8x64x128xf32, #tpu.memory_space<vmem>> -> memref<1x64x128xf32, #tpu.memory_space<vmem>>
      %dma_start3A_232 = tpu.memref_squeeze %dma_start3A_231 : memref<1x64x128xf32, #tpu.memory_space<vmem>> -> memref<64x128xf32, #tpu.memory_space<vmem>>
      %dma_start3A_233 = arith.constant 0 : i32
      %dma_start3A_234 = tpu.memref_slice %arg2[%dma_start3A_233, %mul3A_227] : memref<64x100000xf32, #tpu.memory_space<hbm>> -> memref<64x128xf32, #tpu.memory_space<hbm>>
      %dma_start3A_235 = arith.constant 0 : i32
      %dma_start3A_236 = arith.constant 0 : i32
      %dma_start3A_237 = tpu.memref_slice %arg6[%dma_start3A_228, %dma_start3A_235, %dma_start3A_236] : memref<8x64x128xf32, #tpu.memory_space<vmem>> -> memref<1x64x128xf32, #tpu.memory_space<vmem>>
      %dma_start3A_238 = tpu.memref_squeeze %dma_start3A_237 : memref<1x64x128xf32, #tpu.memory_space<vmem>> -> memref<64x128xf32, #tpu.memory_space<vmem>>
      %dma_start3A_239 = arith.constant 0 : i32
      %dma_start3A_240 = tpu.memref_slice %arg2[%dma_start3A_239, %mul3A_227] : memref<64x100000xf32, #tpu.memory_space<hbm>> -> memref<64x128xf32, #tpu.memory_space<hbm>>
      tpu.enqueue_dma source(%dma_start3A_240 : memref<64x128xf32, #tpu.memory_space<hbm>>) target(%dma_start3A_238 : memref<64x128xf32, #tpu.memory_space<vmem>>) target_semaphore(%arg8 : memref<!tpu.dma_semaphore, #tpu.memory_space<semaphore_mem>>)
      %slice3A_241 = vector.extract_strided_slice %get3A_5 {offsets = [6], sizes = [1], strides = [1]} : vector<16xi32> to vector<1xi32>
      %squeeze3A_242 = vector.extract %slice3A_241[0] : i32 from vector<1xi32>
      %jit3A_243 = arith.constant 128 : i32
      %div3A_244 = arith.divsi %squeeze3A_242, %jit3A_243 : i32
      %sign3A_245 = arith.constant 0 : i32
      %sign3A_246 = arith.cmpi sgt, %squeeze3A_242, %sign3A_245 : i32
      %sign3A_247 = arith.extui %sign3A_246 : i1 to i32
      %sign3A_248 = arith.constant 0 : i32
      %sign3A_249 = arith.cmpi slt, %squeeze3A_242, %sign3A_248 : i32
      %sign3A_250 = arith.extui %sign3A_249 : i1 to i32
      %sign3A_251 = arith.subi %sign3A_247, %sign3A_250 : i32
      %sign3A_252 = arith.constant 0 : i32
      %sign3A_253 = arith.cmpi sgt, %jit3A_243, %sign3A_252 : i32
      %sign3A_254 = arith.extui %sign3A_253 : i1 to i32
      %sign3A_255 = arith.constant 0 : i32
      %sign3A_256 = arith.cmpi slt, %jit3A_243, %sign3A_255 : i32
      %sign3A_257 = arith.extui %sign3A_256 : i1 to i32
      %sign3A_258 = arith.subi %sign3A_254, %sign3A_257 : i32
      %ne3A_259 = arith.cmpi ne, %sign3A_251, %sign3A_258 : i32
      %rem3A_260 = arith.remsi %squeeze3A_242, %jit3A_243 : i32
      %ne3A_261 = arith.constant 0 : i32
      %ne3A_262 = arith.cmpi ne, %rem3A_260, %ne3A_261 : i32
      %and3A_263 = arith.andi %ne3A_259, %ne3A_262 : i1
      %sub3A_264 = arith.constant 1 : i32
      %sub3A_265 = arith.subi %div3A_244, %sub3A_264 : i32
      %select_n3A_266 = arith.select %and3A_263, %sub3A_265, %div3A_244 : i32
      %mul3A_267 = arith.constant 128 : i32
      %mul3A_268 = arith.muli %select_n3A_266, %mul3A_267 : i32
      %dma_start3A_269 = arith.constant 6 : i32
      %dma_start3A_270 = arith.constant 0 : i32
      %dma_start3A_271 = arith.constant 0 : i32
      %dma_start3A_272 = tpu.memref_slice %arg6[%dma_start3A_269, %dma_start3A_270, %dma_start3A_271] : memref<8x64x128xf32, #tpu.memory_space<vmem>> -> memref<1x64x128xf32, #tpu.memory_space<vmem>>
      %dma_start3A_273 = tpu.memref_squeeze %dma_start3A_272 : memref<1x64x128xf32, #tpu.memory_space<vmem>> -> memref<64x128xf32, #tpu.memory_space<vmem>>
      %dma_start3A_274 = arith.constant 0 : i32
      %dma_start3A_275 = tpu.memref_slice %arg2[%dma_start3A_274, %mul3A_268] : memref<64x100000xf32, #tpu.memory_space<hbm>> -> memref<64x128xf32, #tpu.memory_space<hbm>>
      %dma_start3A_276 = arith.constant 0 : i32
      %dma_start3A_277 = arith.constant 0 : i32
      %dma_start3A_278 = tpu.memref_slice %arg6[%dma_start3A_269, %dma_start3A_276, %dma_start3A_277] : memref<8x64x128xf32, #tpu.memory_space<vmem>> -> memref<1x64x128xf32, #tpu.memory_space<vmem>>
      %dma_start3A_279 = tpu.memref_squeeze %dma_start3A_278 : memref<1x64x128xf32, #tpu.memory_space<vmem>> -> memref<64x128xf32, #tpu.memory_space<vmem>>
      %dma_start3A_280 = arith.constant 0 : i32
      %dma_start3A_281 = tpu.memref_slice %arg2[%dma_start3A_280, %mul3A_268] : memref<64x100000xf32, #tpu.memory_space<hbm>> -> memref<64x128xf32, #tpu.memory_space<hbm>>
      tpu.enqueue_dma source(%dma_start3A_281 : memref<64x128xf32, #tpu.memory_space<hbm>>) target(%dma_start3A_279 : memref<64x128xf32, #tpu.memory_space<vmem>>) target_semaphore(%arg8 : memref<!tpu.dma_semaphore, #tpu.memory_space<semaphore_mem>>)
      %slice3A_282 = vector.extract_strided_slice %get3A_5 {offsets = [7], sizes = [1], strides = [1]} : vector<16xi32> to vector<1xi32>
      %squeeze3A_283 = vector.extract %slice3A_282[0] : i32 from vector<1xi32>
      %jit3A_284 = arith.constant 128 : i32
      %div3A_285 = arith.divsi %squeeze3A_283, %jit3A_284 : i32
      %sign3A_286 = arith.constant 0 : i32
      %sign3A_287 = arith.cmpi sgt, %squeeze3A_283, %sign3A_286 : i32
      %sign3A_288 = arith.extui %sign3A_287 : i1 to i32
      %sign3A_289 = arith.constant 0 : i32
      %sign3A_290 = arith.cmpi slt, %squeeze3A_283, %sign3A_289 : i32
      %sign3A_291 = arith.extui %sign3A_290 : i1 to i32
      %sign3A_292 = arith.subi %sign3A_288, %sign3A_291 : i32
      %sign3A_293 = arith.constant 0 : i32
      %sign3A_294 = arith.cmpi sgt, %jit3A_284, %sign3A_293 : i32
      %sign3A_295 = arith.extui %sign3A_294 : i1 to i32
      %sign3A_296 = arith.constant 0 : i32
      %sign3A_297 = arith.cmpi slt, %jit3A_284, %sign3A_296 : i32
      %sign3A_298 = arith.extui %sign3A_297 : i1 to i32
      %sign3A_299 = arith.subi %sign3A_295, %sign3A_298 : i32
      %ne3A_300 = arith.cmpi ne, %sign3A_292, %sign3A_299 : i32
      %rem3A_301 = arith.remsi %squeeze3A_283, %jit3A_284 : i32
      %ne3A_302 = arith.constant 0 : i32
      %ne3A_303 = arith.cmpi ne, %rem3A_301, %ne3A_302 : i32
      %and3A_304 = arith.andi %ne3A_300, %ne3A_303 : i1
      %sub3A_305 = arith.constant 1 : i32
      %sub3A_306 = arith.subi %div3A_285, %sub3A_305 : i32
      %select_n3A_307 = arith.select %and3A_304, %sub3A_306, %div3A_285 : i32
      %mul3A_308 = arith.constant 128 : i32
      %mul3A_309 = arith.muli %select_n3A_307, %mul3A_308 : i32
      %dma_start3A_310 = arith.constant 7 : i32
      %dma_start3A_311 = arith.constant 0 : i32
      %dma_start3A_312 = arith.constant 0 : i32
      %dma_start3A_313 = tpu.memref_slice %arg6[%dma_start3A_310, %dma_start3A_311, %dma_start3A_312] : memref<8x64x128xf32, #tpu.memory_space<vmem>> -> memref<1x64x128xf32, #tpu.memory_space<vmem>>
      %dma_start3A_314 = tpu.memref_squeeze %dma_start3A_313 : memref<1x64x128xf32, #tpu.memory_space<vmem>> -> memref<64x128xf32, #tpu.memory_space<vmem>>
      %dma_start3A_315 = arith.constant 0 : i32
      %dma_start3A_316 = tpu.memref_slice %arg2[%dma_start3A_315, %mul3A_309] : memref<64x100000xf32, #tpu.memory_space<hbm>> -> memref<64x128xf32, #tpu.memory_space<hbm>>
      %dma_start3A_317 = arith.constant 0 : i32
      %dma_start3A_318 = arith.constant 0 : i32
      %dma_start3A_319 = tpu.memref_slice %arg6[%dma_start3A_310, %dma_start3A_317, %dma_start3A_318] : memref<8x64x128xf32, #tpu.memory_space<vmem>> -> memref<1x64x128xf32, #tpu.memory_space<vmem>>
      %dma_start3A_320 = tpu.memref_squeeze %dma_start3A_319 : memref<1x64x128xf32, #tpu.memory_space<vmem>> -> memref<64x128xf32, #tpu.memory_space<vmem>>
      %dma_start3A_321 = arith.constant 0 : i32
      %dma_start3A_322 = tpu.memref_slice %arg2[%dma_start3A_321, %mul3A_309] : memref<64x100000xf32, #tpu.memory_space<hbm>> -> memref<64x128xf32, #tpu.memory_space<hbm>>
      tpu.enqueue_dma source(%dma_start3A_322 : memref<64x128xf32, #tpu.memory_space<hbm>>) target(%dma_start3A_320 : memref<64x128xf32, #tpu.memory_space<vmem>>) target_semaphore(%arg8 : memref<!tpu.dma_semaphore, #tpu.memory_space<semaphore_mem>>)
      %dma_wait3A = arith.constant 0 : i32
      %dma_wait3A_323 = arith.constant 0 : i32
      %dma_wait3A_324 = arith.constant 0 : i32
      %dma_wait3A_325 = tpu.memref_slice %arg6[%dma_wait3A, %dma_wait3A_323, %dma_wait3A_324] : memref<8x64x128xf32, #tpu.memory_space<vmem>> -> memref<1x64x128xf32, #tpu.memory_space<vmem>>
      %dma_wait3A_326 = tpu.memref_squeeze %dma_wait3A_325 : memref<1x64x128xf32, #tpu.memory_space<vmem>> -> memref<64x128xf32, #tpu.memory_space<vmem>>
      %dma_wait3A_327 = arith.constant 0 : i32
      %dma_wait3A_328 = tpu.memref_slice %arg2[%dma_wait3A_327, %mul3A_23] : memref<64x100000xf32, #tpu.memory_space<hbm>> -> memref<64x128xf32, #tpu.memory_space<hbm>>
      %dma_wait3A_329 = arith.constant 0 : i32
      %dma_wait3A_330 = arith.constant 0 : i32
      %dma_wait3A_331 = tpu.memref_slice %arg6[%dma_wait3A, %dma_wait3A_329, %dma_wait3A_330] : memref<8x64x128xf32, #tpu.memory_space<vmem>> -> memref<1x64x128xf32, #tpu.memory_space<vmem>>
      %dma_wait3A_332 = tpu.memref_squeeze %dma_wait3A_331 : memref<1x64x128xf32, #tpu.memory_space<vmem>> -> memref<64x128xf32, #tpu.memory_space<vmem>>
      %dma_wait3A_333 = arith.constant 0 : i32
      %dma_wait3A_334 = tpu.memref_slice %arg2[%dma_wait3A_333, %mul3A_23] : memref<64x100000xf32, #tpu.memory_space<hbm>> -> memref<64x128xf32, #tpu.memory_space<hbm>>
      tpu.wait_dma2 semaphore(%arg8 : memref<!tpu.dma_semaphore, #tpu.memory_space<semaphore_mem>>) src(%dma_wait3A_334 : memref<64x128xf32, #tpu.memory_space<hbm>>) dst(%dma_wait3A_332 : memref<64x128xf32, #tpu.memory_space<vmem>>)
      %dma_wait3A_335 = arith.constant 1 : i32
      %dma_wait3A_336 = arith.constant 0 : i32
      %dma_wait3A_337 = arith.constant 0 : i32
      %dma_wait3A_338 = tpu.memref_slice %arg6[%dma_wait3A_335, %dma_wait3A_336, %dma_wait3A_337] : memref<8x64x128xf32, #tpu.memory_space<vmem>> -> memref<1x64x128xf32, #tpu.memory_space<vmem>>
      %dma_wait3A_339 = tpu.memref_squeeze %dma_wait3A_338 : memref<1x64x128xf32, #tpu.memory_space<vmem>> -> memref<64x128xf32, #tpu.memory_space<vmem>>
      %dma_wait3A_340 = arith.constant 0 : i32
      %dma_wait3A_341 = tpu.memref_slice %arg2[%dma_wait3A_340, %mul3A_63] : memref<64x100000xf32, #tpu.memory_space<hbm>> -> memref<64x128xf32, #tpu.memory_space<hbm>>
      %dma_wait3A_342 = arith.constant 0 : i32
      %dma_wait3A_343 = arith.constant 0 : i32
      %dma_wait3A_344 = tpu.memref_slice %arg6[%dma_wait3A_335, %dma_wait3A_342, %dma_wait3A_343] : memref<8x64x128xf32, #tpu.memory_space<vmem>> -> memref<1x64x128xf32, #tpu.memory_space<vmem>>
      %dma_wait3A_345 = tpu.memref_squeeze %dma_wait3A_344 : memref<1x64x128xf32, #tpu.memory_space<vmem>> -> memref<64x128xf32, #tpu.memory_space<vmem>>
      %dma_wait3A_346 = arith.constant 0 : i32
      %dma_wait3A_347 = tpu.memref_slice %arg2[%dma_wait3A_346, %mul3A_63] : memref<64x100000xf32, #tpu.memory_space<hbm>> -> memref<64x128xf32, #tpu.memory_space<hbm>>
      tpu.wait_dma2 semaphore(%arg8 : memref<!tpu.dma_semaphore, #tpu.memory_space<semaphore_mem>>) src(%dma_wait3A_347 : memref<64x128xf32, #tpu.memory_space<hbm>>) dst(%dma_wait3A_345 : memref<64x128xf32, #tpu.memory_space<vmem>>)
      %dma_wait3A_348 = arith.constant 2 : i32
      %dma_wait3A_349 = arith.constant 0 : i32
      %dma_wait3A_350 = arith.constant 0 : i32
      %dma_wait3A_351 = tpu.memref_slice %arg6[%dma_wait3A_348, %dma_wait3A_349, %dma_wait3A_350] : memref<8x64x128xf32, #tpu.memory_space<vmem>> -> memref<1x64x128xf32, #tpu.memory_space<vmem>>
      %dma_wait3A_352 = tpu.memref_squeeze %dma_wait3A_351 : memref<1x64x128xf32, #tpu.memory_space<vmem>> -> memref<64x128xf32, #tpu.memory_space<vmem>>
      %dma_wait3A_353 = arith.constant 0 : i32
      %dma_wait3A_354 = tpu.memref_slice %arg2[%dma_wait3A_353, %mul3A_104] : memref<64x100000xf32, #tpu.memory_space<hbm>> -> memref<64x128xf32, #tpu.memory_space<hbm>>
      %dma_wait3A_355 = arith.constant 0 : i32
      %dma_wait3A_356 = arith.constant 0 : i32
      %dma_wait3A_357 = tpu.memref_slice %arg6[%dma_wait3A_348, %dma_wait3A_355, %dma_wait3A_356] : memref<8x64x128xf32, #tpu.memory_space<vmem>> -> memref<1x64x128xf32, #tpu.memory_space<vmem>>
      %dma_wait3A_358 = tpu.memref_squeeze %dma_wait3A_357 : memref<1x64x128xf32, #tpu.memory_space<vmem>> -> memref<64x128xf32, #tpu.memory_space<vmem>>
      %dma_wait3A_359 = arith.constant 0 : i32
      %dma_wait3A_360 = tpu.memref_slice %arg2[%dma_wait3A_359, %mul3A_104] : memref<64x100000xf32, #tpu.memory_space<hbm>> -> memref<64x128xf32, #tpu.memory_space<hbm>>
      tpu.wait_dma2 semaphore(%arg8 : memref<!tpu.dma_semaphore, #tpu.memory_space<semaphore_mem>>) src(%dma_wait3A_360 : memref<64x128xf32, #tpu.memory_space<hbm>>) dst(%dma_wait3A_358 : memref<64x128xf32, #tpu.memory_space<vmem>>)
      %dma_wait3A_361 = arith.constant 3 : i32
      %dma_wait3A_362 = arith.constant 0 : i32
      %dma_wait3A_363 = arith.constant 0 : i32
      %dma_wait3A_364 = tpu.memref_slice %arg6[%dma_wait3A_361, %dma_wait3A_362, %dma_wait3A_363] : memref<8x64x128xf32, #tpu.memory_space<vmem>> -> memref<1x64x128xf32, #tpu.memory_space<vmem>>
      %dma_wait3A_365 = tpu.memref_squeeze %dma_wait3A_364 : memref<1x64x128xf32, #tpu.memory_space<vmem>> -> memref<64x128xf32, #tpu.memory_space<vmem>>
      %dma_wait3A_366 = arith.constant 0 : i32
      %dma_wait3A_367 = tpu.memref_slice %arg2[%dma_wait3A_366, %mul3A_145] : memref<64x100000xf32, #tpu.memory_space<hbm>> -> memref<64x128xf32, #tpu.memory_space<hbm>>
      %dma_wait3A_368 = arith.constant 0 : i32
      %dma_wait3A_369 = arith.constant 0 : i32
      %dma_wait3A_370 = tpu.memref_slice %arg6[%dma_wait3A_361, %dma_wait3A_368, %dma_wait3A_369] : memref<8x64x128xf32, #tpu.memory_space<vmem>> -> memref<1x64x128xf32, #tpu.memory_space<vmem>>
      %dma_wait3A_371 = tpu.memref_squeeze %dma_wait3A_370 : memref<1x64x128xf32, #tpu.memory_space<vmem>> -> memref<64x128xf32, #tpu.memory_space<vmem>>
      %dma_wait3A_372 = arith.constant 0 : i32
      %dma_wait3A_373 = tpu.memref_slice %arg2[%dma_wait3A_372, %mul3A_145] : memref<64x100000xf32, #tpu.memory_space<hbm>> -> memref<64x128xf32, #tpu.memory_space<hbm>>
      tpu.wait_dma2 semaphore(%arg8 : memref<!tpu.dma_semaphore, #tpu.memory_space<semaphore_mem>>) src(%dma_wait3A_373 : memref<64x128xf32, #tpu.memory_space<hbm>>) dst(%dma_wait3A_371 : memref<64x128xf32, #tpu.memory_space<vmem>>)
      %dma_wait3A_374 = arith.constant 4 : i32
      %dma_wait3A_375 = arith.constant 0 : i32
      %dma_wait3A_376 = arith.constant 0 : i32
      %dma_wait3A_377 = tpu.memref_slice %arg6[%dma_wait3A_374, %dma_wait3A_375, %dma_wait3A_376] : memref<8x64x128xf32, #tpu.memory_space<vmem>> -> memref<1x64x128xf32, #tpu.memory_space<vmem>>
      %dma_wait3A_378 = tpu.memref_squeeze %dma_wait3A_377 : memref<1x64x128xf32, #tpu.memory_space<vmem>> -> memref<64x128xf32, #tpu.memory_space<vmem>>
      %dma_wait3A_379 = arith.constant 0 : i32
      %dma_wait3A_380 = tpu.memref_slice %arg2[%dma_wait3A_379, %mul3A_186] : memref<64x100000xf32, #tpu.memory_space<hbm>> -> memref<64x128xf32, #tpu.memory_space<hbm>>
      %dma_wait3A_381 = arith.constant 0 : i32
      %dma_wait3A_382 = arith.constant 0 : i32
      %dma_wait3A_383 = tpu.memref_slice %arg6[%dma_wait3A_374, %dma_wait3A_381, %dma_wait3A_382] : memref<8x64x128xf32, #tpu.memory_space<vmem>> -> memref<1x64x128xf32, #tpu.memory_space<vmem>>
      %dma_wait3A_384 = tpu.memref_squeeze %dma_wait3A_383 : memref<1x64x128xf32, #tpu.memory_space<vmem>> -> memref<64x128xf32, #tpu.memory_space<vmem>>
      %dma_wait3A_385 = arith.constant 0 : i32
      %dma_wait3A_386 = tpu.memref_slice %arg2[%dma_wait3A_385, %mul3A_186] : memref<64x100000xf32, #tpu.memory_space<hbm>> -> memref<64x128xf32, #tpu.memory_space<hbm>>
      tpu.wait_dma2 semaphore(%arg8 : memref<!tpu.dma_semaphore, #tpu.memory_space<semaphore_mem>>) src(%dma_wait3A_386 : memref<64x128xf32, #tpu.memory_space<hbm>>) dst(%dma_wait3A_384 : memref<64x128xf32, #tpu.memory_space<vmem>>)
      %dma_wait3A_387 = arith.constant 5 : i32
      %dma_wait3A_388 = arith.constant 0 : i32
      %dma_wait3A_389 = arith.constant 0 : i32
      %dma_wait3A_390 = tpu.memref_slice %arg6[%dma_wait3A_387, %dma_wait3A_388, %dma_wait3A_389] : memref<8x64x128xf32, #tpu.memory_space<vmem>> -> memref<1x64x128xf32, #tpu.memory_space<vmem>>
      %dma_wait3A_391 = tpu.memref_squeeze %dma_wait3A_390 : memref<1x64x128xf32, #tpu.memory_space<vmem>> -> memref<64x128xf32, #tpu.memory_space<vmem>>
      %dma_wait3A_392 = arith.constant 0 : i32
      %dma_wait3A_393 = tpu.memref_slice %arg2[%dma_wait3A_392, %mul3A_227] : memref<64x100000xf32, #tpu.memory_space<hbm>> -> memref<64x128xf32, #tpu.memory_space<hbm>>
      %dma_wait3A_394 = arith.constant 0 : i32
      %dma_wait3A_395 = arith.constant 0 : i32
      %dma_wait3A_396 = tpu.memref_slice %arg6[%dma_wait3A_387, %dma_wait3A_394, %dma_wait3A_395] : memref<8x64x128xf32, #tpu.memory_space<vmem>> -> memref<1x64x128xf32, #tpu.memory_space<vmem>>
      %dma_wait3A_397 = tpu.memref_squeeze %dma_wait3A_396 : memref<1x64x128xf32, #tpu.memory_space<vmem>> -> memref<64x128xf32, #tpu.memory_space<vmem>>
      %dma_wait3A_398 = arith.constant 0 : i32
      %dma_wait3A_399 = tpu.memref_slice %arg2[%dma_wait3A_398, %mul3A_227] : memref<64x100000xf32, #tpu.memory_space<hbm>> -> memref<64x128xf32, #tpu.memory_space<hbm>>
      tpu.wait_dma2 semaphore(%arg8 : memref<!tpu.dma_semaphore, #tpu.memory_space<semaphore_mem>>) src(%dma_wait3A_399 : memref<64x128xf32, #tpu.memory_space<hbm>>) dst(%dma_wait3A_397 : memref<64x128xf32, #tpu.memory_space<vmem>>)
      %dma_wait3A_400 = arith.constant 6 : i32
      %dma_wait3A_401 = arith.constant 0 : i32
      %dma_wait3A_402 = arith.constant 0 : i32
      %dma_wait3A_403 = tpu.memref_slice %arg6[%dma_wait3A_400, %dma_wait3A_401, %dma_wait3A_402] : memref<8x64x128xf32, #tpu.memory_space<vmem>> -> memref<1x64x128xf32, #tpu.memory_space<vmem>>
      %dma_wait3A_404 = tpu.memref_squeeze %dma_wait3A_403 : memref<1x64x128xf32, #tpu.memory_space<vmem>> -> memref<64x128xf32, #tpu.memory_space<vmem>>
      %dma_wait3A_405 = arith.constant 0 : i32
      %dma_wait3A_406 = tpu.memref_slice %arg2[%dma_wait3A_405, %mul3A_268] : memref<64x100000xf32, #tpu.memory_space<hbm>> -> memref<64x128xf32, #tpu.memory_space<hbm>>
      %dma_wait3A_407 = arith.constant 0 : i32
      %dma_wait3A_408 = arith.constant 0 : i32
      %dma_wait3A_409 = tpu.memref_slice %arg6[%dma_wait3A_400, %dma_wait3A_407, %dma_wait3A_408] : memref<8x64x128xf32, #tpu.memory_space<vmem>> -> memref<1x64x128xf32, #tpu.memory_space<vmem>>
      %dma_wait3A_410 = tpu.memref_squeeze %dma_wait3A_409 : memref<1x64x128xf32, #tpu.memory_space<vmem>> -> memref<64x128xf32, #tpu.memory_space<vmem>>
      %dma_wait3A_411 = arith.constant 0 : i32
      %dma_wait3A_412 = tpu.memref_slice %arg2[%dma_wait3A_411, %mul3A_268] : memref<64x100000xf32, #tpu.memory_space<hbm>> -> memref<64x128xf32, #tpu.memory_space<hbm>>
      tpu.wait_dma2 semaphore(%arg8 : memref<!tpu.dma_semaphore, #tpu.memory_space<semaphore_mem>>) src(%dma_wait3A_412 : memref<64x128xf32, #tpu.memory_space<hbm>>) dst(%dma_wait3A_410 : memref<64x128xf32, #tpu.memory_space<vmem>>)
      %dma_wait3A_413 = arith.constant 7 : i32
      %dma_wait3A_414 = arith.constant 0 : i32
      %dma_wait3A_415 = arith.constant 0 : i32
      %dma_wait3A_416 = tpu.memref_slice %arg6[%dma_wait3A_413, %dma_wait3A_414, %dma_wait3A_415] : memref<8x64x128xf32, #tpu.memory_space<vmem>> -> memref<1x64x128xf32, #tpu.memory_space<vmem>>
      %dma_wait3A_417 = tpu.memref_squeeze %dma_wait3A_416 : memref<1x64x128xf32, #tpu.memory_space<vmem>> -> memref<64x128xf32, #tpu.memory_space<vmem>>
      %dma_wait3A_418 = arith.constant 0 : i32
      %dma_wait3A_419 = tpu.memref_slice %arg2[%dma_wait3A_418, %mul3A_309] : memref<64x100000xf32, #tpu.memory_space<hbm>> -> memref<64x128xf32, #tpu.memory_space<hbm>>
      %dma_wait3A_420 = arith.constant 0 : i32
      %dma_wait3A_421 = arith.constant 0 : i32
      %dma_wait3A_422 = tpu.memref_slice %arg6[%dma_wait3A_413, %dma_wait3A_420, %dma_wait3A_421] : memref<8x64x128xf32, #tpu.memory_space<vmem>> -> memref<1x64x128xf32, #tpu.memory_space<vmem>>
      %dma_wait3A_423 = tpu.memref_squeeze %dma_wait3A_422 : memref<1x64x128xf32, #tpu.memory_space<vmem>> -> memref<64x128xf32, #tpu.memory_space<vmem>>
      %dma_wait3A_424 = arith.constant 0 : i32
      %dma_wait3A_425 = tpu.memref_slice %arg2[%dma_wait3A_424, %mul3A_309] : memref<64x100000xf32, #tpu.memory_space<hbm>> -> memref<64x128xf32, #tpu.memory_space<hbm>>
      tpu.wait_dma2 semaphore(%arg8 : memref<!tpu.dma_semaphore, #tpu.memory_space<semaphore_mem>>) src(%dma_wait3A_425 : memref<64x128xf32, #tpu.memory_space<hbm>>) dst(%dma_wait3A_423 : memref<64x128xf32, #tpu.memory_space<vmem>>)
      %slice3A_426 = vector.extract_strided_slice %get3A_5 {offsets = [0], sizes = [1], strides = [1]} : vector<16xi32> to vector<1xi32>
      %squeeze3A_427 = vector.extract %slice3A_426[0] : i32 from vector<1xi32>
      %jit3A_428 = arith.constant 128 : i32
      %eq3A = arith.constant 0 : i32
      %eq3A_429 = arith.cmpi eq, %jit3A_428, %eq3A : i32
      %jit3A_430 = arith.constant 1 : i32
      %select_n3A_431 = arith.select %eq3A_429, %jit3A_430, %jit3A_428 : i32
      %rem3A_432 = arith.remsi %squeeze3A_427, %select_n3A_431 : i32
      %ne3A_433 = arith.constant 0 : i32
      %ne3A_434 = arith.cmpi ne, %rem3A_432, %ne3A_433 : i32
      %lt3A_435 = arith.constant 0 : i32
      %lt3A_436 = arith.cmpi slt, %rem3A_432, %lt3A_435 : i32
      %lt3A_437 = arith.constant 0 : i32
      %lt3A_438 = arith.cmpi slt, %select_n3A_431, %lt3A_437 : i32
      %ne3A_439 = arith.xori %lt3A_436, %lt3A_438 : i1
      %and3A_440 = arith.andi %ne3A_439, %ne3A_434 : i1
      %add3A_441 = arith.addi %rem3A_432, %select_n3A_431 : i32
      %select_n3A_442 = arith.select %and3A_440, %add3A_441, %rem3A_432 : i32
      %broadcast_in_dim3A = vector.broadcast %select_n3A_442 : i32 to vector<16xi32>
      %broadcast_in_dim3A_443 = arith.constant 0 : i32
      %broadcast_in_dim3A_444 = vector.broadcast %broadcast_in_dim3A_443 : i32 to vector<16xi32>
      %iota3A = tpu.iota {dimensions = array<i32: 0>} : vector<16xi32>
      %add3A_445 = arith.constant 0 : i32
      %add3A_446 = vector.broadcast %add3A_445 : i32 to vector<16xi32>
      %add3A_447 = arith.addi %iota3A, %add3A_446 : vector<16xi32>
      %gather3A = tpu.vector_load_idx %arg6[%broadcast_in_dim3A_444, %add3A_447, %broadcast_in_dim3A] : memref<8x64x128xf32, #tpu.memory_space<vmem>>[vector<16xi32>, vector<16xi32>, vector<16xi32>], vector<16xf32>,
      %swap3A = arith.constant 0 : index
      %swap3A_448 = tpu.vector_load %arg7[%swap3A] {strides = array<i32>} : memref<512xf32, #tpu.memory_space<vmem>>, vector<16xf32>,
      tpu.vector_store %arg7[%swap3A], %gather3A {strides = array<i32>} : memref<512xf32, #tpu.memory_space<vmem>>, vector<16xf32>,
      %iota3A_449 = tpu.iota {dimensions = array<i32: 0>} : vector<16xi32>
      %add3A_450 = arith.constant 16 : i32
      %add3A_451 = vector.broadcast %add3A_450 : i32 to vector<16xi32>
      %add3A_452 = arith.addi %iota3A_449, %add3A_451 : vector<16xi32>
      %gather3A_453 = tpu.vector_load_idx %arg6[%broadcast_in_dim3A_444, %add3A_452, %broadcast_in_dim3A] : memref<8x64x128xf32, #tpu.memory_space<vmem>>[vector<16xi32>, vector<16xi32>, vector<16xi32>], vector<16xf32>,
      %swap3A_454 = arith.constant 16 : index
      %swap3A_455 = tpu.vector_load %arg7[%swap3A_454] {strides = array<i32>} : memref<512xf32, #tpu.memory_space<vmem>>, vector<16xf32>,
      tpu.vector_store %arg7[%swap3A_454], %gather3A_453 {strides = array<i32>} : memref<512xf32, #tpu.memory_space<vmem>>, vector<16xf32>,
      %iota3A_456 = tpu.iota {dimensions = array<i32: 0>} : vector<16xi32>
      %add3A_457 = arith.constant 32 : i32
      %add3A_458 = vector.broadcast %add3A_457 : i32 to vector<16xi32>
      %add3A_459 = arith.addi %iota3A_456, %add3A_458 : vector<16xi32>
      %gather3A_460 = tpu.vector_load_idx %arg6[%broadcast_in_dim3A_444, %add3A_459, %broadcast_in_dim3A] : memref<8x64x128xf32, #tpu.memory_space<vmem>>[vector<16xi32>, vector<16xi32>, vector<16xi32>], vector<16xf32>,
      %swap3A_461 = arith.constant 32 : index
      %swap3A_462 = tpu.vector_load %arg7[%swap3A_461] {strides = array<i32>} : memref<512xf32, #tpu.memory_space<vmem>>, vector<16xf32>,
      tpu.vector_store %arg7[%swap3A_461], %gather3A_460 {strides = array<i32>} : memref<512xf32, #tpu.memory_space<vmem>>, vector<16xf32>,
      %iota3A_463 = tpu.iota {dimensions = array<i32: 0>} : vector<16xi32>
      %add3A_464 = arith.constant 48 : i32
      %add3A_465 = vector.broadcast %add3A_464 : i32 to vector<16xi32>
      %add3A_466 = arith.addi %iota3A_463, %add3A_465 : vector<16xi32>
      %gather3A_467 = tpu.vector_load_idx %arg6[%broadcast_in_dim3A_444, %add3A_466, %broadcast_in_dim3A] : memref<8x64x128xf32, #tpu.memory_space<vmem>>[vector<16xi32>, vector<16xi32>, vector<16xi32>], vector<16xf32>,
      %swap3A_468 = arith.constant 48 : index
      %swap3A_469 = tpu.vector_load %arg7[%swap3A_468] {strides = array<i32>} : memref<512xf32, #tpu.memory_space<vmem>>, vector<16xf32>,
      tpu.vector_store %arg7[%swap3A_468], %gather3A_467 {strides = array<i32>} : memref<512xf32, #tpu.memory_space<vmem>>, vector<16xf32>,
      %slice3A_470 = vector.extract_strided_slice %get3A_5 {offsets = [1], sizes = [1], strides = [1]} : vector<16xi32> to vector<1xi32>
      %squeeze3A_471 = vector.extract %slice3A_470[0] : i32 from vector<1xi32>
      %jit3A_472 = arith.constant 128 : i32
      %eq3A_473 = arith.constant 0 : i32
      %eq3A_474 = arith.cmpi eq, %jit3A_472, %eq3A_473 : i32
      %jit3A_475 = arith.constant 1 : i32
      %select_n3A_476 = arith.select %eq3A_474, %jit3A_475, %jit3A_472 : i32
      %rem3A_477 = arith.remsi %squeeze3A_471, %select_n3A_476 : i32
      %ne3A_478 = arith.constant 0 : i32
      %ne3A_479 = arith.cmpi ne, %rem3A_477, %ne3A_478 : i32
      %lt3A_480 = arith.constant 0 : i32
      %lt3A_481 = arith.cmpi slt, %rem3A_477, %lt3A_480 : i32
      %lt3A_482 = arith.constant 0 : i32
      %lt3A_483 = arith.cmpi slt, %select_n3A_476, %lt3A_482 : i32
      %ne3A_484 = arith.xori %lt3A_481, %lt3A_483 : i1
      %and3A_485 = arith.andi %ne3A_484, %ne3A_479 : i1
      %add3A_486 = arith.addi %rem3A_477, %select_n3A_476 : i32
      %select_n3A_487 = arith.select %and3A_485, %add3A_486, %rem3A_477 : i32
      %broadcast_in_dim3A_488 = vector.broadcast %select_n3A_487 : i32 to vector<16xi32>
      %broadcast_in_dim3A_489 = arith.constant 1 : i32
      %broadcast_in_dim3A_490 = vector.broadcast %broadcast_in_dim3A_489 : i32 to vector<16xi32>
      %iota3A_491 = tpu.iota {dimensions = array<i32: 0>} : vector<16xi32>
      %add3A_492 = arith.constant 0 : i32
      %add3A_493 = vector.broadcast %add3A_492 : i32 to vector<16xi32>
      %add3A_494 = arith.addi %iota3A_491, %add3A_493 : vector<16xi32>
      %gather3A_495 = tpu.vector_load_idx %arg6[%broadcast_in_dim3A_490, %add3A_494, %broadcast_in_dim3A_488] : memref<8x64x128xf32, #tpu.memory_space<vmem>>[vector<16xi32>, vector<16xi32>, vector<16xi32>], vector<16xf32>,
      %swap3A_496 = arith.constant 64 : index
      %swap3A_497 = tpu.vector_load %arg7[%swap3A_496] {strides = array<i32>} : memref<512xf32, #tpu.memory_space<vmem>>, vector<16xf32>,
      tpu.vector_store %arg7[%swap3A_496], %gather3A_495 {strides = array<i32>} : memref<512xf32, #tpu.memory_space<vmem>>, vector<16xf32>,
      %iota3A_498 = tpu.iota {dimensions = array<i32: 0>} : vector<16xi32>
      %add3A_499 = arith.constant 16 : i32
      %add3A_500 = vector.broadcast %add3A_499 : i32 to vector<16xi32>
      %add3A_501 = arith.addi %iota3A_498, %add3A_500 : vector<16xi32>
      %gather3A_502 = tpu.vector_load_idx %arg6[%broadcast_in_dim3A_490, %add3A_501, %broadcast_in_dim3A_488] : memref<8x64x128xf32, #tpu.memory_space<vmem>>[vector<16xi32>, vector<16xi32>, vector<16xi32>], vector<16xf32>,
      %swap3A_503 = arith.constant 80 : index
      %swap3A_504 = tpu.vector_load %arg7[%swap3A_503] {strides = array<i32>} : memref<512xf32, #tpu.memory_space<vmem>>, vector<16xf32>,
      tpu.vector_store %arg7[%swap3A_503], %gather3A_502 {strides = array<i32>} : memref<512xf32, #tpu.memory_space<vmem>>, vector<16xf32>,
      %iota3A_505 = tpu.iota {dimensions = array<i32: 0>} : vector<16xi32>
      %add3A_506 = arith.constant 32 : i32
      %add3A_507 = vector.broadcast %add3A_506 : i32 to vector<16xi32>
      %add3A_508 = arith.addi %iota3A_505, %add3A_507 : vector<16xi32>
      %gather3A_509 = tpu.vector_load_idx %arg6[%broadcast_in_dim3A_490, %add3A_508, %broadcast_in_dim3A_488] : memref<8x64x128xf32, #tpu.memory_space<vmem>>[vector<16xi32>, vector<16xi32>, vector<16xi32>], vector<16xf32>,
      %swap3A_510 = arith.constant 96 : index
      %swap3A_511 = tpu.vector_load %arg7[%swap3A_510] {strides = array<i32>} : memref<512xf32, #tpu.memory_space<vmem>>, vector<16xf32>,
      tpu.vector_store %arg7[%swap3A_510], %gather3A_509 {strides = array<i32>} : memref<512xf32, #tpu.memory_space<vmem>>, vector<16xf32>,
      %iota3A_512 = tpu.iota {dimensions = array<i32: 0>} : vector<16xi32>
      %add3A_513 = arith.constant 48 : i32
      %add3A_514 = vector.broadcast %add3A_513 : i32 to vector<16xi32>
      %add3A_515 = arith.addi %iota3A_512, %add3A_514 : vector<16xi32>
      %gather3A_516 = tpu.vector_load_idx %arg6[%broadcast_in_dim3A_490, %add3A_515, %broadcast_in_dim3A_488] : memref<8x64x128xf32, #tpu.memory_space<vmem>>[vector<16xi32>, vector<16xi32>, vector<16xi32>], vector<16xf32>,
      %swap3A_517 = arith.constant 112 : index
      %swap3A_518 = tpu.vector_load %arg7[%swap3A_517] {strides = array<i32>} : memref<512xf32, #tpu.memory_space<vmem>>, vector<16xf32>,
      tpu.vector_store %arg7[%swap3A_517], %gather3A_516 {strides = array<i32>} : memref<512xf32, #tpu.memory_space<vmem>>, vector<16xf32>,
      %slice3A_519 = vector.extract_strided_slice %get3A_5 {offsets = [2], sizes = [1], strides = [1]} : vector<16xi32> to vector<1xi32>
      %squeeze3A_520 = vector.extract %slice3A_519[0] : i32 from vector<1xi32>
      %jit3A_521 = arith.constant 128 : i32
      %eq3A_522 = arith.constant 0 : i32
      %eq3A_523 = arith.cmpi eq, %jit3A_521, %eq3A_522 : i32
      %jit3A_524 = arith.constant 1 : i32
      %select_n3A_525 = arith.select %eq3A_523, %jit3A_524, %jit3A_521 : i32
      %rem3A_526 = arith.remsi %squeeze3A_520, %select_n3A_525 : i32
      %ne3A_527 = arith.constant 0 : i32
      %ne3A_528 = arith.cmpi ne, %rem3A_526, %ne3A_527 : i32
      %lt3A_529 = arith.constant 0 : i32
      %lt3A_530 = arith.cmpi slt, %rem3A_526, %lt3A_529 : i32
      %lt3A_531 = arith.constant 0 : i32
      %lt3A_532 = arith.cmpi slt, %select_n3A_525, %lt3A_531 : i32
      %ne3A_533 = arith.xori %lt3A_530, %lt3A_532 : i1
      %and3A_534 = arith.andi %ne3A_533, %ne3A_528 : i1
      %add3A_535 = arith.addi %rem3A_526, %select_n3A_525 : i32
      %select_n3A_536 = arith.select %and3A_534, %add3A_535, %rem3A_526 : i32
      %broadcast_in_dim3A_537 = vector.broadcast %select_n3A_536 : i32 to vector<16xi32>
      %broadcast_in_dim3A_538 = arith.constant 2 : i32
      %broadcast_in_dim3A_539 = vector.broadcast %broadcast_in_dim3A_538 : i32 to vector<16xi32>
      %iota3A_540 = tpu.iota {dimensions = array<i32: 0>} : vector<16xi32>
      %add3A_541 = arith.constant 0 : i32
      %add3A_542 = vector.broadcast %add3A_541 : i32 to vector<16xi32>
      %add3A_543 = arith.addi %iota3A_540, %add3A_542 : vector<16xi32>
      %gather3A_544 = tpu.vector_load_idx %arg6[%broadcast_in_dim3A_539, %add3A_543, %broadcast_in_dim3A_537] : memref<8x64x128xf32, #tpu.memory_space<vmem>>[vector<16xi32>, vector<16xi32>, vector<16xi32>], vector<16xf32>,
      %swap3A_545 = arith.constant 128 : index
      %swap3A_546 = tpu.vector_load %arg7[%swap3A_545] {strides = array<i32>} : memref<512xf32, #tpu.memory_space<vmem>>, vector<16xf32>,
      tpu.vector_store %arg7[%swap3A_545], %gather3A_544 {strides = array<i32>} : memref<512xf32, #tpu.memory_space<vmem>>, vector<16xf32>,
      %iota3A_547 = tpu.iota {dimensions = array<i32: 0>} : vector<16xi32>
      %add3A_548 = arith.constant 16 : i32
      %add3A_549 = vector.broadcast %add3A_548 : i32 to vector<16xi32>
      %add3A_550 = arith.addi %iota3A_547, %add3A_549 : vector<16xi32>
      %gather3A_551 = tpu.vector_load_idx %arg6[%broadcast_in_dim3A_539, %add3A_550, %broadcast_in_dim3A_537] : memref<8x64x128xf32, #tpu.memory_space<vmem>>[vector<16xi32>, vector<16xi32>, vector<16xi32>], vector<16xf32>,
      %swap3A_552 = arith.constant 144 : index
      %swap3A_553 = tpu.vector_load %arg7[%swap3A_552] {strides = array<i32>} : memref<512xf32, #tpu.memory_space<vmem>>, vector<16xf32>,
      tpu.vector_store %arg7[%swap3A_552], %gather3A_551 {strides = array<i32>} : memref<512xf32, #tpu.memory_space<vmem>>, vector<16xf32>,
      %iota3A_554 = tpu.iota {dimensions = array<i32: 0>} : vector<16xi32>
      %add3A_555 = arith.constant 32 : i32
      %add3A_556 = vector.broadcast %add3A_555 : i32 to vector<16xi32>
      %add3A_557 = arith.addi %iota3A_554, %add3A_556 : vector<16xi32>
      %gather3A_558 = tpu.vector_load_idx %arg6[%broadcast_in_dim3A_539, %add3A_557, %broadcast_in_dim3A_537] : memref<8x64x128xf32, #tpu.memory_space<vmem>>[vector<16xi32>, vector<16xi32>, vector<16xi32>], vector<16xf32>,
      %swap3A_559 = arith.constant 160 : index
      %swap3A_560 = tpu.vector_load %arg7[%swap3A_559] {strides = array<i32>} : memref<512xf32, #tpu.memory_space<vmem>>, vector<16xf32>,
      tpu.vector_store %arg7[%swap3A_559], %gather3A_558 {strides = array<i32>} : memref<512xf32, #tpu.memory_space<vmem>>, vector<16xf32>,
      %iota3A_561 = tpu.iota {dimensions = array<i32: 0>} : vector<16xi32>
      %add3A_562 = arith.constant 48 : i32
      %add3A_563 = vector.broadcast %add3A_562 : i32 to vector<16xi32>
      %add3A_564 = arith.addi %iota3A_561, %add3A_563 : vector<16xi32>
      %gather3A_565 = tpu.vector_load_idx %arg6[%broadcast_in_dim3A_539, %add3A_564, %broadcast_in_dim3A_537] : memref<8x64x128xf32, #tpu.memory_space<vmem>>[vector<16xi32>, vector<16xi32>, vector<16xi32>], vector<16xf32>,
      %swap3A_566 = arith.constant 176 : index
      %swap3A_567 = tpu.vector_load %arg7[%swap3A_566] {strides = array<i32>} : memref<512xf32, #tpu.memory_space<vmem>>, vector<16xf32>,
      tpu.vector_store %arg7[%swap3A_566], %gather3A_565 {strides = array<i32>} : memref<512xf32, #tpu.memory_space<vmem>>, vector<16xf32>,
      %slice3A_568 = vector.extract_strided_slice %get3A_5 {offsets = [3], sizes = [1], strides = [1]} : vector<16xi32> to vector<1xi32>
      %squeeze3A_569 = vector.extract %slice3A_568[0] : i32 from vector<1xi32>
      %jit3A_570 = arith.constant 128 : i32
      %eq3A_571 = arith.constant 0 : i32
      %eq3A_572 = arith.cmpi eq, %jit3A_570, %eq3A_571 : i32
      %jit3A_573 = arith.constant 1 : i32
      %select_n3A_574 = arith.select %eq3A_572, %jit3A_573, %jit3A_570 : i32
      %rem3A_575 = arith.remsi %squeeze3A_569, %select_n3A_574 : i32
      %ne3A_576 = arith.constant 0 : i32
      %ne3A_577 = arith.cmpi ne, %rem3A_575, %ne3A_576 : i32
      %lt3A_578 = arith.constant 0 : i32
      %lt3A_579 = arith.cmpi slt, %rem3A_575, %lt3A_578 : i32
      %lt3A_580 = arith.constant 0 : i32
      %lt3A_581 = arith.cmpi slt, %select_n3A_574, %lt3A_580 : i32
      %ne3A_582 = arith.xori %lt3A_579, %lt3A_581 : i1
      %and3A_583 = arith.andi %ne3A_582, %ne3A_577 : i1
      %add3A_584 = arith.addi %rem3A_575, %select_n3A_574 : i32
      %select_n3A_585 = arith.select %and3A_583, %add3A_584, %rem3A_575 : i32
      %broadcast_in_dim3A_586 = vector.broadcast %select_n3A_585 : i32 to vector<16xi32>
      %broadcast_in_dim3A_587 = arith.constant 3 : i32
      %broadcast_in_dim3A_588 = vector.broadcast %broadcast_in_dim3A_587 : i32 to vector<16xi32>
      %iota3A_589 = tpu.iota {dimensions = array<i32: 0>} : vector<16xi32>
      %add3A_590 = arith.constant 0 : i32
      %add3A_591 = vector.broadcast %add3A_590 : i32 to vector<16xi32>
      %add3A_592 = arith.addi %iota3A_589, %add3A_591 : vector<16xi32>
      %gather3A_593 = tpu.vector_load_idx %arg6[%broadcast_in_dim3A_588, %add3A_592, %broadcast_in_dim3A_586] : memref<8x64x128xf32, #tpu.memory_space<vmem>>[vector<16xi32>, vector<16xi32>, vector<16xi32>], vector<16xf32>,
      %swap3A_594 = arith.constant 192 : index
      %swap3A_595 = tpu.vector_load %arg7[%swap3A_594] {strides = array<i32>} : memref<512xf32, #tpu.memory_space<vmem>>, vector<16xf32>,
      tpu.vector_store %arg7[%swap3A_594], %gather3A_593 {strides = array<i32>} : memref<512xf32, #tpu.memory_space<vmem>>, vector<16xf32>,
      %iota3A_596 = tpu.iota {dimensions = array<i32: 0>} : vector<16xi32>
      %add3A_597 = arith.constant 16 : i32
      %add3A_598 = vector.broadcast %add3A_597 : i32 to vector<16xi32>
      %add3A_599 = arith.addi %iota3A_596, %add3A_598 : vector<16xi32>
      %gather3A_600 = tpu.vector_load_idx %arg6[%broadcast_in_dim3A_588, %add3A_599, %broadcast_in_dim3A_586] : memref<8x64x128xf32, #tpu.memory_space<vmem>>[vector<16xi32>, vector<16xi32>, vector<16xi32>], vector<16xf32>,
      %swap3A_601 = arith.constant 208 : index
      %swap3A_602 = tpu.vector_load %arg7[%swap3A_601] {strides = array<i32>} : memref<512xf32, #tpu.memory_space<vmem>>, vector<16xf32>,
      tpu.vector_store %arg7[%swap3A_601], %gather3A_600 {strides = array<i32>} : memref<512xf32, #tpu.memory_space<vmem>>, vector<16xf32>,
      %iota3A_603 = tpu.iota {dimensions = array<i32: 0>} : vector<16xi32>
      %add3A_604 = arith.constant 32 : i32
      %add3A_605 = vector.broadcast %add3A_604 : i32 to vector<16xi32>
      %add3A_606 = arith.addi %iota3A_603, %add3A_605 : vector<16xi32>
      %gather3A_607 = tpu.vector_load_idx %arg6[%broadcast_in_dim3A_588, %add3A_606, %broadcast_in_dim3A_586] : memref<8x64x128xf32, #tpu.memory_space<vmem>>[vector<16xi32>, vector<16xi32>, vector<16xi32>], vector<16xf32>,
      %swap3A_608 = arith.constant 224 : index
      %swap3A_609 = tpu.vector_load %arg7[%swap3A_608] {strides = array<i32>} : memref<512xf32, #tpu.memory_space<vmem>>, vector<16xf32>,
      tpu.vector_store %arg7[%swap3A_608], %gather3A_607 {strides = array<i32>} : memref<512xf32, #tpu.memory_space<vmem>>, vector<16xf32>,
      %iota3A_610 = tpu.iota {dimensions = array<i32: 0>} : vector<16xi32>
      %add3A_611 = arith.constant 48 : i32
      %add3A_612 = vector.broadcast %add3A_611 : i32 to vector<16xi32>
      %add3A_613 = arith.addi %iota3A_610, %add3A_612 : vector<16xi32>
      %gather3A_614 = tpu.vector_load_idx %arg6[%broadcast_in_dim3A_588, %add3A_613, %broadcast_in_dim3A_586] : memref<8x64x128xf32, #tpu.memory_space<vmem>>[vector<16xi32>, vector<16xi32>, vector<16xi32>], vector<16xf32>,
      %swap3A_615 = arith.constant 240 : index
      %swap3A_616 = tpu.vector_load %arg7[%swap3A_615] {strides = array<i32>} : memref<512xf32, #tpu.memory_space<vmem>>, vector<16xf32>,
      tpu.vector_store %arg7[%swap3A_615], %gather3A_614 {strides = array<i32>} : memref<512xf32, #tpu.memory_space<vmem>>, vector<16xf32>,
      %slice3A_617 = vector.extract_strided_slice %get3A_5 {offsets = [4], sizes = [1], strides = [1]} : vector<16xi32> to vector<1xi32>
      %squeeze3A_618 = vector.extract %slice3A_617[0] : i32 from vector<1xi32>
      %jit3A_619 = arith.constant 128 : i32
      %eq3A_620 = arith.constant 0 : i32
      %eq3A_621 = arith.cmpi eq, %jit3A_619, %eq3A_620 : i32
      %jit3A_622 = arith.constant 1 : i32
      %select_n3A_623 = arith.select %eq3A_621, %jit3A_622, %jit3A_619 : i32
      %rem3A_624 = arith.remsi %squeeze3A_618, %select_n3A_623 : i32
      %ne3A_625 = arith.constant 0 : i32
      %ne3A_626 = arith.cmpi ne, %rem3A_624, %ne3A_625 : i32
      %lt3A_627 = arith.constant 0 : i32
      %lt3A_628 = arith.cmpi slt, %rem3A_624, %lt3A_627 : i32
      %lt3A_629 = arith.constant 0 : i32
      %lt3A_630 = arith.cmpi slt, %select_n3A_623, %lt3A_629 : i32
      %ne3A_631 = arith.xori %lt3A_628, %lt3A_630 : i1
      %and3A_632 = arith.andi %ne3A_631, %ne3A_626 : i1
      %add3A_633 = arith.addi %rem3A_624, %select_n3A_623 : i32
      %select_n3A_634 = arith.select %and3A_632, %add3A_633, %rem3A_624 : i32
      %broadcast_in_dim3A_635 = vector.broadcast %select_n3A_634 : i32 to vector<16xi32>
      %broadcast_in_dim3A_636 = arith.constant 4 : i32
      %broadcast_in_dim3A_637 = vector.broadcast %broadcast_in_dim3A_636 : i32 to vector<16xi32>
      %iota3A_638 = tpu.iota {dimensions = array<i32: 0>} : vector<16xi32>
      %add3A_639 = arith.constant 0 : i32
      %add3A_640 = vector.broadcast %add3A_639 : i32 to vector<16xi32>
      %add3A_641 = arith.addi %iota3A_638, %add3A_640 : vector<16xi32>
      %gather3A_642 = tpu.vector_load_idx %arg6[%broadcast_in_dim3A_637, %add3A_641, %broadcast_in_dim3A_635] : memref<8x64x128xf32, #tpu.memory_space<vmem>>[vector<16xi32>, vector<16xi32>, vector<16xi32>], vector<16xf32>,
      %swap3A_643 = arith.constant 256 : index
      %swap3A_644 = tpu.vector_load %arg7[%swap3A_643] {strides = array<i32>} : memref<512xf32, #tpu.memory_space<vmem>>, vector<16xf32>,
      tpu.vector_store %arg7[%swap3A_643], %gather3A_642 {strides = array<i32>} : memref<512xf32, #tpu.memory_space<vmem>>, vector<16xf32>,
      %iota3A_645 = tpu.iota {dimensions = array<i32: 0>} : vector<16xi32>
      %add3A_646 = arith.constant 16 : i32
      %add3A_647 = vector.broadcast %add3A_646 : i32 to vector<16xi32>
      %add3A_648 = arith.addi %iota3A_645, %add3A_647 : vector<16xi32>
      %gather3A_649 = tpu.vector_load_idx %arg6[%broadcast_in_dim3A_637, %add3A_648, %broadcast_in_dim3A_635] : memref<8x64x128xf32, #tpu.memory_space<vmem>>[vector<16xi32>, vector<16xi32>, vector<16xi32>], vector<16xf32>,
      %swap3A_650 = arith.constant 272 : index
      %swap3A_651 = tpu.vector_load %arg7[%swap3A_650] {strides = array<i32>} : memref<512xf32, #tpu.memory_space<vmem>>, vector<16xf32>,
      tpu.vector_store %arg7[%swap3A_650], %gather3A_649 {strides = array<i32>} : memref<512xf32, #tpu.memory_space<vmem>>, vector<16xf32>,
      %iota3A_652 = tpu.iota {dimensions = array<i32: 0>} : vector<16xi32>
      %add3A_653 = arith.constant 32 : i32
      %add3A_654 = vector.broadcast %add3A_653 : i32 to vector<16xi32>
      %add3A_655 = arith.addi %iota3A_652, %add3A_654 : vector<16xi32>
      %gather3A_656 = tpu.vector_load_idx %arg6[%broadcast_in_dim3A_637, %add3A_655, %broadcast_in_dim3A_635] : memref<8x64x128xf32, #tpu.memory_space<vmem>>[vector<16xi32>, vector<16xi32>, vector<16xi32>], vector<16xf32>,
      %swap3A_657 = arith.constant 288 : index
      %swap3A_658 = tpu.vector_load %arg7[%swap3A_657] {strides = array<i32>} : memref<512xf32, #tpu.memory_space<vmem>>, vector<16xf32>,
      tpu.vector_store %arg7[%swap3A_657], %gather3A_656 {strides = array<i32>} : memref<512xf32, #tpu.memory_space<vmem>>, vector<16xf32>,
      %iota3A_659 = tpu.iota {dimensions = array<i32: 0>} : vector<16xi32>
      %add3A_660 = arith.constant 48 : i32
      %add3A_661 = vector.broadcast %add3A_660 : i32 to vector<16xi32>
      %add3A_662 = arith.addi %iota3A_659, %add3A_661 : vector<16xi32>
      %gather3A_663 = tpu.vector_load_idx %arg6[%broadcast_in_dim3A_637, %add3A_662, %broadcast_in_dim3A_635] : memref<8x64x128xf32, #tpu.memory_space<vmem>>[vector<16xi32>, vector<16xi32>, vector<16xi32>], vector<16xf32>,
      %swap3A_664 = arith.constant 304 : index
      %swap3A_665 = tpu.vector_load %arg7[%swap3A_664] {strides = array<i32>} : memref<512xf32, #tpu.memory_space<vmem>>, vector<16xf32>,
      tpu.vector_store %arg7[%swap3A_664], %gather3A_663 {strides = array<i32>} : memref<512xf32, #tpu.memory_space<vmem>>, vector<16xf32>,
      %slice3A_666 = vector.extract_strided_slice %get3A_5 {offsets = [5], sizes = [1], strides = [1]} : vector<16xi32> to vector<1xi32>
      %squeeze3A_667 = vector.extract %slice3A_666[0] : i32 from vector<1xi32>
      %jit3A_668 = arith.constant 128 : i32
      %eq3A_669 = arith.constant 0 : i32
      %eq3A_670 = arith.cmpi eq, %jit3A_668, %eq3A_669 : i32
      %jit3A_671 = arith.constant 1 : i32
      %select_n3A_672 = arith.select %eq3A_670, %jit3A_671, %jit3A_668 : i32
      %rem3A_673 = arith.remsi %squeeze3A_667, %select_n3A_672 : i32
      %ne3A_674 = arith.constant 0 : i32
      %ne3A_675 = arith.cmpi ne, %rem3A_673, %ne3A_674 : i32
      %lt3A_676 = arith.constant 0 : i32
      %lt3A_677 = arith.cmpi slt, %rem3A_673, %lt3A_676 : i32
      %lt3A_678 = arith.constant 0 : i32
      %lt3A_679 = arith.cmpi slt, %select_n3A_672, %lt3A_678 : i32
      %ne3A_680 = arith.xori %lt3A_677, %lt3A_679 : i1
      %and3A_681 = arith.andi %ne3A_680, %ne3A_675 : i1
      %add3A_682 = arith.addi %rem3A_673, %select_n3A_672 : i32
      %select_n3A_683 = arith.select %and3A_681, %add3A_682, %rem3A_673 : i32
      %broadcast_in_dim3A_684 = vector.broadcast %select_n3A_683 : i32 to vector<16xi32>
      %broadcast_in_dim3A_685 = arith.constant 5 : i32
      %broadcast_in_dim3A_686 = vector.broadcast %broadcast_in_dim3A_685 : i32 to vector<16xi32>
      %iota3A_687 = tpu.iota {dimensions = array<i32: 0>} : vector<16xi32>
      %add3A_688 = arith.constant 0 : i32
      %add3A_689 = vector.broadcast %add3A_688 : i32 to vector<16xi32>
      %add3A_690 = arith.addi %iota3A_687, %add3A_689 : vector<16xi32>
      %gather3A_691 = tpu.vector_load_idx %arg6[%broadcast_in_dim3A_686, %add3A_690, %broadcast_in_dim3A_684] : memref<8x64x128xf32, #tpu.memory_space<vmem>>[vector<16xi32>, vector<16xi32>, vector<16xi32>], vector<16xf32>,
      %swap3A_692 = arith.constant 320 : index
      %swap3A_693 = tpu.vector_load %arg7[%swap3A_692] {strides = array<i32>} : memref<512xf32, #tpu.memory_space<vmem>>, vector<16xf32>,
      tpu.vector_store %arg7[%swap3A_692], %gather3A_691 {strides = array<i32>} : memref<512xf32, #tpu.memory_space<vmem>>, vector<16xf32>,
      %iota3A_694 = tpu.iota {dimensions = array<i32: 0>} : vector<16xi32>
      %add3A_695 = arith.constant 16 : i32
      %add3A_696 = vector.broadcast %add3A_695 : i32 to vector<16xi32>
      %add3A_697 = arith.addi %iota3A_694, %add3A_696 : vector<16xi32>
      %gather3A_698 = tpu.vector_load_idx %arg6[%broadcast_in_dim3A_686, %add3A_697, %broadcast_in_dim3A_684] : memref<8x64x128xf32, #tpu.memory_space<vmem>>[vector<16xi32>, vector<16xi32>, vector<16xi32>], vector<16xf32>,
      %swap3A_699 = arith.constant 336 : index
      %swap3A_700 = tpu.vector_load %arg7[%swap3A_699] {strides = array<i32>} : memref<512xf32, #tpu.memory_space<vmem>>, vector<16xf32>,
      tpu.vector_store %arg7[%swap3A_699], %gather3A_698 {strides = array<i32>} : memref<512xf32, #tpu.memory_space<vmem>>, vector<16xf32>,
      %iota3A_701 = tpu.iota {dimensions = array<i32: 0>} : vector<16xi32>
      %add3A_702 = arith.constant 32 : i32
      %add3A_703 = vector.broadcast %add3A_702 : i32 to vector<16xi32>
      %add3A_704 = arith.addi %iota3A_701, %add3A_703 : vector<16xi32>
      %gather3A_705 = tpu.vector_load_idx %arg6[%broadcast_in_dim3A_686, %add3A_704, %broadcast_in_dim3A_684] : memref<8x64x128xf32, #tpu.memory_space<vmem>>[vector<16xi32>, vector<16xi32>, vector<16xi32>], vector<16xf32>,
      %swap3A_706 = arith.constant 352 : index
      %swap3A_707 = tpu.vector_load %arg7[%swap3A_706] {strides = array<i32>} : memref<512xf32, #tpu.memory_space<vmem>>, vector<16xf32>,
      tpu.vector_store %arg7[%swap3A_706], %gather3A_705 {strides = array<i32>} : memref<512xf32, #tpu.memory_space<vmem>>, vector<16xf32>,
      %iota3A_708 = tpu.iota {dimensions = array<i32: 0>} : vector<16xi32>
      %add3A_709 = arith.constant 48 : i32
      %add3A_710 = vector.broadcast %add3A_709 : i32 to vector<16xi32>
      %add3A_711 = arith.addi %iota3A_708, %add3A_710 : vector<16xi32>
      %gather3A_712 = tpu.vector_load_idx %arg6[%broadcast_in_dim3A_686, %add3A_711, %broadcast_in_dim3A_684] : memref<8x64x128xf32, #tpu.memory_space<vmem>>[vector<16xi32>, vector<16xi32>, vector<16xi32>], vector<16xf32>,
      %swap3A_713 = arith.constant 368 : index
      %swap3A_714 = tpu.vector_load %arg7[%swap3A_713] {strides = array<i32>} : memref<512xf32, #tpu.memory_space<vmem>>, vector<16xf32>,
      tpu.vector_store %arg7[%swap3A_713], %gather3A_712 {strides = array<i32>} : memref<512xf32, #tpu.memory_space<vmem>>, vector<16xf32>,
      %slice3A_715 = vector.extract_strided_slice %get3A_5 {offsets = [6], sizes = [1], strides = [1]} : vector<16xi32> to vector<1xi32>
      %squeeze3A_716 = vector.extract %slice3A_715[0] : i32 from vector<1xi32>
      %jit3A_717 = arith.constant 128 : i32
      %eq3A_718 = arith.constant 0 : i32
      %eq3A_719 = arith.cmpi eq, %jit3A_717, %eq3A_718 : i32
      %jit3A_720 = arith.constant 1 : i32
      %select_n3A_721 = arith.select %eq3A_719, %jit3A_720, %jit3A_717 : i32
      %rem3A_722 = arith.remsi %squeeze3A_716, %select_n3A_721 : i32
      %ne3A_723 = arith.constant 0 : i32
      %ne3A_724 = arith.cmpi ne, %rem3A_722, %ne3A_723 : i32
      %lt3A_725 = arith.constant 0 : i32
      %lt3A_726 = arith.cmpi slt, %rem3A_722, %lt3A_725 : i32
      %lt3A_727 = arith.constant 0 : i32
      %lt3A_728 = arith.cmpi slt, %select_n3A_721, %lt3A_727 : i32
      %ne3A_729 = arith.xori %lt3A_726, %lt3A_728 : i1
      %and3A_730 = arith.andi %ne3A_729, %ne3A_724 : i1
      %add3A_731 = arith.addi %rem3A_722, %select_n3A_721 : i32
      %select_n3A_732 = arith.select %and3A_730, %add3A_731, %rem3A_722 : i32
      %broadcast_in_dim3A_733 = vector.broadcast %select_n3A_732 : i32 to vector<16xi32>
      %broadcast_in_dim3A_734 = arith.constant 6 : i32
      %broadcast_in_dim3A_735 = vector.broadcast %broadcast_in_dim3A_734 : i32 to vector<16xi32>
      %iota3A_736 = tpu.iota {dimensions = array<i32: 0>} : vector<16xi32>
      %add3A_737 = arith.constant 0 : i32
      %add3A_738 = vector.broadcast %add3A_737 : i32 to vector<16xi32>
      %add3A_739 = arith.addi %iota3A_736, %add3A_738 : vector<16xi32>
      %gather3A_740 = tpu.vector_load_idx %arg6[%broadcast_in_dim3A_735, %add3A_739, %broadcast_in_dim3A_733] : memref<8x64x128xf32, #tpu.memory_space<vmem>>[vector<16xi32>, vector<16xi32>, vector<16xi32>], vector<16xf32>,
      %swap3A_741 = arith.constant 384 : index
      %swap3A_742 = tpu.vector_load %arg7[%swap3A_741] {strides = array<i32>} : memref<512xf32, #tpu.memory_space<vmem>>, vector<16xf32>,
      tpu.vector_store %arg7[%swap3A_741], %gather3A_740 {strides = array<i32>} : memref<512xf32, #tpu.memory_space<vmem>>, vector<16xf32>,
      %iota3A_743 = tpu.iota {dimensions = array<i32: 0>} : vector<16xi32>
      %add3A_744 = arith.constant 16 : i32
      %add3A_745 = vector.broadcast %add3A_744 : i32 to vector<16xi32>
      %add3A_746 = arith.addi %iota3A_743, %add3A_745 : vector<16xi32>
      %gather3A_747 = tpu.vector_load_idx %arg6[%broadcast_in_dim3A_735, %add3A_746, %broadcast_in_dim3A_733] : memref<8x64x128xf32, #tpu.memory_space<vmem>>[vector<16xi32>, vector<16xi32>, vector<16xi32>], vector<16xf32>,
      %swap3A_748 = arith.constant 400 : index
      %swap3A_749 = tpu.vector_load %arg7[%swap3A_748] {strides = array<i32>} : memref<512xf32, #tpu.memory_space<vmem>>, vector<16xf32>,
      tpu.vector_store %arg7[%swap3A_748], %gather3A_747 {strides = array<i32>} : memref<512xf32, #tpu.memory_space<vmem>>, vector<16xf32>,
      %iota3A_750 = tpu.iota {dimensions = array<i32: 0>} : vector<16xi32>
      %add3A_751 = arith.constant 32 : i32
      %add3A_752 = vector.broadcast %add3A_751 : i32 to vector<16xi32>
      %add3A_753 = arith.addi %iota3A_750, %add3A_752 : vector<16xi32>
      %gather3A_754 = tpu.vector_load_idx %arg6[%broadcast_in_dim3A_735, %add3A_753, %broadcast_in_dim3A_733] : memref<8x64x128xf32, #tpu.memory_space<vmem>>[vector<16xi32>, vector<16xi32>, vector<16xi32>], vector<16xf32>,
      %swap3A_755 = arith.constant 416 : index
      %swap3A_756 = tpu.vector_load %arg7[%swap3A_755] {strides = array<i32>} : memref<512xf32, #tpu.memory_space<vmem>>, vector<16xf32>,
      tpu.vector_store %arg7[%swap3A_755], %gather3A_754 {strides = array<i32>} : memref<512xf32, #tpu.memory_space<vmem>>, vector<16xf32>,
      %iota3A_757 = tpu.iota {dimensions = array<i32: 0>} : vector<16xi32>
      %add3A_758 = arith.constant 48 : i32
      %add3A_759 = vector.broadcast %add3A_758 : i32 to vector<16xi32>
      %add3A_760 = arith.addi %iota3A_757, %add3A_759 : vector<16xi32>
      %gather3A_761 = tpu.vector_load_idx %arg6[%broadcast_in_dim3A_735, %add3A_760, %broadcast_in_dim3A_733] : memref<8x64x128xf32, #tpu.memory_space<vmem>>[vector<16xi32>, vector<16xi32>, vector<16xi32>], vector<16xf32>,
      %swap3A_762 = arith.constant 432 : index
      %swap3A_763 = tpu.vector_load %arg7[%swap3A_762] {strides = array<i32>} : memref<512xf32, #tpu.memory_space<vmem>>, vector<16xf32>,
      tpu.vector_store %arg7[%swap3A_762], %gather3A_761 {strides = array<i32>} : memref<512xf32, #tpu.memory_space<vmem>>, vector<16xf32>,
      %slice3A_764 = vector.extract_strided_slice %get3A_5 {offsets = [7], sizes = [1], strides = [1]} : vector<16xi32> to vector<1xi32>
      %squeeze3A_765 = vector.extract %slice3A_764[0] : i32 from vector<1xi32>
      %jit3A_766 = arith.constant 128 : i32
      %eq3A_767 = arith.constant 0 : i32
      %eq3A_768 = arith.cmpi eq, %jit3A_766, %eq3A_767 : i32
      %jit3A_769 = arith.constant 1 : i32
      %select_n3A_770 = arith.select %eq3A_768, %jit3A_769, %jit3A_766 : i32
      %rem3A_771 = arith.remsi %squeeze3A_765, %select_n3A_770 : i32
      %ne3A_772 = arith.constant 0 : i32
      %ne3A_773 = arith.cmpi ne, %rem3A_771, %ne3A_772 : i32
      %lt3A_774 = arith.constant 0 : i32
      %lt3A_775 = arith.cmpi slt, %rem3A_771, %lt3A_774 : i32
      %lt3A_776 = arith.constant 0 : i32
      %lt3A_777 = arith.cmpi slt, %select_n3A_770, %lt3A_776 : i32
      %ne3A_778 = arith.xori %lt3A_775, %lt3A_777 : i1
      %and3A_779 = arith.andi %ne3A_778, %ne3A_773 : i1
      %add3A_780 = arith.addi %rem3A_771, %select_n3A_770 : i32
      %select_n3A_781 = arith.select %and3A_779, %add3A_780, %rem3A_771 : i32
      %broadcast_in_dim3A_782 = vector.broadcast %select_n3A_781 : i32 to vector<16xi32>
      %broadcast_in_dim3A_783 = arith.constant 7 : i32
      %broadcast_in_dim3A_784 = vector.broadcast %broadcast_in_dim3A_783 : i32 to vector<16xi32>
      %iota3A_785 = tpu.iota {dimensions = array<i32: 0>} : vector<16xi32>
      %add3A_786 = arith.constant 0 : i32
      %add3A_787 = vector.broadcast %add3A_786 : i32 to vector<16xi32>
      %add3A_788 = arith.addi %iota3A_785, %add3A_787 : vector<16xi32>
      %gather3A_789 = tpu.vector_load_idx %arg6[%broadcast_in_dim3A_784, %add3A_788, %broadcast_in_dim3A_782] : memref<8x64x128xf32, #tpu.memory_space<vmem>>[vector<16xi32>, vector<16xi32>, vector<16xi32>], vector<16xf32>,
      %swap3A_790 = arith.constant 448 : index
      %swap3A_791 = tpu.vector_load %arg7[%swap3A_790] {strides = array<i32>} : memref<512xf32, #tpu.memory_space<vmem>>, vector<16xf32>,
      tpu.vector_store %arg7[%swap3A_790], %gather3A_789 {strides = array<i32>} : memref<512xf32, #tpu.memory_space<vmem>>, vector<16xf32>,
      %iota3A_792 = tpu.iota {dimensions = array<i32: 0>} : vector<16xi32>
      %add3A_793 = arith.constant 16 : i32
      %add3A_794 = vector.broadcast %add3A_793 : i32 to vector<16xi32>
      %add3A_795 = arith.addi %iota3A_792, %add3A_794 : vector<16xi32>
      %gather3A_796 = tpu.vector_load_idx %arg6[%broadcast_in_dim3A_784, %add3A_795, %broadcast_in_dim3A_782] : memref<8x64x128xf32, #tpu.memory_space<vmem>>[vector<16xi32>, vector<16xi32>, vector<16xi32>], vector<16xf32>,
      %swap3A_797 = arith.constant 464 : index
      %swap3A_798 = tpu.vector_load %arg7[%swap3A_797] {strides = array<i32>} : memref<512xf32, #tpu.memory_space<vmem>>, vector<16xf32>,
      tpu.vector_store %arg7[%swap3A_797], %gather3A_796 {strides = array<i32>} : memref<512xf32, #tpu.memory_space<vmem>>, vector<16xf32>,
      %iota3A_799 = tpu.iota {dimensions = array<i32: 0>} : vector<16xi32>
      %add3A_800 = arith.constant 32 : i32
      %add3A_801 = vector.broadcast %add3A_800 : i32 to vector<16xi32>
      %add3A_802 = arith.addi %iota3A_799, %add3A_801 : vector<16xi32>
      %gather3A_803 = tpu.vector_load_idx %arg6[%broadcast_in_dim3A_784, %add3A_802, %broadcast_in_dim3A_782] : memref<8x64x128xf32, #tpu.memory_space<vmem>>[vector<16xi32>, vector<16xi32>, vector<16xi32>], vector<16xf32>,
      %swap3A_804 = arith.constant 480 : index
      %swap3A_805 = tpu.vector_load %arg7[%swap3A_804] {strides = array<i32>} : memref<512xf32, #tpu.memory_space<vmem>>, vector<16xf32>,
      tpu.vector_store %arg7[%swap3A_804], %gather3A_803 {strides = array<i32>} : memref<512xf32, #tpu.memory_space<vmem>>, vector<16xf32>,
      %iota3A_806 = tpu.iota {dimensions = array<i32: 0>} : vector<16xi32>
      %add3A_807 = arith.constant 48 : i32
      %add3A_808 = vector.broadcast %add3A_807 : i32 to vector<16xi32>
      %add3A_809 = arith.addi %iota3A_806, %add3A_808 : vector<16xi32>
      %gather3A_810 = tpu.vector_load_idx %arg6[%broadcast_in_dim3A_784, %add3A_809, %broadcast_in_dim3A_782] : memref<8x64x128xf32, #tpu.memory_space<vmem>>[vector<16xi32>, vector<16xi32>, vector<16xi32>], vector<16xf32>,
      %swap3A_811 = arith.constant 496 : index
      %swap3A_812 = tpu.vector_load %arg7[%swap3A_811] {strides = array<i32>} : memref<512xf32, #tpu.memory_space<vmem>>, vector<16xf32>,
      tpu.vector_store %arg7[%swap3A_811], %gather3A_810 {strides = array<i32>} : memref<512xf32, #tpu.memory_space<vmem>>, vector<16xf32>,
      %mul3A_813 = arith.constant 64 : i32
      %mul3A_814 = arith.muli %mul3A_2, %mul3A_813 : i32
      %run_scoped3A = arith.constant 0 : i32
      "tpu.region"() ({
        %run_scoped3A_815 = tpu.sem_alloc : memref<!tpu.dma_semaphore, #tpu.memory_space<semaphore_mem>>
        %dma_start3A_816 = arith.constant 0 : i32
        %dma_start3A_817 = tpu.memref_slice %arg4[%run_scoped3A, %dma_start3A_816] : memref<1x12800xf32, #tpu.memory_space<hbm>> -> memref<1x12800xf32, #tpu.memory_space<hbm>>
        %dma_start3A_818 = tpu.memref_squeeze %dma_start3A_817 : memref<1x12800xf32, #tpu.memory_space<hbm>> -> memref<12800xf32, #tpu.memory_space<hbm>>
        %dma_start3A_819 = tpu.memref_slice %dma_start3A_818[%mul3A_814] : memref<12800xf32, #tpu.memory_space<hbm>> -> memref<512xf32, #tpu.memory_space<hbm>>
        %dma_start3A_820 = arith.constant 0 : i32
        %dma_start3A_821 = tpu.memref_slice %arg4[%run_scoped3A, %dma_start3A_820] : memref<1x12800xf32, #tpu.memory_space<hbm>> -> memref<1x12800xf32, #tpu.memory_space<hbm>>
        %dma_start3A_822 = tpu.memref_squeeze %dma_start3A_821 : memref<1x12800xf32, #tpu.memory_space<hbm>> -> memref<12800xf32, #tpu.memory_space<hbm>>
        %dma_start3A_823 = tpu.memref_slice %dma_start3A_822[%mul3A_814] : memref<12800xf32, #tpu.memory_space<hbm>> -> memref<512xf32, #tpu.memory_space<hbm>>
        tpu.enqueue_dma source(%arg7 : memref<512xf32, #tpu.memory_space<vmem>>) target(%dma_start3A_823 : memref<512xf32, #tpu.memory_space<hbm>>) target_semaphore(%run_scoped3A_815 : memref<!tpu.dma_semaphore, #tpu.memory_space<semaphore_mem>>)
        %dma_wait3A_824 = arith.constant 0 : i32
        %dma_wait3A_825 = tpu.memref_slice %arg4[%run_scoped3A, %dma_wait3A_824] : memref<1x12800xf32, #tpu.memory_space<hbm>> -> memref<1x12800xf32, #tpu.memory_space<hbm>>
        %dma_wait3A_826 = tpu.memref_squeeze %dma_wait3A_825 : memref<1x12800xf32, #tpu.memory_space<hbm>> -> memref<12800xf32, #tpu.memory_space<hbm>>
        %dma_wait3A_827 = tpu.memref_slice %dma_wait3A_826[%mul3A_814] : memref<12800xf32, #tpu.memory_space<hbm>> -> memref<512xf32, #tpu.memory_space<hbm>>
        %dma_wait3A_828 = arith.constant 0 : i32
        %dma_wait3A_829 = tpu.memref_slice %arg4[%run_scoped3A, %dma_wait3A_828] : memref<1x12800xf32, #tpu.memory_space<hbm>> -> memref<1x12800xf32, #tpu.memory_space<hbm>>
        %dma_wait3A_830 = tpu.memref_squeeze %dma_wait3A_829 : memref<1x12800xf32, #tpu.memory_space<hbm>> -> memref<12800xf32, #tpu.memory_space<hbm>>
        %dma_wait3A_831 = tpu.memref_slice %dma_wait3A_830[%mul3A_814] : memref<12800xf32, #tpu.memory_space<hbm>> -> memref<512xf32, #tpu.memory_space<hbm>>
        tpu.wait_dma2 semaphore(%run_scoped3A_815 : memref<!tpu.dma_semaphore, #tpu.memory_space<semaphore_mem>>) src(%arg7 : memref<512xf32, #tpu.memory_space<vmem>>) dst(%dma_wait3A_831 : memref<512xf32, #tpu.memory_space<hbm>>)
        tpu.yield
      }) : () -> ()
    } else {
    }
    return
  }
}

module attributes {stable_mosaic.version = 14 : i64} {
  func.func @_mlp_body(%arg0: memref<1x12800xf32, #tpu.memory_space<vmem>>, %arg1: memref<128x12800xf32, #tpu.memory_space<vmem>>, %arg2: memref<1x128xf32, #tpu.memory_space<vmem>>, %arg3: memref<100000x128xf32, #tpu.memory_space<any>>, %arg4: memref<1x102400xf32, #tpu.memory_space<vmem>>, %arg5: memref<1x100000xf32, #tpu.memory_space<vmem>>, %arg6: memref<6x4096x128xf32, #tpu.memory_space<vmem>>, %arg7: memref<1x102400xf32, #tpu.memory_space<vmem>>, %arg8: memref<6x!tpu.dma_semaphore, #tpu.memory_space<semaphore_mem>>) attributes {dimension_semantics = [], scalar_prefetch = 0 : i64, scratch_operands = 3 : i64, tpu.core_type = #tpu.core_type<tc>} {
    %dma_start3A = arith.constant 0 : i32
    %dma_start3A_0 = arith.constant 0 : i32
    %dma_start3A_1 = tpu.memref_slice %arg8[%dma_start3A_0] : memref<6x!tpu.dma_semaphore, #tpu.memory_space<semaphore_mem>> -> memref<1x!tpu.dma_semaphore, #tpu.memory_space<semaphore_mem>>
    %dma_start3A_2 = tpu.memref_squeeze %dma_start3A_1 : memref<1x!tpu.dma_semaphore, #tpu.memory_space<semaphore_mem>> -> memref<!tpu.dma_semaphore, #tpu.memory_space<semaphore_mem>>
    %dma_start3A_3 = arith.constant 0 : i32
    %dma_start3A_4 = arith.constant 0 : i32
    %dma_start3A_5 = tpu.memref_slice %arg6[%dma_start3A, %dma_start3A_3, %dma_start3A_4] : memref<6x4096x128xf32, #tpu.memory_space<vmem>> -> memref<1x4096x128xf32, #tpu.memory_space<vmem>>
    %dma_start3A_6 = tpu.memref_squeeze %dma_start3A_5 : memref<1x4096x128xf32, #tpu.memory_space<vmem>> -> memref<4096x128xf32, #tpu.memory_space<vmem>>
    %dma_start3A_7 = arith.constant 0 : i32
    %dma_start3A_8 = arith.constant 0 : i32
    %dma_start3A_9 = tpu.memref_slice %arg3[%dma_start3A_7, %dma_start3A_8] : memref<100000x128xf32, #tpu.memory_space<any>> -> memref<4096x128xf32, #tpu.memory_space<any>>
    tpu.enqueue_dma source(%dma_start3A_9 : memref<4096x128xf32, #tpu.memory_space<any>>) target(%dma_start3A_6 : memref<4096x128xf32, #tpu.memory_space<vmem>>) target_semaphore(%dma_start3A_2 : memref<!tpu.dma_semaphore, #tpu.memory_space<semaphore_mem>>)
    %dma_start3A_10 = arith.constant 1 : i32
    %dma_start3A_11 = arith.constant 1 : i32
    %dma_start3A_12 = tpu.memref_slice %arg8[%dma_start3A_11] : memref<6x!tpu.dma_semaphore, #tpu.memory_space<semaphore_mem>> -> memref<1x!tpu.dma_semaphore, #tpu.memory_space<semaphore_mem>>
    %dma_start3A_13 = tpu.memref_squeeze %dma_start3A_12 : memref<1x!tpu.dma_semaphore, #tpu.memory_space<semaphore_mem>> -> memref<!tpu.dma_semaphore, #tpu.memory_space<semaphore_mem>>
    %dma_start3A_14 = arith.constant 0 : i32
    %dma_start3A_15 = arith.constant 0 : i32
    %dma_start3A_16 = tpu.memref_slice %arg6[%dma_start3A_10, %dma_start3A_14, %dma_start3A_15] : memref<6x4096x128xf32, #tpu.memory_space<vmem>> -> memref<1x4096x128xf32, #tpu.memory_space<vmem>>
    %dma_start3A_17 = tpu.memref_squeeze %dma_start3A_16 : memref<1x4096x128xf32, #tpu.memory_space<vmem>> -> memref<4096x128xf32, #tpu.memory_space<vmem>>
    %dma_start3A_18 = arith.constant 4096 : i32
    %dma_start3A_19 = arith.constant 0 : i32
    %dma_start3A_20 = tpu.memref_slice %arg3[%dma_start3A_18, %dma_start3A_19] : memref<100000x128xf32, #tpu.memory_space<any>> -> memref<4096x128xf32, #tpu.memory_space<any>>
    tpu.enqueue_dma source(%dma_start3A_20 : memref<4096x128xf32, #tpu.memory_space<any>>) target(%dma_start3A_17 : memref<4096x128xf32, #tpu.memory_space<vmem>>) target_semaphore(%dma_start3A_13 : memref<!tpu.dma_semaphore, #tpu.memory_space<semaphore_mem>>)
    %dma_start3A_21 = arith.constant 2 : i32
    %dma_start3A_22 = arith.constant 2 : i32
    %dma_start3A_23 = tpu.memref_slice %arg8[%dma_start3A_22] : memref<6x!tpu.dma_semaphore, #tpu.memory_space<semaphore_mem>> -> memref<1x!tpu.dma_semaphore, #tpu.memory_space<semaphore_mem>>
    %dma_start3A_24 = tpu.memref_squeeze %dma_start3A_23 : memref<1x!tpu.dma_semaphore, #tpu.memory_space<semaphore_mem>> -> memref<!tpu.dma_semaphore, #tpu.memory_space<semaphore_mem>>
    %dma_start3A_25 = arith.constant 0 : i32
    %dma_start3A_26 = arith.constant 0 : i32
    %dma_start3A_27 = tpu.memref_slice %arg6[%dma_start3A_21, %dma_start3A_25, %dma_start3A_26] : memref<6x4096x128xf32, #tpu.memory_space<vmem>> -> memref<1x4096x128xf32, #tpu.memory_space<vmem>>
    %dma_start3A_28 = tpu.memref_squeeze %dma_start3A_27 : memref<1x4096x128xf32, #tpu.memory_space<vmem>> -> memref<4096x128xf32, #tpu.memory_space<vmem>>
    %dma_start3A_29 = arith.constant 8192 : i32
    %dma_start3A_30 = arith.constant 0 : i32
    %dma_start3A_31 = tpu.memref_slice %arg3[%dma_start3A_29, %dma_start3A_30] : memref<100000x128xf32, #tpu.memory_space<any>> -> memref<4096x128xf32, #tpu.memory_space<any>>
    tpu.enqueue_dma source(%dma_start3A_31 : memref<4096x128xf32, #tpu.memory_space<any>>) target(%dma_start3A_28 : memref<4096x128xf32, #tpu.memory_space<vmem>>) target_semaphore(%dma_start3A_24 : memref<!tpu.dma_semaphore, #tpu.memory_space<semaphore_mem>>)
    %dma_start3A_32 = arith.constant 3 : i32
    %dma_start3A_33 = arith.constant 3 : i32
    %dma_start3A_34 = tpu.memref_slice %arg8[%dma_start3A_33] : memref<6x!tpu.dma_semaphore, #tpu.memory_space<semaphore_mem>> -> memref<1x!tpu.dma_semaphore, #tpu.memory_space<semaphore_mem>>
    %dma_start3A_35 = tpu.memref_squeeze %dma_start3A_34 : memref<1x!tpu.dma_semaphore, #tpu.memory_space<semaphore_mem>> -> memref<!tpu.dma_semaphore, #tpu.memory_space<semaphore_mem>>
    %dma_start3A_36 = arith.constant 0 : i32
    %dma_start3A_37 = arith.constant 0 : i32
    %dma_start3A_38 = tpu.memref_slice %arg6[%dma_start3A_32, %dma_start3A_36, %dma_start3A_37] : memref<6x4096x128xf32, #tpu.memory_space<vmem>> -> memref<1x4096x128xf32, #tpu.memory_space<vmem>>
    %dma_start3A_39 = tpu.memref_squeeze %dma_start3A_38 : memref<1x4096x128xf32, #tpu.memory_space<vmem>> -> memref<4096x128xf32, #tpu.memory_space<vmem>>
    %dma_start3A_40 = arith.constant 12288 : i32
    %dma_start3A_41 = arith.constant 0 : i32
    %dma_start3A_42 = tpu.memref_slice %arg3[%dma_start3A_40, %dma_start3A_41] : memref<100000x128xf32, #tpu.memory_space<any>> -> memref<4096x128xf32, #tpu.memory_space<any>>
    tpu.enqueue_dma source(%dma_start3A_42 : memref<4096x128xf32, #tpu.memory_space<any>>) target(%dma_start3A_39 : memref<4096x128xf32, #tpu.memory_space<vmem>>) target_semaphore(%dma_start3A_35 : memref<!tpu.dma_semaphore, #tpu.memory_space<semaphore_mem>>)
    %dma_start3A_43 = arith.constant 4 : i32
    %dma_start3A_44 = arith.constant 4 : i32
    %dma_start3A_45 = tpu.memref_slice %arg8[%dma_start3A_44] : memref<6x!tpu.dma_semaphore, #tpu.memory_space<semaphore_mem>> -> memref<1x!tpu.dma_semaphore, #tpu.memory_space<semaphore_mem>>
    %dma_start3A_46 = tpu.memref_squeeze %dma_start3A_45 : memref<1x!tpu.dma_semaphore, #tpu.memory_space<semaphore_mem>> -> memref<!tpu.dma_semaphore, #tpu.memory_space<semaphore_mem>>
    %dma_start3A_47 = arith.constant 0 : i32
    %dma_start3A_48 = arith.constant 0 : i32
    %dma_start3A_49 = tpu.memref_slice %arg6[%dma_start3A_43, %dma_start3A_47, %dma_start3A_48] : memref<6x4096x128xf32, #tpu.memory_space<vmem>> -> memref<1x4096x128xf32, #tpu.memory_space<vmem>>
    %dma_start3A_50 = tpu.memref_squeeze %dma_start3A_49 : memref<1x4096x128xf32, #tpu.memory_space<vmem>> -> memref<4096x128xf32, #tpu.memory_space<vmem>>
    %dma_start3A_51 = arith.constant 16384 : i32
    %dma_start3A_52 = arith.constant 0 : i32
    %dma_start3A_53 = tpu.memref_slice %arg3[%dma_start3A_51, %dma_start3A_52] : memref<100000x128xf32, #tpu.memory_space<any>> -> memref<4096x128xf32, #tpu.memory_space<any>>
    tpu.enqueue_dma source(%dma_start3A_53 : memref<4096x128xf32, #tpu.memory_space<any>>) target(%dma_start3A_50 : memref<4096x128xf32, #tpu.memory_space<vmem>>) target_semaphore(%dma_start3A_46 : memref<!tpu.dma_semaphore, #tpu.memory_space<semaphore_mem>>)
    %get3A = arith.constant 0 : index
    %get3A_54 = arith.constant 0 : index
    %get3A_55 = vector.load %arg0[%get3A, %get3A_54] : memref<1x12800xf32, #tpu.memory_space<vmem>>, vector<1x12800xf32>
    %get3A_56 = arith.constant 0 : index
    %get3A_57 = arith.constant 0 : index
    %get3A_58 = vector.load %arg1[%get3A_56, %get3A_57] : memref<128x12800xf32, #tpu.memory_space<vmem>>, vector<128x12800xf32>
    %dot_general3A = arith.constant dense<0.000000e+00> : vector<1x128xf32>
    %dot_general3A_59 = tpu.matmul %get3A_55, %get3A_58, %dot_general3A {dimension_numbers = #tpu.dot_dimension_numbers<[1], [1], [0], [0], [0, 0, 1, 0], [], []>, transpose_lhs_hint = false} : vector<1x12800xf32>, vector<128x12800xf32>, vector<1x128xf32> -> vector<1x128xf32>
    %get3A_60 = arith.constant 0 : index
    %get3A_61 = arith.constant 0 : index
    %get3A_62 = vector.load %arg2[%get3A_60, %get3A_61] : memref<1x128xf32, #tpu.memory_space<vmem>>, vector<1x128xf32>
    %add3A = arith.addf %dot_general3A_59, %get3A_62 : vector<1x128xf32>
    %max3A = arith.constant 0.000000e+00 : f32
    %max3A_63 = vector.broadcast %max3A : f32 to vector<1x128xf32>
    %max3A_64 = arith.maximumf %add3A, %max3A_63 : vector<1x128xf32>
    %broadcast_in_dim3A = arith.constant 0xFF800000 : f32
    %broadcast_in_dim3A_65 = vector.broadcast %broadcast_in_dim3A : f32 to vector<1x1xf32>
    %broadcast_in_dim3A_66 = arith.constant 0.000000e+00 : f32
    %broadcast_in_dim3A_67 = vector.broadcast %broadcast_in_dim3A_66 : f32 to vector<1x1xf32>
    %dma_wait3A = arith.constant 0 : i32
    %dma_wait3A_68 = arith.constant 0 : i32
    %dma_wait3A_69 = tpu.memref_slice %arg8[%dma_wait3A_68] : memref<6x!tpu.dma_semaphore, #tpu.memory_space<semaphore_mem>> -> memref<1x!tpu.dma_semaphore, #tpu.memory_space<semaphore_mem>>
    %dma_wait3A_70 = tpu.memref_squeeze %dma_wait3A_69 : memref<1x!tpu.dma_semaphore, #tpu.memory_space<semaphore_mem>> -> memref<!tpu.dma_semaphore, #tpu.memory_space<semaphore_mem>>
    %dma_wait3A_71 = arith.constant 0 : i32
    %dma_wait3A_72 = arith.constant 0 : i32
    %dma_wait3A_73 = tpu.memref_slice %arg6[%dma_wait3A, %dma_wait3A_71, %dma_wait3A_72] : memref<6x4096x128xf32, #tpu.memory_space<vmem>> -> memref<1x4096x128xf32, #tpu.memory_space<vmem>>
    %dma_wait3A_74 = tpu.memref_squeeze %dma_wait3A_73 : memref<1x4096x128xf32, #tpu.memory_space<vmem>> -> memref<4096x128xf32, #tpu.memory_space<vmem>>
    %dma_wait3A_75 = arith.constant 0 : i32
    %dma_wait3A_76 = arith.constant 0 : i32
    %dma_wait3A_77 = tpu.memref_slice %arg3[%dma_wait3A_75, %dma_wait3A_76] : memref<100000x128xf32, #tpu.memory_space<any>> -> memref<4096x128xf32, #tpu.memory_space<any>>
    tpu.wait_dma2 semaphore(%dma_wait3A_70 : memref<!tpu.dma_semaphore, #tpu.memory_space<semaphore_mem>>) src(%dma_wait3A_77 : memref<4096x128xf32, #tpu.memory_space<any>>) dst(%dma_wait3A_74 : memref<4096x128xf32, #tpu.memory_space<vmem>>)
    %get3A_78 = arith.constant 0 : index
    %get3A_79 = arith.constant 0 : index
    %get3A_80 = arith.constant 0 : index
    %get3A_81 = vector.load %arg6[%get3A_78, %get3A_79, %get3A_80] : memref<6x4096x128xf32, #tpu.memory_space<vmem>>, vector<1x4096x128xf32>
    %get3A_82 = vector.shape_cast %get3A_81 : vector<1x4096x128xf32> to vector<4096x128xf32>
    %dot_general3A_83 = arith.constant dense<0.000000e+00> : vector<1x4096xf32>
    %dot_general3A_84 = tpu.matmul %max3A_64, %get3A_82, %dot_general3A_83 {dimension_numbers = #tpu.dot_dimension_numbers<[1], [1], [0], [0], [0, 0, 1, 0], [], []>, transpose_lhs_hint = false} : vector<1x128xf32>, vector<4096x128xf32>, vector<1x4096xf32> -> vector<1x4096xf32>
    %get3A_85 = arith.constant 0 : index
    %get3A_86 = arith.constant 0 : index
    %get3A_87 = vector.load %arg4[%get3A_85, %get3A_86] : memref<1x102400xf32, #tpu.memory_space<vmem>>, vector<1x4096xf32>
    %add3A_88 = arith.addf %dot_general3A_84, %get3A_87 : vector<1x4096xf32>
    %dma_start3A_89 = arith.constant 5 : i32
    %dma_start3A_90 = arith.constant 5 : i32
    %dma_start3A_91 = tpu.memref_slice %arg8[%dma_start3A_90] : memref<6x!tpu.dma_semaphore, #tpu.memory_space<semaphore_mem>> -> memref<1x!tpu.dma_semaphore, #tpu.memory_space<semaphore_mem>>
    %dma_start3A_92 = tpu.memref_squeeze %dma_start3A_91 : memref<1x!tpu.dma_semaphore, #tpu.memory_space<semaphore_mem>> -> memref<!tpu.dma_semaphore, #tpu.memory_space<semaphore_mem>>
    %dma_start3A_93 = arith.constant 0 : i32
    %dma_start3A_94 = arith.constant 0 : i32
    %dma_start3A_95 = tpu.memref_slice %arg6[%dma_start3A_89, %dma_start3A_93, %dma_start3A_94] : memref<6x4096x128xf32, #tpu.memory_space<vmem>> -> memref<1x4096x128xf32, #tpu.memory_space<vmem>>
    %dma_start3A_96 = tpu.memref_squeeze %dma_start3A_95 : memref<1x4096x128xf32, #tpu.memory_space<vmem>> -> memref<4096x128xf32, #tpu.memory_space<vmem>>
    %dma_start3A_97 = arith.constant 20480 : i32
    %dma_start3A_98 = arith.constant 0 : i32
    %dma_start3A_99 = tpu.memref_slice %arg3[%dma_start3A_97, %dma_start3A_98] : memref<100000x128xf32, #tpu.memory_space<any>> -> memref<4096x128xf32, #tpu.memory_space<any>>
    tpu.enqueue_dma source(%dma_start3A_99 : memref<4096x128xf32, #tpu.memory_space<any>>) target(%dma_start3A_96 : memref<4096x128xf32, #tpu.memory_space<vmem>>) target_semaphore(%dma_start3A_92 : memref<!tpu.dma_semaphore, #tpu.memory_space<semaphore_mem>>)
    %swap3A = arith.constant 0 : index
    %swap3A_100 = arith.constant 0 : index
    %swap3A_101 = vector.load %arg7[%swap3A, %swap3A_100] : memref<1x102400xf32, #tpu.memory_space<vmem>>, vector<1x4096xf32>
    tpu.vector_store %arg7[%swap3A, %swap3A_100], %add3A_88 {strides = array<i32>} : memref<1x102400xf32, #tpu.memory_space<vmem>>, vector<1x4096xf32>,
    %reduce_max3A = vector.shape_cast %add3A_88 : vector<1x4096xf32> to vector<1x1x4096xf32>
    %reduce_max3A_102 = arith.constant dense<0xFF800000> : vector<1xf32>
    %reduce_max3A_103 = vector.multi_reduction <maximumf>, %reduce_max3A, %reduce_max3A_102 [1, 2] : vector<1x1x4096xf32> to vector<1xf32>
    %reduce_max3A_104 = vector.shape_cast %reduce_max3A_103 : vector<1xf32> to vector<1x1x1xf32>
    %reduce_max3A_105 = vector.extract %reduce_max3A_104[0, 0, 0] : f32 from vector<1x1x1xf32>
    %broadcast_in_dim3A_106 = vector.broadcast %reduce_max3A_105 : f32 to vector<1x1xf32>
    %max3A_107 = arith.maximumf %broadcast_in_dim3A_65, %broadcast_in_dim3A_106 : vector<1x1xf32>
    %sub3A = arith.subf %broadcast_in_dim3A_65, %max3A_107 : vector<1x1xf32>
    %exp3A = math.exp %sub3A : vector<1x1xf32>
    %mul3A = arith.mulf %broadcast_in_dim3A_67, %exp3A : vector<1x1xf32>
    %sub3A_108 = vector.broadcast %max3A_107 : vector<1x1xf32> to vector<1x4096xf32>
    %sub3A_109 = arith.subf %add3A_88, %sub3A_108 : vector<1x4096xf32>
    %exp3A_110 = math.exp %sub3A_109 : vector<1x4096xf32>
    %reduce_sum3A = vector.shape_cast %exp3A_110 : vector<1x4096xf32> to vector<1x1x4096xf32>
    %reduce_sum3A_111 = arith.constant dense<0.000000e+00> : vector<1xf32>
    %reduce_sum3A_112 = vector.multi_reduction <add>, %reduce_sum3A, %reduce_sum3A_111 [1, 2] : vector<1x1x4096xf32> to vector<1xf32>
    %reduce_sum3A_113 = vector.shape_cast %reduce_sum3A_112 : vector<1xf32> to vector<1x1x1xf32>
    %reduce_sum3A_114 = vector.extract %reduce_sum3A_113[0, 0, 0] : f32 from vector<1x1x1xf32>
    %broadcast_in_dim3A_115 = vector.broadcast %reduce_sum3A_114 : f32 to vector<1x1xf32>
    %add3A_116 = arith.addf %mul3A, %broadcast_in_dim3A_115 : vector<1x1xf32>
    %dma_wait3A_117 = arith.constant 1 : i32
    %dma_wait3A_118 = arith.constant 1 : i32
    %dma_wait3A_119 = tpu.memref_slice %arg8[%dma_wait3A_118] : memref<6x!tpu.dma_semaphore, #tpu.memory_space<semaphore_mem>> -> memref<1x!tpu.dma_semaphore, #tpu.memory_space<semaphore_mem>>
    %dma_wait3A_120 = tpu.memref_squeeze %dma_wait3A_119 : memref<1x!tpu.dma_semaphore, #tpu.memory_space<semaphore_mem>> -> memref<!tpu.dma_semaphore, #tpu.memory_space<semaphore_mem>>
    %dma_wait3A_121 = arith.constant 0 : i32
    %dma_wait3A_122 = arith.constant 0 : i32
    %dma_wait3A_123 = tpu.memref_slice %arg6[%dma_wait3A_117, %dma_wait3A_121, %dma_wait3A_122] : memref<6x4096x128xf32, #tpu.memory_space<vmem>> -> memref<1x4096x128xf32, #tpu.memory_space<vmem>>
    %dma_wait3A_124 = tpu.memref_squeeze %dma_wait3A_123 : memref<1x4096x128xf32, #tpu.memory_space<vmem>> -> memref<4096x128xf32, #tpu.memory_space<vmem>>
    %dma_wait3A_125 = arith.constant 4096 : i32
    %dma_wait3A_126 = arith.constant 0 : i32
    %dma_wait3A_127 = tpu.memref_slice %arg3[%dma_wait3A_125, %dma_wait3A_126] : memref<100000x128xf32, #tpu.memory_space<any>> -> memref<4096x128xf32, #tpu.memory_space<any>>
    tpu.wait_dma2 semaphore(%dma_wait3A_120 : memref<!tpu.dma_semaphore, #tpu.memory_space<semaphore_mem>>) src(%dma_wait3A_127 : memref<4096x128xf32, #tpu.memory_space<any>>) dst(%dma_wait3A_124 : memref<4096x128xf32, #tpu.memory_space<vmem>>)
    %get3A_128 = arith.constant 1 : index
    %get3A_129 = arith.constant 0 : index
    %get3A_130 = arith.constant 0 : index
    %get3A_131 = vector.load %arg6[%get3A_128, %get3A_129, %get3A_130] : memref<6x4096x128xf32, #tpu.memory_space<vmem>>, vector<1x4096x128xf32>
    %get3A_132 = vector.shape_cast %get3A_131 : vector<1x4096x128xf32> to vector<4096x128xf32>
    %dot_general3A_133 = arith.constant dense<0.000000e+00> : vector<1x4096xf32>
    %dot_general3A_134 = tpu.matmul %max3A_64, %get3A_132, %dot_general3A_133 {dimension_numbers = #tpu.dot_dimension_numbers<[1], [1], [0], [0], [0, 0, 1, 0], [], []>, transpose_lhs_hint = false} : vector<1x128xf32>, vector<4096x128xf32>, vector<1x4096xf32> -> vector<1x4096xf32>
    %get3A_135 = arith.constant 0 : index
    %get3A_136 = arith.constant 4096 : index
    %get3A_137 = vector.load %arg4[%get3A_135, %get3A_136] : memref<1x102400xf32, #tpu.memory_space<vmem>>, vector<1x4096xf32>
    %add3A_138 = arith.addf %dot_general3A_134, %get3A_137 : vector<1x4096xf32>
    %dma_start3A_139 = arith.constant 0 : i32
    %dma_start3A_140 = arith.constant 0 : i32
    %dma_start3A_141 = tpu.memref_slice %arg8[%dma_start3A_140] : memref<6x!tpu.dma_semaphore, #tpu.memory_space<semaphore_mem>> -> memref<1x!tpu.dma_semaphore, #tpu.memory_space<semaphore_mem>>
    %dma_start3A_142 = tpu.memref_squeeze %dma_start3A_141 : memref<1x!tpu.dma_semaphore, #tpu.memory_space<semaphore_mem>> -> memref<!tpu.dma_semaphore, #tpu.memory_space<semaphore_mem>>
    %dma_start3A_143 = arith.constant 0 : i32
    %dma_start3A_144 = arith.constant 0 : i32
    %dma_start3A_145 = tpu.memref_slice %arg6[%dma_start3A_139, %dma_start3A_143, %dma_start3A_144] : memref<6x4096x128xf32, #tpu.memory_space<vmem>> -> memref<1x4096x128xf32, #tpu.memory_space<vmem>>
    %dma_start3A_146 = tpu.memref_squeeze %dma_start3A_145 : memref<1x4096x128xf32, #tpu.memory_space<vmem>> -> memref<4096x128xf32, #tpu.memory_space<vmem>>
    %dma_start3A_147 = arith.constant 24576 : i32
    %dma_start3A_148 = arith.constant 0 : i32
    %dma_start3A_149 = tpu.memref_slice %arg3[%dma_start3A_147, %dma_start3A_148] : memref<100000x128xf32, #tpu.memory_space<any>> -> memref<4096x128xf32, #tpu.memory_space<any>>
    tpu.enqueue_dma source(%dma_start3A_149 : memref<4096x128xf32, #tpu.memory_space<any>>) target(%dma_start3A_146 : memref<4096x128xf32, #tpu.memory_space<vmem>>) target_semaphore(%dma_start3A_142 : memref<!tpu.dma_semaphore, #tpu.memory_space<semaphore_mem>>)
    %swap3A_150 = arith.constant 0 : index
    %swap3A_151 = arith.constant 4096 : index
    %swap3A_152 = vector.load %arg7[%swap3A_150, %swap3A_151] : memref<1x102400xf32, #tpu.memory_space<vmem>>, vector<1x4096xf32>
    tpu.vector_store %arg7[%swap3A_150, %swap3A_151], %add3A_138 {strides = array<i32>} : memref<1x102400xf32, #tpu.memory_space<vmem>>, vector<1x4096xf32>,
    %reduce_max3A_153 = vector.shape_cast %add3A_138 : vector<1x4096xf32> to vector<1x1x4096xf32>
    %reduce_max3A_154 = arith.constant dense<0xFF800000> : vector<1xf32>
    %reduce_max3A_155 = vector.multi_reduction <maximumf>, %reduce_max3A_153, %reduce_max3A_154 [1, 2] : vector<1x1x4096xf32> to vector<1xf32>
    %reduce_max3A_156 = vector.shape_cast %reduce_max3A_155 : vector<1xf32> to vector<1x1x1xf32>
    %reduce_max3A_157 = vector.extract %reduce_max3A_156[0, 0, 0] : f32 from vector<1x1x1xf32>
    %broadcast_in_dim3A_158 = vector.broadcast %reduce_max3A_157 : f32 to vector<1x1xf32>
    %max3A_159 = arith.maximumf %max3A_107, %broadcast_in_dim3A_158 : vector<1x1xf32>
    %sub3A_160 = arith.subf %max3A_107, %max3A_159 : vector<1x1xf32>
    %exp3A_161 = math.exp %sub3A_160 : vector<1x1xf32>
    %mul3A_162 = arith.mulf %add3A_116, %exp3A_161 : vector<1x1xf32>
    %sub3A_163 = vector.broadcast %max3A_159 : vector<1x1xf32> to vector<1x4096xf32>
    %sub3A_164 = arith.subf %add3A_138, %sub3A_163 : vector<1x4096xf32>
    %exp3A_165 = math.exp %sub3A_164 : vector<1x4096xf32>
    %reduce_sum3A_166 = vector.shape_cast %exp3A_165 : vector<1x4096xf32> to vector<1x1x4096xf32>
    %reduce_sum3A_167 = arith.constant dense<0.000000e+00> : vector<1xf32>
    %reduce_sum3A_168 = vector.multi_reduction <add>, %reduce_sum3A_166, %reduce_sum3A_167 [1, 2] : vector<1x1x4096xf32> to vector<1xf32>
    %reduce_sum3A_169 = vector.shape_cast %reduce_sum3A_168 : vector<1xf32> to vector<1x1x1xf32>
    %reduce_sum3A_170 = vector.extract %reduce_sum3A_169[0, 0, 0] : f32 from vector<1x1x1xf32>
    %broadcast_in_dim3A_171 = vector.broadcast %reduce_sum3A_170 : f32 to vector<1x1xf32>
    %add3A_172 = arith.addf %mul3A_162, %broadcast_in_dim3A_171 : vector<1x1xf32>
    %dma_wait3A_173 = arith.constant 2 : i32
    %dma_wait3A_174 = arith.constant 2 : i32
    %dma_wait3A_175 = tpu.memref_slice %arg8[%dma_wait3A_174] : memref<6x!tpu.dma_semaphore, #tpu.memory_space<semaphore_mem>> -> memref<1x!tpu.dma_semaphore, #tpu.memory_space<semaphore_mem>>
    %dma_wait3A_176 = tpu.memref_squeeze %dma_wait3A_175 : memref<1x!tpu.dma_semaphore, #tpu.memory_space<semaphore_mem>> -> memref<!tpu.dma_semaphore, #tpu.memory_space<semaphore_mem>>
    %dma_wait3A_177 = arith.constant 0 : i32
    %dma_wait3A_178 = arith.constant 0 : i32
    %dma_wait3A_179 = tpu.memref_slice %arg6[%dma_wait3A_173, %dma_wait3A_177, %dma_wait3A_178] : memref<6x4096x128xf32, #tpu.memory_space<vmem>> -> memref<1x4096x128xf32, #tpu.memory_space<vmem>>
    %dma_wait3A_180 = tpu.memref_squeeze %dma_wait3A_179 : memref<1x4096x128xf32, #tpu.memory_space<vmem>> -> memref<4096x128xf32, #tpu.memory_space<vmem>>
    %dma_wait3A_181 = arith.constant 8192 : i32
    %dma_wait3A_182 = arith.constant 0 : i32
    %dma_wait3A_183 = tpu.memref_slice %arg3[%dma_wait3A_181, %dma_wait3A_182] : memref<100000x128xf32, #tpu.memory_space<any>> -> memref<4096x128xf32, #tpu.memory_space<any>>
    tpu.wait_dma2 semaphore(%dma_wait3A_176 : memref<!tpu.dma_semaphore, #tpu.memory_space<semaphore_mem>>) src(%dma_wait3A_183 : memref<4096x128xf32, #tpu.memory_space<any>>) dst(%dma_wait3A_180 : memref<4096x128xf32, #tpu.memory_space<vmem>>)
    %get3A_184 = arith.constant 2 : index
    %get3A_185 = arith.constant 0 : index
    %get3A_186 = arith.constant 0 : index
    %get3A_187 = vector.load %arg6[%get3A_184, %get3A_185, %get3A_186] : memref<6x4096x128xf32, #tpu.memory_space<vmem>>, vector<1x4096x128xf32>
    %get3A_188 = vector.shape_cast %get3A_187 : vector<1x4096x128xf32> to vector<4096x128xf32>
    %dot_general3A_189 = arith.constant dense<0.000000e+00> : vector<1x4096xf32>
    %dot_general3A_190 = tpu.matmul %max3A_64, %get3A_188, %dot_general3A_189 {dimension_numbers = #tpu.dot_dimension_numbers<[1], [1], [0], [0], [0, 0, 1, 0], [], []>, transpose_lhs_hint = false} : vector<1x128xf32>, vector<4096x128xf32>, vector<1x4096xf32> -> vector<1x4096xf32>
    %get3A_191 = arith.constant 0 : index
    %get3A_192 = arith.constant 8192 : index
    %get3A_193 = vector.load %arg4[%get3A_191, %get3A_192] : memref<1x102400xf32, #tpu.memory_space<vmem>>, vector<1x4096xf32>
    %add3A_194 = arith.addf %dot_general3A_190, %get3A_193 : vector<1x4096xf32>
    %dma_start3A_195 = arith.constant 1 : i32
    %dma_start3A_196 = arith.constant 1 : i32
    %dma_start3A_197 = tpu.memref_slice %arg8[%dma_start3A_196] : memref<6x!tpu.dma_semaphore, #tpu.memory_space<semaphore_mem>> -> memref<1x!tpu.dma_semaphore, #tpu.memory_space<semaphore_mem>>
    %dma_start3A_198 = tpu.memref_squeeze %dma_start3A_197 : memref<1x!tpu.dma_semaphore, #tpu.memory_space<semaphore_mem>> -> memref<!tpu.dma_semaphore, #tpu.memory_space<semaphore_mem>>
    %dma_start3A_199 = arith.constant 0 : i32
    %dma_start3A_200 = arith.constant 0 : i32
    %dma_start3A_201 = tpu.memref_slice %arg6[%dma_start3A_195, %dma_start3A_199, %dma_start3A_200] : memref<6x4096x128xf32, #tpu.memory_space<vmem>> -> memref<1x4096x128xf32, #tpu.memory_space<vmem>>
    %dma_start3A_202 = tpu.memref_squeeze %dma_start3A_201 : memref<1x4096x128xf32, #tpu.memory_space<vmem>> -> memref<4096x128xf32, #tpu.memory_space<vmem>>
    %dma_start3A_203 = arith.constant 28672 : i32
    %dma_start3A_204 = arith.constant 0 : i32
    %dma_start3A_205 = tpu.memref_slice %arg3[%dma_start3A_203, %dma_start3A_204] : memref<100000x128xf32, #tpu.memory_space<any>> -> memref<4096x128xf32, #tpu.memory_space<any>>
    tpu.enqueue_dma source(%dma_start3A_205 : memref<4096x128xf32, #tpu.memory_space<any>>) target(%dma_start3A_202 : memref<4096x128xf32, #tpu.memory_space<vmem>>) target_semaphore(%dma_start3A_198 : memref<!tpu.dma_semaphore, #tpu.memory_space<semaphore_mem>>)
    %swap3A_206 = arith.constant 0 : index
    %swap3A_207 = arith.constant 8192 : index
    %swap3A_208 = vector.load %arg7[%swap3A_206, %swap3A_207] : memref<1x102400xf32, #tpu.memory_space<vmem>>, vector<1x4096xf32>
    tpu.vector_store %arg7[%swap3A_206, %swap3A_207], %add3A_194 {strides = array<i32>} : memref<1x102400xf32, #tpu.memory_space<vmem>>, vector<1x4096xf32>,
    %reduce_max3A_209 = vector.shape_cast %add3A_194 : vector<1x4096xf32> to vector<1x1x4096xf32>
    %reduce_max3A_210 = arith.constant dense<0xFF800000> : vector<1xf32>
    %reduce_max3A_211 = vector.multi_reduction <maximumf>, %reduce_max3A_209, %reduce_max3A_210 [1, 2] : vector<1x1x4096xf32> to vector<1xf32>
    %reduce_max3A_212 = vector.shape_cast %reduce_max3A_211 : vector<1xf32> to vector<1x1x1xf32>
    %reduce_max3A_213 = vector.extract %reduce_max3A_212[0, 0, 0] : f32 from vector<1x1x1xf32>
    %broadcast_in_dim3A_214 = vector.broadcast %reduce_max3A_213 : f32 to vector<1x1xf32>
    %max3A_215 = arith.maximumf %max3A_159, %broadcast_in_dim3A_214 : vector<1x1xf32>
    %sub3A_216 = arith.subf %max3A_159, %max3A_215 : vector<1x1xf32>
    %exp3A_217 = math.exp %sub3A_216 : vector<1x1xf32>
    %mul3A_218 = arith.mulf %add3A_172, %exp3A_217 : vector<1x1xf32>
    %sub3A_219 = vector.broadcast %max3A_215 : vector<1x1xf32> to vector<1x4096xf32>
    %sub3A_220 = arith.subf %add3A_194, %sub3A_219 : vector<1x4096xf32>
    %exp3A_221 = math.exp %sub3A_220 : vector<1x4096xf32>
    %reduce_sum3A_222 = vector.shape_cast %exp3A_221 : vector<1x4096xf32> to vector<1x1x4096xf32>
    %reduce_sum3A_223 = arith.constant dense<0.000000e+00> : vector<1xf32>
    %reduce_sum3A_224 = vector.multi_reduction <add>, %reduce_sum3A_222, %reduce_sum3A_223 [1, 2] : vector<1x1x4096xf32> to vector<1xf32>
    %reduce_sum3A_225 = vector.shape_cast %reduce_sum3A_224 : vector<1xf32> to vector<1x1x1xf32>
    %reduce_sum3A_226 = vector.extract %reduce_sum3A_225[0, 0, 0] : f32 from vector<1x1x1xf32>
    %broadcast_in_dim3A_227 = vector.broadcast %reduce_sum3A_226 : f32 to vector<1x1xf32>
    %add3A_228 = arith.addf %mul3A_218, %broadcast_in_dim3A_227 : vector<1x1xf32>
    %dma_wait3A_229 = arith.constant 3 : i32
    %dma_wait3A_230 = arith.constant 3 : i32
    %dma_wait3A_231 = tpu.memref_slice %arg8[%dma_wait3A_230] : memref<6x!tpu.dma_semaphore, #tpu.memory_space<semaphore_mem>> -> memref<1x!tpu.dma_semaphore, #tpu.memory_space<semaphore_mem>>
    %dma_wait3A_232 = tpu.memref_squeeze %dma_wait3A_231 : memref<1x!tpu.dma_semaphore, #tpu.memory_space<semaphore_mem>> -> memref<!tpu.dma_semaphore, #tpu.memory_space<semaphore_mem>>
    %dma_wait3A_233 = arith.constant 0 : i32
    %dma_wait3A_234 = arith.constant 0 : i32
    %dma_wait3A_235 = tpu.memref_slice %arg6[%dma_wait3A_229, %dma_wait3A_233, %dma_wait3A_234] : memref<6x4096x128xf32, #tpu.memory_space<vmem>> -> memref<1x4096x128xf32, #tpu.memory_space<vmem>>
    %dma_wait3A_236 = tpu.memref_squeeze %dma_wait3A_235 : memref<1x4096x128xf32, #tpu.memory_space<vmem>> -> memref<4096x128xf32, #tpu.memory_space<vmem>>
    %dma_wait3A_237 = arith.constant 12288 : i32
    %dma_wait3A_238 = arith.constant 0 : i32
    %dma_wait3A_239 = tpu.memref_slice %arg3[%dma_wait3A_237, %dma_wait3A_238] : memref<100000x128xf32, #tpu.memory_space<any>> -> memref<4096x128xf32, #tpu.memory_space<any>>
    tpu.wait_dma2 semaphore(%dma_wait3A_232 : memref<!tpu.dma_semaphore, #tpu.memory_space<semaphore_mem>>) src(%dma_wait3A_239 : memref<4096x128xf32, #tpu.memory_space<any>>) dst(%dma_wait3A_236 : memref<4096x128xf32, #tpu.memory_space<vmem>>)
    %get3A_240 = arith.constant 3 : index
    %get3A_241 = arith.constant 0 : index
    %get3A_242 = arith.constant 0 : index
    %get3A_243 = vector.load %arg6[%get3A_240, %get3A_241, %get3A_242] : memref<6x4096x128xf32, #tpu.memory_space<vmem>>, vector<1x4096x128xf32>
    %get3A_244 = vector.shape_cast %get3A_243 : vector<1x4096x128xf32> to vector<4096x128xf32>
    %dot_general3A_245 = arith.constant dense<0.000000e+00> : vector<1x4096xf32>
    %dot_general3A_246 = tpu.matmul %max3A_64, %get3A_244, %dot_general3A_245 {dimension_numbers = #tpu.dot_dimension_numbers<[1], [1], [0], [0], [0, 0, 1, 0], [], []>, transpose_lhs_hint = false} : vector<1x128xf32>, vector<4096x128xf32>, vector<1x4096xf32> -> vector<1x4096xf32>
    %get3A_247 = arith.constant 0 : index
    %get3A_248 = arith.constant 12288 : index
    %get3A_249 = vector.load %arg4[%get3A_247, %get3A_248] : memref<1x102400xf32, #tpu.memory_space<vmem>>, vector<1x4096xf32>
    %add3A_250 = arith.addf %dot_general3A_246, %get3A_249 : vector<1x4096xf32>
    %dma_start3A_251 = arith.constant 2 : i32
    %dma_start3A_252 = arith.constant 2 : i32
    %dma_start3A_253 = tpu.memref_slice %arg8[%dma_start3A_252] : memref<6x!tpu.dma_semaphore, #tpu.memory_space<semaphore_mem>> -> memref<1x!tpu.dma_semaphore, #tpu.memory_space<semaphore_mem>>
    %dma_start3A_254 = tpu.memref_squeeze %dma_start3A_253 : memref<1x!tpu.dma_semaphore, #tpu.memory_space<semaphore_mem>> -> memref<!tpu.dma_semaphore, #tpu.memory_space<semaphore_mem>>
    %dma_start3A_255 = arith.constant 0 : i32
    %dma_start3A_256 = arith.constant 0 : i32
    %dma_start3A_257 = tpu.memref_slice %arg6[%dma_start3A_251, %dma_start3A_255, %dma_start3A_256] : memref<6x4096x128xf32, #tpu.memory_space<vmem>> -> memref<1x4096x128xf32, #tpu.memory_space<vmem>>
    %dma_start3A_258 = tpu.memref_squeeze %dma_start3A_257 : memref<1x4096x128xf32, #tpu.memory_space<vmem>> -> memref<4096x128xf32, #tpu.memory_space<vmem>>
    %dma_start3A_259 = arith.constant 32768 : i32
    %dma_start3A_260 = arith.constant 0 : i32
    %dma_start3A_261 = tpu.memref_slice %arg3[%dma_start3A_259, %dma_start3A_260] : memref<100000x128xf32, #tpu.memory_space<any>> -> memref<4096x128xf32, #tpu.memory_space<any>>
    tpu.enqueue_dma source(%dma_start3A_261 : memref<4096x128xf32, #tpu.memory_space<any>>) target(%dma_start3A_258 : memref<4096x128xf32, #tpu.memory_space<vmem>>) target_semaphore(%dma_start3A_254 : memref<!tpu.dma_semaphore, #tpu.memory_space<semaphore_mem>>)
    %swap3A_262 = arith.constant 0 : index
    %swap3A_263 = arith.constant 12288 : index
    %swap3A_264 = vector.load %arg7[%swap3A_262, %swap3A_263] : memref<1x102400xf32, #tpu.memory_space<vmem>>, vector<1x4096xf32>
    tpu.vector_store %arg7[%swap3A_262, %swap3A_263], %add3A_250 {strides = array<i32>} : memref<1x102400xf32, #tpu.memory_space<vmem>>, vector<1x4096xf32>,
    %reduce_max3A_265 = vector.shape_cast %add3A_250 : vector<1x4096xf32> to vector<1x1x4096xf32>
    %reduce_max3A_266 = arith.constant dense<0xFF800000> : vector<1xf32>
    %reduce_max3A_267 = vector.multi_reduction <maximumf>, %reduce_max3A_265, %reduce_max3A_266 [1, 2] : vector<1x1x4096xf32> to vector<1xf32>
    %reduce_max3A_268 = vector.shape_cast %reduce_max3A_267 : vector<1xf32> to vector<1x1x1xf32>
    %reduce_max3A_269 = vector.extract %reduce_max3A_268[0, 0, 0] : f32 from vector<1x1x1xf32>
    %broadcast_in_dim3A_270 = vector.broadcast %reduce_max3A_269 : f32 to vector<1x1xf32>
    %max3A_271 = arith.maximumf %max3A_215, %broadcast_in_dim3A_270 : vector<1x1xf32>
    %sub3A_272 = arith.subf %max3A_215, %max3A_271 : vector<1x1xf32>
    %exp3A_273 = math.exp %sub3A_272 : vector<1x1xf32>
    %mul3A_274 = arith.mulf %add3A_228, %exp3A_273 : vector<1x1xf32>
    %sub3A_275 = vector.broadcast %max3A_271 : vector<1x1xf32> to vector<1x4096xf32>
    %sub3A_276 = arith.subf %add3A_250, %sub3A_275 : vector<1x4096xf32>
    %exp3A_277 = math.exp %sub3A_276 : vector<1x4096xf32>
    %reduce_sum3A_278 = vector.shape_cast %exp3A_277 : vector<1x4096xf32> to vector<1x1x4096xf32>
    %reduce_sum3A_279 = arith.constant dense<0.000000e+00> : vector<1xf32>
    %reduce_sum3A_280 = vector.multi_reduction <add>, %reduce_sum3A_278, %reduce_sum3A_279 [1, 2] : vector<1x1x4096xf32> to vector<1xf32>
    %reduce_sum3A_281 = vector.shape_cast %reduce_sum3A_280 : vector<1xf32> to vector<1x1x1xf32>
    %reduce_sum3A_282 = vector.extract %reduce_sum3A_281[0, 0, 0] : f32 from vector<1x1x1xf32>
    %broadcast_in_dim3A_283 = vector.broadcast %reduce_sum3A_282 : f32 to vector<1x1xf32>
    %add3A_284 = arith.addf %mul3A_274, %broadcast_in_dim3A_283 : vector<1x1xf32>
    %dma_wait3A_285 = arith.constant 4 : i32
    %dma_wait3A_286 = arith.constant 4 : i32
    %dma_wait3A_287 = tpu.memref_slice %arg8[%dma_wait3A_286] : memref<6x!tpu.dma_semaphore, #tpu.memory_space<semaphore_mem>> -> memref<1x!tpu.dma_semaphore, #tpu.memory_space<semaphore_mem>>
    %dma_wait3A_288 = tpu.memref_squeeze %dma_wait3A_287 : memref<1x!tpu.dma_semaphore, #tpu.memory_space<semaphore_mem>> -> memref<!tpu.dma_semaphore, #tpu.memory_space<semaphore_mem>>
    %dma_wait3A_289 = arith.constant 0 : i32
    %dma_wait3A_290 = arith.constant 0 : i32
    %dma_wait3A_291 = tpu.memref_slice %arg6[%dma_wait3A_285, %dma_wait3A_289, %dma_wait3A_290] : memref<6x4096x128xf32, #tpu.memory_space<vmem>> -> memref<1x4096x128xf32, #tpu.memory_space<vmem>>
    %dma_wait3A_292 = tpu.memref_squeeze %dma_wait3A_291 : memref<1x4096x128xf32, #tpu.memory_space<vmem>> -> memref<4096x128xf32, #tpu.memory_space<vmem>>
    %dma_wait3A_293 = arith.constant 16384 : i32
    %dma_wait3A_294 = arith.constant 0 : i32
    %dma_wait3A_295 = tpu.memref_slice %arg3[%dma_wait3A_293, %dma_wait3A_294] : memref<100000x128xf32, #tpu.memory_space<any>> -> memref<4096x128xf32, #tpu.memory_space<any>>
    tpu.wait_dma2 semaphore(%dma_wait3A_288 : memref<!tpu.dma_semaphore, #tpu.memory_space<semaphore_mem>>) src(%dma_wait3A_295 : memref<4096x128xf32, #tpu.memory_space<any>>) dst(%dma_wait3A_292 : memref<4096x128xf32, #tpu.memory_space<vmem>>)
    %get3A_296 = arith.constant 4 : index
    %get3A_297 = arith.constant 0 : index
    %get3A_298 = arith.constant 0 : index
    %get3A_299 = vector.load %arg6[%get3A_296, %get3A_297, %get3A_298] : memref<6x4096x128xf32, #tpu.memory_space<vmem>>, vector<1x4096x128xf32>
    %get3A_300 = vector.shape_cast %get3A_299 : vector<1x4096x128xf32> to vector<4096x128xf32>
    %dot_general3A_301 = arith.constant dense<0.000000e+00> : vector<1x4096xf32>
    %dot_general3A_302 = tpu.matmul %max3A_64, %get3A_300, %dot_general3A_301 {dimension_numbers = #tpu.dot_dimension_numbers<[1], [1], [0], [0], [0, 0, 1, 0], [], []>, transpose_lhs_hint = false} : vector<1x128xf32>, vector<4096x128xf32>, vector<1x4096xf32> -> vector<1x4096xf32>
    %get3A_303 = arith.constant 0 : index
    %get3A_304 = arith.constant 16384 : index
    %get3A_305 = vector.load %arg4[%get3A_303, %get3A_304] : memref<1x102400xf32, #tpu.memory_space<vmem>>, vector<1x4096xf32>
    %add3A_306 = arith.addf %dot_general3A_302, %get3A_305 : vector<1x4096xf32>
    %dma_start3A_307 = arith.constant 3 : i32
    %dma_start3A_308 = arith.constant 3 : i32
    %dma_start3A_309 = tpu.memref_slice %arg8[%dma_start3A_308] : memref<6x!tpu.dma_semaphore, #tpu.memory_space<semaphore_mem>> -> memref<1x!tpu.dma_semaphore, #tpu.memory_space<semaphore_mem>>
    %dma_start3A_310 = tpu.memref_squeeze %dma_start3A_309 : memref<1x!tpu.dma_semaphore, #tpu.memory_space<semaphore_mem>> -> memref<!tpu.dma_semaphore, #tpu.memory_space<semaphore_mem>>
    %dma_start3A_311 = arith.constant 0 : i32
    %dma_start3A_312 = arith.constant 0 : i32
    %dma_start3A_313 = tpu.memref_slice %arg6[%dma_start3A_307, %dma_start3A_311, %dma_start3A_312] : memref<6x4096x128xf32, #tpu.memory_space<vmem>> -> memref<1x4096x128xf32, #tpu.memory_space<vmem>>
    %dma_start3A_314 = tpu.memref_squeeze %dma_start3A_313 : memref<1x4096x128xf32, #tpu.memory_space<vmem>> -> memref<4096x128xf32, #tpu.memory_space<vmem>>
    %dma_start3A_315 = arith.constant 36864 : i32
    %dma_start3A_316 = arith.constant 0 : i32
    %dma_start3A_317 = tpu.memref_slice %arg3[%dma_start3A_315, %dma_start3A_316] : memref<100000x128xf32, #tpu.memory_space<any>> -> memref<4096x128xf32, #tpu.memory_space<any>>
    tpu.enqueue_dma source(%dma_start3A_317 : memref<4096x128xf32, #tpu.memory_space<any>>) target(%dma_start3A_314 : memref<4096x128xf32, #tpu.memory_space<vmem>>) target_semaphore(%dma_start3A_310 : memref<!tpu.dma_semaphore, #tpu.memory_space<semaphore_mem>>)
    %swap3A_318 = arith.constant 0 : index
    %swap3A_319 = arith.constant 16384 : index
    %swap3A_320 = vector.load %arg7[%swap3A_318, %swap3A_319] : memref<1x102400xf32, #tpu.memory_space<vmem>>, vector<1x4096xf32>
    tpu.vector_store %arg7[%swap3A_318, %swap3A_319], %add3A_306 {strides = array<i32>} : memref<1x102400xf32, #tpu.memory_space<vmem>>, vector<1x4096xf32>,
    %reduce_max3A_321 = vector.shape_cast %add3A_306 : vector<1x4096xf32> to vector<1x1x4096xf32>
    %reduce_max3A_322 = arith.constant dense<0xFF800000> : vector<1xf32>
    %reduce_max3A_323 = vector.multi_reduction <maximumf>, %reduce_max3A_321, %reduce_max3A_322 [1, 2] : vector<1x1x4096xf32> to vector<1xf32>
    %reduce_max3A_324 = vector.shape_cast %reduce_max3A_323 : vector<1xf32> to vector<1x1x1xf32>
    %reduce_max3A_325 = vector.extract %reduce_max3A_324[0, 0, 0] : f32 from vector<1x1x1xf32>
    %broadcast_in_dim3A_326 = vector.broadcast %reduce_max3A_325 : f32 to vector<1x1xf32>
    %max3A_327 = arith.maximumf %max3A_271, %broadcast_in_dim3A_326 : vector<1x1xf32>
    %sub3A_328 = arith.subf %max3A_271, %max3A_327 : vector<1x1xf32>
    %exp3A_329 = math.exp %sub3A_328 : vector<1x1xf32>
    %mul3A_330 = arith.mulf %add3A_284, %exp3A_329 : vector<1x1xf32>
    %sub3A_331 = vector.broadcast %max3A_327 : vector<1x1xf32> to vector<1x4096xf32>
    %sub3A_332 = arith.subf %add3A_306, %sub3A_331 : vector<1x4096xf32>
    %exp3A_333 = math.exp %sub3A_332 : vector<1x4096xf32>
    %reduce_sum3A_334 = vector.shape_cast %exp3A_333 : vector<1x4096xf32> to vector<1x1x4096xf32>
    %reduce_sum3A_335 = arith.constant dense<0.000000e+00> : vector<1xf32>
    %reduce_sum3A_336 = vector.multi_reduction <add>, %reduce_sum3A_334, %reduce_sum3A_335 [1, 2] : vector<1x1x4096xf32> to vector<1xf32>
    %reduce_sum3A_337 = vector.shape_cast %reduce_sum3A_336 : vector<1xf32> to vector<1x1x1xf32>
    %reduce_sum3A_338 = vector.extract %reduce_sum3A_337[0, 0, 0] : f32 from vector<1x1x1xf32>
    %broadcast_in_dim3A_339 = vector.broadcast %reduce_sum3A_338 : f32 to vector<1x1xf32>
    %add3A_340 = arith.addf %mul3A_330, %broadcast_in_dim3A_339 : vector<1x1xf32>
    %dma_wait3A_341 = arith.constant 5 : i32
    %dma_wait3A_342 = arith.constant 5 : i32
    %dma_wait3A_343 = tpu.memref_slice %arg8[%dma_wait3A_342] : memref<6x!tpu.dma_semaphore, #tpu.memory_space<semaphore_mem>> -> memref<1x!tpu.dma_semaphore, #tpu.memory_space<semaphore_mem>>
    %dma_wait3A_344 = tpu.memref_squeeze %dma_wait3A_343 : memref<1x!tpu.dma_semaphore, #tpu.memory_space<semaphore_mem>> -> memref<!tpu.dma_semaphore, #tpu.memory_space<semaphore_mem>>
    %dma_wait3A_345 = arith.constant 0 : i32
    %dma_wait3A_346 = arith.constant 0 : i32
    %dma_wait3A_347 = tpu.memref_slice %arg6[%dma_wait3A_341, %dma_wait3A_345, %dma_wait3A_346] : memref<6x4096x128xf32, #tpu.memory_space<vmem>> -> memref<1x4096x128xf32, #tpu.memory_space<vmem>>
    %dma_wait3A_348 = tpu.memref_squeeze %dma_wait3A_347 : memref<1x4096x128xf32, #tpu.memory_space<vmem>> -> memref<4096x128xf32, #tpu.memory_space<vmem>>
    %dma_wait3A_349 = arith.constant 20480 : i32
    %dma_wait3A_350 = arith.constant 0 : i32
    %dma_wait3A_351 = tpu.memref_slice %arg3[%dma_wait3A_349, %dma_wait3A_350] : memref<100000x128xf32, #tpu.memory_space<any>> -> memref<4096x128xf32, #tpu.memory_space<any>>
    tpu.wait_dma2 semaphore(%dma_wait3A_344 : memref<!tpu.dma_semaphore, #tpu.memory_space<semaphore_mem>>) src(%dma_wait3A_351 : memref<4096x128xf32, #tpu.memory_space<any>>) dst(%dma_wait3A_348 : memref<4096x128xf32, #tpu.memory_space<vmem>>)
    %get3A_352 = arith.constant 5 : index
    %get3A_353 = arith.constant 0 : index
    %get3A_354 = arith.constant 0 : index
    %get3A_355 = vector.load %arg6[%get3A_352, %get3A_353, %get3A_354] : memref<6x4096x128xf32, #tpu.memory_space<vmem>>, vector<1x4096x128xf32>
    %get3A_356 = vector.shape_cast %get3A_355 : vector<1x4096x128xf32> to vector<4096x128xf32>
    %dot_general3A_357 = arith.constant dense<0.000000e+00> : vector<1x4096xf32>
    %dot_general3A_358 = tpu.matmul %max3A_64, %get3A_356, %dot_general3A_357 {dimension_numbers = #tpu.dot_dimension_numbers<[1], [1], [0], [0], [0, 0, 1, 0], [], []>, transpose_lhs_hint = false} : vector<1x128xf32>, vector<4096x128xf32>, vector<1x4096xf32> -> vector<1x4096xf32>
    %get3A_359 = arith.constant 0 : index
    %get3A_360 = arith.constant 20480 : index
    %get3A_361 = vector.load %arg4[%get3A_359, %get3A_360] : memref<1x102400xf32, #tpu.memory_space<vmem>>, vector<1x4096xf32>
    %add3A_362 = arith.addf %dot_general3A_358, %get3A_361 : vector<1x4096xf32>
    %dma_start3A_363 = arith.constant 4 : i32
    %dma_start3A_364 = arith.constant 4 : i32
    %dma_start3A_365 = tpu.memref_slice %arg8[%dma_start3A_364] : memref<6x!tpu.dma_semaphore, #tpu.memory_space<semaphore_mem>> -> memref<1x!tpu.dma_semaphore, #tpu.memory_space<semaphore_mem>>
    %dma_start3A_366 = tpu.memref_squeeze %dma_start3A_365 : memref<1x!tpu.dma_semaphore, #tpu.memory_space<semaphore_mem>> -> memref<!tpu.dma_semaphore, #tpu.memory_space<semaphore_mem>>
    %dma_start3A_367 = arith.constant 0 : i32
    %dma_start3A_368 = arith.constant 0 : i32
    %dma_start3A_369 = tpu.memref_slice %arg6[%dma_start3A_363, %dma_start3A_367, %dma_start3A_368] : memref<6x4096x128xf32, #tpu.memory_space<vmem>> -> memref<1x4096x128xf32, #tpu.memory_space<vmem>>
    %dma_start3A_370 = tpu.memref_squeeze %dma_start3A_369 : memref<1x4096x128xf32, #tpu.memory_space<vmem>> -> memref<4096x128xf32, #tpu.memory_space<vmem>>
    %dma_start3A_371 = arith.constant 40960 : i32
    %dma_start3A_372 = arith.constant 0 : i32
    %dma_start3A_373 = tpu.memref_slice %arg3[%dma_start3A_371, %dma_start3A_372] : memref<100000x128xf32, #tpu.memory_space<any>> -> memref<4096x128xf32, #tpu.memory_space<any>>
    tpu.enqueue_dma source(%dma_start3A_373 : memref<4096x128xf32, #tpu.memory_space<any>>) target(%dma_start3A_370 : memref<4096x128xf32, #tpu.memory_space<vmem>>) target_semaphore(%dma_start3A_366 : memref<!tpu.dma_semaphore, #tpu.memory_space<semaphore_mem>>)
    %swap3A_374 = arith.constant 0 : index
    %swap3A_375 = arith.constant 20480 : index
    %swap3A_376 = vector.load %arg7[%swap3A_374, %swap3A_375] : memref<1x102400xf32, #tpu.memory_space<vmem>>, vector<1x4096xf32>
    tpu.vector_store %arg7[%swap3A_374, %swap3A_375], %add3A_362 {strides = array<i32>} : memref<1x102400xf32, #tpu.memory_space<vmem>>, vector<1x4096xf32>,
    %reduce_max3A_377 = vector.shape_cast %add3A_362 : vector<1x4096xf32> to vector<1x1x4096xf32>
    %reduce_max3A_378 = arith.constant dense<0xFF800000> : vector<1xf32>
    %reduce_max3A_379 = vector.multi_reduction <maximumf>, %reduce_max3A_377, %reduce_max3A_378 [1, 2] : vector<1x1x4096xf32> to vector<1xf32>
    %reduce_max3A_380 = vector.shape_cast %reduce_max3A_379 : vector<1xf32> to vector<1x1x1xf32>
    %reduce_max3A_381 = vector.extract %reduce_max3A_380[0, 0, 0] : f32 from vector<1x1x1xf32>
    %broadcast_in_dim3A_382 = vector.broadcast %reduce_max3A_381 : f32 to vector<1x1xf32>
    %max3A_383 = arith.maximumf %max3A_327, %broadcast_in_dim3A_382 : vector<1x1xf32>
    %sub3A_384 = arith.subf %max3A_327, %max3A_383 : vector<1x1xf32>
    %exp3A_385 = math.exp %sub3A_384 : vector<1x1xf32>
    %mul3A_386 = arith.mulf %add3A_340, %exp3A_385 : vector<1x1xf32>
    %sub3A_387 = vector.broadcast %max3A_383 : vector<1x1xf32> to vector<1x4096xf32>
    %sub3A_388 = arith.subf %add3A_362, %sub3A_387 : vector<1x4096xf32>
    %exp3A_389 = math.exp %sub3A_388 : vector<1x4096xf32>
    %reduce_sum3A_390 = vector.shape_cast %exp3A_389 : vector<1x4096xf32> to vector<1x1x4096xf32>
    %reduce_sum3A_391 = arith.constant dense<0.000000e+00> : vector<1xf32>
    %reduce_sum3A_392 = vector.multi_reduction <add>, %reduce_sum3A_390, %reduce_sum3A_391 [1, 2] : vector<1x1x4096xf32> to vector<1xf32>
    %reduce_sum3A_393 = vector.shape_cast %reduce_sum3A_392 : vector<1xf32> to vector<1x1x1xf32>
    %reduce_sum3A_394 = vector.extract %reduce_sum3A_393[0, 0, 0] : f32 from vector<1x1x1xf32>
    %broadcast_in_dim3A_395 = vector.broadcast %reduce_sum3A_394 : f32 to vector<1x1xf32>
    %add3A_396 = arith.addf %mul3A_386, %broadcast_in_dim3A_395 : vector<1x1xf32>
    %dma_wait3A_397 = arith.constant 0 : i32
    %dma_wait3A_398 = arith.constant 0 : i32
    %dma_wait3A_399 = tpu.memref_slice %arg8[%dma_wait3A_398] : memref<6x!tpu.dma_semaphore, #tpu.memory_space<semaphore_mem>> -> memref<1x!tpu.dma_semaphore, #tpu.memory_space<semaphore_mem>>
    %dma_wait3A_400 = tpu.memref_squeeze %dma_wait3A_399 : memref<1x!tpu.dma_semaphore, #tpu.memory_space<semaphore_mem>> -> memref<!tpu.dma_semaphore, #tpu.memory_space<semaphore_mem>>
    %dma_wait3A_401 = arith.constant 0 : i32
    %dma_wait3A_402 = arith.constant 0 : i32
    %dma_wait3A_403 = tpu.memref_slice %arg6[%dma_wait3A_397, %dma_wait3A_401, %dma_wait3A_402] : memref<6x4096x128xf32, #tpu.memory_space<vmem>> -> memref<1x4096x128xf32, #tpu.memory_space<vmem>>
    %dma_wait3A_404 = tpu.memref_squeeze %dma_wait3A_403 : memref<1x4096x128xf32, #tpu.memory_space<vmem>> -> memref<4096x128xf32, #tpu.memory_space<vmem>>
    %dma_wait3A_405 = arith.constant 24576 : i32
    %dma_wait3A_406 = arith.constant 0 : i32
    %dma_wait3A_407 = tpu.memref_slice %arg3[%dma_wait3A_405, %dma_wait3A_406] : memref<100000x128xf32, #tpu.memory_space<any>> -> memref<4096x128xf32, #tpu.memory_space<any>>
    tpu.wait_dma2 semaphore(%dma_wait3A_400 : memref<!tpu.dma_semaphore, #tpu.memory_space<semaphore_mem>>) src(%dma_wait3A_407 : memref<4096x128xf32, #tpu.memory_space<any>>) dst(%dma_wait3A_404 : memref<4096x128xf32, #tpu.memory_space<vmem>>)
    %get3A_408 = arith.constant 0 : index
    %get3A_409 = arith.constant 0 : index
    %get3A_410 = arith.constant 0 : index
    %get3A_411 = vector.load %arg6[%get3A_408, %get3A_409, %get3A_410] : memref<6x4096x128xf32, #tpu.memory_space<vmem>>, vector<1x4096x128xf32>
    %get3A_412 = vector.shape_cast %get3A_411 : vector<1x4096x128xf32> to vector<4096x128xf32>
    %dot_general3A_413 = arith.constant dense<0.000000e+00> : vector<1x4096xf32>
    %dot_general3A_414 = tpu.matmul %max3A_64, %get3A_412, %dot_general3A_413 {dimension_numbers = #tpu.dot_dimension_numbers<[1], [1], [0], [0], [0, 0, 1, 0], [], []>, transpose_lhs_hint = false} : vector<1x128xf32>, vector<4096x128xf32>, vector<1x4096xf32> -> vector<1x4096xf32>
    %get3A_415 = arith.constant 0 : index
    %get3A_416 = arith.constant 24576 : index
    %get3A_417 = vector.load %arg4[%get3A_415, %get3A_416] : memref<1x102400xf32, #tpu.memory_space<vmem>>, vector<1x4096xf32>
    %add3A_418 = arith.addf %dot_general3A_414, %get3A_417 : vector<1x4096xf32>
    %dma_start3A_419 = arith.constant 5 : i32
    %dma_start3A_420 = arith.constant 5 : i32
    %dma_start3A_421 = tpu.memref_slice %arg8[%dma_start3A_420] : memref<6x!tpu.dma_semaphore, #tpu.memory_space<semaphore_mem>> -> memref<1x!tpu.dma_semaphore, #tpu.memory_space<semaphore_mem>>
    %dma_start3A_422 = tpu.memref_squeeze %dma_start3A_421 : memref<1x!tpu.dma_semaphore, #tpu.memory_space<semaphore_mem>> -> memref<!tpu.dma_semaphore, #tpu.memory_space<semaphore_mem>>
    %dma_start3A_423 = arith.constant 0 : i32
    %dma_start3A_424 = arith.constant 0 : i32
    %dma_start3A_425 = tpu.memref_slice %arg6[%dma_start3A_419, %dma_start3A_423, %dma_start3A_424] : memref<6x4096x128xf32, #tpu.memory_space<vmem>> -> memref<1x4096x128xf32, #tpu.memory_space<vmem>>
    %dma_start3A_426 = tpu.memref_squeeze %dma_start3A_425 : memref<1x4096x128xf32, #tpu.memory_space<vmem>> -> memref<4096x128xf32, #tpu.memory_space<vmem>>
    %dma_start3A_427 = arith.constant 45056 : i32
    %dma_start3A_428 = arith.constant 0 : i32
    %dma_start3A_429 = tpu.memref_slice %arg3[%dma_start3A_427, %dma_start3A_428] : memref<100000x128xf32, #tpu.memory_space<any>> -> memref<4096x128xf32, #tpu.memory_space<any>>
    tpu.enqueue_dma source(%dma_start3A_429 : memref<4096x128xf32, #tpu.memory_space<any>>) target(%dma_start3A_426 : memref<4096x128xf32, #tpu.memory_space<vmem>>) target_semaphore(%dma_start3A_422 : memref<!tpu.dma_semaphore, #tpu.memory_space<semaphore_mem>>)
    %swap3A_430 = arith.constant 0 : index
    %swap3A_431 = arith.constant 24576 : index
    %swap3A_432 = vector.load %arg7[%swap3A_430, %swap3A_431] : memref<1x102400xf32, #tpu.memory_space<vmem>>, vector<1x4096xf32>
    tpu.vector_store %arg7[%swap3A_430, %swap3A_431], %add3A_418 {strides = array<i32>} : memref<1x102400xf32, #tpu.memory_space<vmem>>, vector<1x4096xf32>,
    %reduce_max3A_433 = vector.shape_cast %add3A_418 : vector<1x4096xf32> to vector<1x1x4096xf32>
    %reduce_max3A_434 = arith.constant dense<0xFF800000> : vector<1xf32>
    %reduce_max3A_435 = vector.multi_reduction <maximumf>, %reduce_max3A_433, %reduce_max3A_434 [1, 2] : vector<1x1x4096xf32> to vector<1xf32>
    %reduce_max3A_436 = vector.shape_cast %reduce_max3A_435 : vector<1xf32> to vector<1x1x1xf32>
    %reduce_max3A_437 = vector.extract %reduce_max3A_436[0, 0, 0] : f32 from vector<1x1x1xf32>
    %broadcast_in_dim3A_438 = vector.broadcast %reduce_max3A_437 : f32 to vector<1x1xf32>
    %max3A_439 = arith.maximumf %max3A_383, %broadcast_in_dim3A_438 : vector<1x1xf32>
    %sub3A_440 = arith.subf %max3A_383, %max3A_439 : vector<1x1xf32>
    %exp3A_441 = math.exp %sub3A_440 : vector<1x1xf32>
    %mul3A_442 = arith.mulf %add3A_396, %exp3A_441 : vector<1x1xf32>
    %sub3A_443 = vector.broadcast %max3A_439 : vector<1x1xf32> to vector<1x4096xf32>
    %sub3A_444 = arith.subf %add3A_418, %sub3A_443 : vector<1x4096xf32>
    %exp3A_445 = math.exp %sub3A_444 : vector<1x4096xf32>
    %reduce_sum3A_446 = vector.shape_cast %exp3A_445 : vector<1x4096xf32> to vector<1x1x4096xf32>
    %reduce_sum3A_447 = arith.constant dense<0.000000e+00> : vector<1xf32>
    %reduce_sum3A_448 = vector.multi_reduction <add>, %reduce_sum3A_446, %reduce_sum3A_447 [1, 2] : vector<1x1x4096xf32> to vector<1xf32>
    %reduce_sum3A_449 = vector.shape_cast %reduce_sum3A_448 : vector<1xf32> to vector<1x1x1xf32>
    %reduce_sum3A_450 = vector.extract %reduce_sum3A_449[0, 0, 0] : f32 from vector<1x1x1xf32>
    %broadcast_in_dim3A_451 = vector.broadcast %reduce_sum3A_450 : f32 to vector<1x1xf32>
    %add3A_452 = arith.addf %mul3A_442, %broadcast_in_dim3A_451 : vector<1x1xf32>
    %dma_wait3A_453 = arith.constant 1 : i32
    %dma_wait3A_454 = arith.constant 1 : i32
    %dma_wait3A_455 = tpu.memref_slice %arg8[%dma_wait3A_454] : memref<6x!tpu.dma_semaphore, #tpu.memory_space<semaphore_mem>> -> memref<1x!tpu.dma_semaphore, #tpu.memory_space<semaphore_mem>>
    %dma_wait3A_456 = tpu.memref_squeeze %dma_wait3A_455 : memref<1x!tpu.dma_semaphore, #tpu.memory_space<semaphore_mem>> -> memref<!tpu.dma_semaphore, #tpu.memory_space<semaphore_mem>>
    %dma_wait3A_457 = arith.constant 0 : i32
    %dma_wait3A_458 = arith.constant 0 : i32
    %dma_wait3A_459 = tpu.memref_slice %arg6[%dma_wait3A_453, %dma_wait3A_457, %dma_wait3A_458] : memref<6x4096x128xf32, #tpu.memory_space<vmem>> -> memref<1x4096x128xf32, #tpu.memory_space<vmem>>
    %dma_wait3A_460 = tpu.memref_squeeze %dma_wait3A_459 : memref<1x4096x128xf32, #tpu.memory_space<vmem>> -> memref<4096x128xf32, #tpu.memory_space<vmem>>
    %dma_wait3A_461 = arith.constant 28672 : i32
    %dma_wait3A_462 = arith.constant 0 : i32
    %dma_wait3A_463 = tpu.memref_slice %arg3[%dma_wait3A_461, %dma_wait3A_462] : memref<100000x128xf32, #tpu.memory_space<any>> -> memref<4096x128xf32, #tpu.memory_space<any>>
    tpu.wait_dma2 semaphore(%dma_wait3A_456 : memref<!tpu.dma_semaphore, #tpu.memory_space<semaphore_mem>>) src(%dma_wait3A_463 : memref<4096x128xf32, #tpu.memory_space<any>>) dst(%dma_wait3A_460 : memref<4096x128xf32, #tpu.memory_space<vmem>>)
    %get3A_464 = arith.constant 1 : index
    %get3A_465 = arith.constant 0 : index
    %get3A_466 = arith.constant 0 : index
    %get3A_467 = vector.load %arg6[%get3A_464, %get3A_465, %get3A_466] : memref<6x4096x128xf32, #tpu.memory_space<vmem>>, vector<1x4096x128xf32>
    %get3A_468 = vector.shape_cast %get3A_467 : vector<1x4096x128xf32> to vector<4096x128xf32>
    %dot_general3A_469 = arith.constant dense<0.000000e+00> : vector<1x4096xf32>
    %dot_general3A_470 = tpu.matmul %max3A_64, %get3A_468, %dot_general3A_469 {dimension_numbers = #tpu.dot_dimension_numbers<[1], [1], [0], [0], [0, 0, 1, 0], [], []>, transpose_lhs_hint = false} : vector<1x128xf32>, vector<4096x128xf32>, vector<1x4096xf32> -> vector<1x4096xf32>
    %get3A_471 = arith.constant 0 : index
    %get3A_472 = arith.constant 28672 : index
    %get3A_473 = vector.load %arg4[%get3A_471, %get3A_472] : memref<1x102400xf32, #tpu.memory_space<vmem>>, vector<1x4096xf32>
    %add3A_474 = arith.addf %dot_general3A_470, %get3A_473 : vector<1x4096xf32>
    %dma_start3A_475 = arith.constant 0 : i32
    %dma_start3A_476 = arith.constant 0 : i32
    %dma_start3A_477 = tpu.memref_slice %arg8[%dma_start3A_476] : memref<6x!tpu.dma_semaphore, #tpu.memory_space<semaphore_mem>> -> memref<1x!tpu.dma_semaphore, #tpu.memory_space<semaphore_mem>>
    %dma_start3A_478 = tpu.memref_squeeze %dma_start3A_477 : memref<1x!tpu.dma_semaphore, #tpu.memory_space<semaphore_mem>> -> memref<!tpu.dma_semaphore, #tpu.memory_space<semaphore_mem>>
    %dma_start3A_479 = arith.constant 0 : i32
    %dma_start3A_480 = arith.constant 0 : i32
    %dma_start3A_481 = tpu.memref_slice %arg6[%dma_start3A_475, %dma_start3A_479, %dma_start3A_480] : memref<6x4096x128xf32, #tpu.memory_space<vmem>> -> memref<1x4096x128xf32, #tpu.memory_space<vmem>>
    %dma_start3A_482 = tpu.memref_squeeze %dma_start3A_481 : memref<1x4096x128xf32, #tpu.memory_space<vmem>> -> memref<4096x128xf32, #tpu.memory_space<vmem>>
    %dma_start3A_483 = arith.constant 49152 : i32
    %dma_start3A_484 = arith.constant 0 : i32
    %dma_start3A_485 = tpu.memref_slice %arg3[%dma_start3A_483, %dma_start3A_484] : memref<100000x128xf32, #tpu.memory_space<any>> -> memref<4096x128xf32, #tpu.memory_space<any>>
    tpu.enqueue_dma source(%dma_start3A_485 : memref<4096x128xf32, #tpu.memory_space<any>>) target(%dma_start3A_482 : memref<4096x128xf32, #tpu.memory_space<vmem>>) target_semaphore(%dma_start3A_478 : memref<!tpu.dma_semaphore, #tpu.memory_space<semaphore_mem>>)
    %swap3A_486 = arith.constant 0 : index
    %swap3A_487 = arith.constant 28672 : index
    %swap3A_488 = vector.load %arg7[%swap3A_486, %swap3A_487] : memref<1x102400xf32, #tpu.memory_space<vmem>>, vector<1x4096xf32>
    tpu.vector_store %arg7[%swap3A_486, %swap3A_487], %add3A_474 {strides = array<i32>} : memref<1x102400xf32, #tpu.memory_space<vmem>>, vector<1x4096xf32>,
    %reduce_max3A_489 = vector.shape_cast %add3A_474 : vector<1x4096xf32> to vector<1x1x4096xf32>
    %reduce_max3A_490 = arith.constant dense<0xFF800000> : vector<1xf32>
    %reduce_max3A_491 = vector.multi_reduction <maximumf>, %reduce_max3A_489, %reduce_max3A_490 [1, 2] : vector<1x1x4096xf32> to vector<1xf32>
    %reduce_max3A_492 = vector.shape_cast %reduce_max3A_491 : vector<1xf32> to vector<1x1x1xf32>
    %reduce_max3A_493 = vector.extract %reduce_max3A_492[0, 0, 0] : f32 from vector<1x1x1xf32>
    %broadcast_in_dim3A_494 = vector.broadcast %reduce_max3A_493 : f32 to vector<1x1xf32>
    %max3A_495 = arith.maximumf %max3A_439, %broadcast_in_dim3A_494 : vector<1x1xf32>
    %sub3A_496 = arith.subf %max3A_439, %max3A_495 : vector<1x1xf32>
    %exp3A_497 = math.exp %sub3A_496 : vector<1x1xf32>
    %mul3A_498 = arith.mulf %add3A_452, %exp3A_497 : vector<1x1xf32>
    %sub3A_499 = vector.broadcast %max3A_495 : vector<1x1xf32> to vector<1x4096xf32>
    %sub3A_500 = arith.subf %add3A_474, %sub3A_499 : vector<1x4096xf32>
    %exp3A_501 = math.exp %sub3A_500 : vector<1x4096xf32>
    %reduce_sum3A_502 = vector.shape_cast %exp3A_501 : vector<1x4096xf32> to vector<1x1x4096xf32>
    %reduce_sum3A_503 = arith.constant dense<0.000000e+00> : vector<1xf32>
    %reduce_sum3A_504 = vector.multi_reduction <add>, %reduce_sum3A_502, %reduce_sum3A_503 [1, 2] : vector<1x1x4096xf32> to vector<1xf32>
    %reduce_sum3A_505 = vector.shape_cast %reduce_sum3A_504 : vector<1xf32> to vector<1x1x1xf32>
    %reduce_sum3A_506 = vector.extract %reduce_sum3A_505[0, 0, 0] : f32 from vector<1x1x1xf32>
    %broadcast_in_dim3A_507 = vector.broadcast %reduce_sum3A_506 : f32 to vector<1x1xf32>
    %add3A_508 = arith.addf %mul3A_498, %broadcast_in_dim3A_507 : vector<1x1xf32>
    %dma_wait3A_509 = arith.constant 2 : i32
    %dma_wait3A_510 = arith.constant 2 : i32
    %dma_wait3A_511 = tpu.memref_slice %arg8[%dma_wait3A_510] : memref<6x!tpu.dma_semaphore, #tpu.memory_space<semaphore_mem>> -> memref<1x!tpu.dma_semaphore, #tpu.memory_space<semaphore_mem>>
    %dma_wait3A_512 = tpu.memref_squeeze %dma_wait3A_511 : memref<1x!tpu.dma_semaphore, #tpu.memory_space<semaphore_mem>> -> memref<!tpu.dma_semaphore, #tpu.memory_space<semaphore_mem>>
    %dma_wait3A_513 = arith.constant 0 : i32
    %dma_wait3A_514 = arith.constant 0 : i32
    %dma_wait3A_515 = tpu.memref_slice %arg6[%dma_wait3A_509, %dma_wait3A_513, %dma_wait3A_514] : memref<6x4096x128xf32, #tpu.memory_space<vmem>> -> memref<1x4096x128xf32, #tpu.memory_space<vmem>>
    %dma_wait3A_516 = tpu.memref_squeeze %dma_wait3A_515 : memref<1x4096x128xf32, #tpu.memory_space<vmem>> -> memref<4096x128xf32, #tpu.memory_space<vmem>>
    %dma_wait3A_517 = arith.constant 32768 : i32
    %dma_wait3A_518 = arith.constant 0 : i32
    %dma_wait3A_519 = tpu.memref_slice %arg3[%dma_wait3A_517, %dma_wait3A_518] : memref<100000x128xf32, #tpu.memory_space<any>> -> memref<4096x128xf32, #tpu.memory_space<any>>
    tpu.wait_dma2 semaphore(%dma_wait3A_512 : memref<!tpu.dma_semaphore, #tpu.memory_space<semaphore_mem>>) src(%dma_wait3A_519 : memref<4096x128xf32, #tpu.memory_space<any>>) dst(%dma_wait3A_516 : memref<4096x128xf32, #tpu.memory_space<vmem>>)
    %get3A_520 = arith.constant 2 : index
    %get3A_521 = arith.constant 0 : index
    %get3A_522 = arith.constant 0 : index
    %get3A_523 = vector.load %arg6[%get3A_520, %get3A_521, %get3A_522] : memref<6x4096x128xf32, #tpu.memory_space<vmem>>, vector<1x4096x128xf32>
    %get3A_524 = vector.shape_cast %get3A_523 : vector<1x4096x128xf32> to vector<4096x128xf32>
    %dot_general3A_525 = arith.constant dense<0.000000e+00> : vector<1x4096xf32>
    %dot_general3A_526 = tpu.matmul %max3A_64, %get3A_524, %dot_general3A_525 {dimension_numbers = #tpu.dot_dimension_numbers<[1], [1], [0], [0], [0, 0, 1, 0], [], []>, transpose_lhs_hint = false} : vector<1x128xf32>, vector<4096x128xf32>, vector<1x4096xf32> -> vector<1x4096xf32>
    %get3A_527 = arith.constant 0 : index
    %get3A_528 = arith.constant 32768 : index
    %get3A_529 = vector.load %arg4[%get3A_527, %get3A_528] : memref<1x102400xf32, #tpu.memory_space<vmem>>, vector<1x4096xf32>
    %add3A_530 = arith.addf %dot_general3A_526, %get3A_529 : vector<1x4096xf32>
    %dma_start3A_531 = arith.constant 1 : i32
    %dma_start3A_532 = arith.constant 1 : i32
    %dma_start3A_533 = tpu.memref_slice %arg8[%dma_start3A_532] : memref<6x!tpu.dma_semaphore, #tpu.memory_space<semaphore_mem>> -> memref<1x!tpu.dma_semaphore, #tpu.memory_space<semaphore_mem>>
    %dma_start3A_534 = tpu.memref_squeeze %dma_start3A_533 : memref<1x!tpu.dma_semaphore, #tpu.memory_space<semaphore_mem>> -> memref<!tpu.dma_semaphore, #tpu.memory_space<semaphore_mem>>
    %dma_start3A_535 = arith.constant 0 : i32
    %dma_start3A_536 = arith.constant 0 : i32
    %dma_start3A_537 = tpu.memref_slice %arg6[%dma_start3A_531, %dma_start3A_535, %dma_start3A_536] : memref<6x4096x128xf32, #tpu.memory_space<vmem>> -> memref<1x4096x128xf32, #tpu.memory_space<vmem>>
    %dma_start3A_538 = tpu.memref_squeeze %dma_start3A_537 : memref<1x4096x128xf32, #tpu.memory_space<vmem>> -> memref<4096x128xf32, #tpu.memory_space<vmem>>
    %dma_start3A_539 = arith.constant 53248 : i32
    %dma_start3A_540 = arith.constant 0 : i32
    %dma_start3A_541 = tpu.memref_slice %arg3[%dma_start3A_539, %dma_start3A_540] : memref<100000x128xf32, #tpu.memory_space<any>> -> memref<4096x128xf32, #tpu.memory_space<any>>
    tpu.enqueue_dma source(%dma_start3A_541 : memref<4096x128xf32, #tpu.memory_space<any>>) target(%dma_start3A_538 : memref<4096x128xf32, #tpu.memory_space<vmem>>) target_semaphore(%dma_start3A_534 : memref<!tpu.dma_semaphore, #tpu.memory_space<semaphore_mem>>)
    %swap3A_542 = arith.constant 0 : index
    %swap3A_543 = arith.constant 32768 : index
    %swap3A_544 = vector.load %arg7[%swap3A_542, %swap3A_543] : memref<1x102400xf32, #tpu.memory_space<vmem>>, vector<1x4096xf32>
    tpu.vector_store %arg7[%swap3A_542, %swap3A_543], %add3A_530 {strides = array<i32>} : memref<1x102400xf32, #tpu.memory_space<vmem>>, vector<1x4096xf32>,
    %reduce_max3A_545 = vector.shape_cast %add3A_530 : vector<1x4096xf32> to vector<1x1x4096xf32>
    %reduce_max3A_546 = arith.constant dense<0xFF800000> : vector<1xf32>
    %reduce_max3A_547 = vector.multi_reduction <maximumf>, %reduce_max3A_545, %reduce_max3A_546 [1, 2] : vector<1x1x4096xf32> to vector<1xf32>
    %reduce_max3A_548 = vector.shape_cast %reduce_max3A_547 : vector<1xf32> to vector<1x1x1xf32>
    %reduce_max3A_549 = vector.extract %reduce_max3A_548[0, 0, 0] : f32 from vector<1x1x1xf32>
    %broadcast_in_dim3A_550 = vector.broadcast %reduce_max3A_549 : f32 to vector<1x1xf32>
    %max3A_551 = arith.maximumf %max3A_495, %broadcast_in_dim3A_550 : vector<1x1xf32>
    %sub3A_552 = arith.subf %max3A_495, %max3A_551 : vector<1x1xf32>
    %exp3A_553 = math.exp %sub3A_552 : vector<1x1xf32>
    %mul3A_554 = arith.mulf %add3A_508, %exp3A_553 : vector<1x1xf32>
    %sub3A_555 = vector.broadcast %max3A_551 : vector<1x1xf32> to vector<1x4096xf32>
    %sub3A_556 = arith.subf %add3A_530, %sub3A_555 : vector<1x4096xf32>
    %exp3A_557 = math.exp %sub3A_556 : vector<1x4096xf32>
    %reduce_sum3A_558 = vector.shape_cast %exp3A_557 : vector<1x4096xf32> to vector<1x1x4096xf32>
    %reduce_sum3A_559 = arith.constant dense<0.000000e+00> : vector<1xf32>
    %reduce_sum3A_560 = vector.multi_reduction <add>, %reduce_sum3A_558, %reduce_sum3A_559 [1, 2] : vector<1x1x4096xf32> to vector<1xf32>
    %reduce_sum3A_561 = vector.shape_cast %reduce_sum3A_560 : vector<1xf32> to vector<1x1x1xf32>
    %reduce_sum3A_562 = vector.extract %reduce_sum3A_561[0, 0, 0] : f32 from vector<1x1x1xf32>
    %broadcast_in_dim3A_563 = vector.broadcast %reduce_sum3A_562 : f32 to vector<1x1xf32>
    %add3A_564 = arith.addf %mul3A_554, %broadcast_in_dim3A_563 : vector<1x1xf32>
    %dma_wait3A_565 = arith.constant 3 : i32
    %dma_wait3A_566 = arith.constant 3 : i32
    %dma_wait3A_567 = tpu.memref_slice %arg8[%dma_wait3A_566] : memref<6x!tpu.dma_semaphore, #tpu.memory_space<semaphore_mem>> -> memref<1x!tpu.dma_semaphore, #tpu.memory_space<semaphore_mem>>
    %dma_wait3A_568 = tpu.memref_squeeze %dma_wait3A_567 : memref<1x!tpu.dma_semaphore, #tpu.memory_space<semaphore_mem>> -> memref<!tpu.dma_semaphore, #tpu.memory_space<semaphore_mem>>
    %dma_wait3A_569 = arith.constant 0 : i32
    %dma_wait3A_570 = arith.constant 0 : i32
    %dma_wait3A_571 = tpu.memref_slice %arg6[%dma_wait3A_565, %dma_wait3A_569, %dma_wait3A_570] : memref<6x4096x128xf32, #tpu.memory_space<vmem>> -> memref<1x4096x128xf32, #tpu.memory_space<vmem>>
    %dma_wait3A_572 = tpu.memref_squeeze %dma_wait3A_571 : memref<1x4096x128xf32, #tpu.memory_space<vmem>> -> memref<4096x128xf32, #tpu.memory_space<vmem>>
    %dma_wait3A_573 = arith.constant 36864 : i32
    %dma_wait3A_574 = arith.constant 0 : i32
    %dma_wait3A_575 = tpu.memref_slice %arg3[%dma_wait3A_573, %dma_wait3A_574] : memref<100000x128xf32, #tpu.memory_space<any>> -> memref<4096x128xf32, #tpu.memory_space<any>>
    tpu.wait_dma2 semaphore(%dma_wait3A_568 : memref<!tpu.dma_semaphore, #tpu.memory_space<semaphore_mem>>) src(%dma_wait3A_575 : memref<4096x128xf32, #tpu.memory_space<any>>) dst(%dma_wait3A_572 : memref<4096x128xf32, #tpu.memory_space<vmem>>)
    %get3A_576 = arith.constant 3 : index
    %get3A_577 = arith.constant 0 : index
    %get3A_578 = arith.constant 0 : index
    %get3A_579 = vector.load %arg6[%get3A_576, %get3A_577, %get3A_578] : memref<6x4096x128xf32, #tpu.memory_space<vmem>>, vector<1x4096x128xf32>
    %get3A_580 = vector.shape_cast %get3A_579 : vector<1x4096x128xf32> to vector<4096x128xf32>
    %dot_general3A_581 = arith.constant dense<0.000000e+00> : vector<1x4096xf32>
    %dot_general3A_582 = tpu.matmul %max3A_64, %get3A_580, %dot_general3A_581 {dimension_numbers = #tpu.dot_dimension_numbers<[1], [1], [0], [0], [0, 0, 1, 0], [], []>, transpose_lhs_hint = false} : vector<1x128xf32>, vector<4096x128xf32>, vector<1x4096xf32> -> vector<1x4096xf32>
    %get3A_583 = arith.constant 0 : index
    %get3A_584 = arith.constant 36864 : index
    %get3A_585 = vector.load %arg4[%get3A_583, %get3A_584] : memref<1x102400xf32, #tpu.memory_space<vmem>>, vector<1x4096xf32>
    %add3A_586 = arith.addf %dot_general3A_582, %get3A_585 : vector<1x4096xf32>
    %dma_start3A_587 = arith.constant 2 : i32
    %dma_start3A_588 = arith.constant 2 : i32
    %dma_start3A_589 = tpu.memref_slice %arg8[%dma_start3A_588] : memref<6x!tpu.dma_semaphore, #tpu.memory_space<semaphore_mem>> -> memref<1x!tpu.dma_semaphore, #tpu.memory_space<semaphore_mem>>
    %dma_start3A_590 = tpu.memref_squeeze %dma_start3A_589 : memref<1x!tpu.dma_semaphore, #tpu.memory_space<semaphore_mem>> -> memref<!tpu.dma_semaphore, #tpu.memory_space<semaphore_mem>>
    %dma_start3A_591 = arith.constant 0 : i32
    %dma_start3A_592 = arith.constant 0 : i32
    %dma_start3A_593 = tpu.memref_slice %arg6[%dma_start3A_587, %dma_start3A_591, %dma_start3A_592] : memref<6x4096x128xf32, #tpu.memory_space<vmem>> -> memref<1x4096x128xf32, #tpu.memory_space<vmem>>
    %dma_start3A_594 = tpu.memref_squeeze %dma_start3A_593 : memref<1x4096x128xf32, #tpu.memory_space<vmem>> -> memref<4096x128xf32, #tpu.memory_space<vmem>>
    %dma_start3A_595 = arith.constant 57344 : i32
    %dma_start3A_596 = arith.constant 0 : i32
    %dma_start3A_597 = tpu.memref_slice %arg3[%dma_start3A_595, %dma_start3A_596] : memref<100000x128xf32, #tpu.memory_space<any>> -> memref<4096x128xf32, #tpu.memory_space<any>>
    tpu.enqueue_dma source(%dma_start3A_597 : memref<4096x128xf32, #tpu.memory_space<any>>) target(%dma_start3A_594 : memref<4096x128xf32, #tpu.memory_space<vmem>>) target_semaphore(%dma_start3A_590 : memref<!tpu.dma_semaphore, #tpu.memory_space<semaphore_mem>>)
    %swap3A_598 = arith.constant 0 : index
    %swap3A_599 = arith.constant 36864 : index
    %swap3A_600 = vector.load %arg7[%swap3A_598, %swap3A_599] : memref<1x102400xf32, #tpu.memory_space<vmem>>, vector<1x4096xf32>
    tpu.vector_store %arg7[%swap3A_598, %swap3A_599], %add3A_586 {strides = array<i32>} : memref<1x102400xf32, #tpu.memory_space<vmem>>, vector<1x4096xf32>,
    %reduce_max3A_601 = vector.shape_cast %add3A_586 : vector<1x4096xf32> to vector<1x1x4096xf32>
    %reduce_max3A_602 = arith.constant dense<0xFF800000> : vector<1xf32>
    %reduce_max3A_603 = vector.multi_reduction <maximumf>, %reduce_max3A_601, %reduce_max3A_602 [1, 2] : vector<1x1x4096xf32> to vector<1xf32>
    %reduce_max3A_604 = vector.shape_cast %reduce_max3A_603 : vector<1xf32> to vector<1x1x1xf32>
    %reduce_max3A_605 = vector.extract %reduce_max3A_604[0, 0, 0] : f32 from vector<1x1x1xf32>
    %broadcast_in_dim3A_606 = vector.broadcast %reduce_max3A_605 : f32 to vector<1x1xf32>
    %max3A_607 = arith.maximumf %max3A_551, %broadcast_in_dim3A_606 : vector<1x1xf32>
    %sub3A_608 = arith.subf %max3A_551, %max3A_607 : vector<1x1xf32>
    %exp3A_609 = math.exp %sub3A_608 : vector<1x1xf32>
    %mul3A_610 = arith.mulf %add3A_564, %exp3A_609 : vector<1x1xf32>
    %sub3A_611 = vector.broadcast %max3A_607 : vector<1x1xf32> to vector<1x4096xf32>
    %sub3A_612 = arith.subf %add3A_586, %sub3A_611 : vector<1x4096xf32>
    %exp3A_613 = math.exp %sub3A_612 : vector<1x4096xf32>
    %reduce_sum3A_614 = vector.shape_cast %exp3A_613 : vector<1x4096xf32> to vector<1x1x4096xf32>
    %reduce_sum3A_615 = arith.constant dense<0.000000e+00> : vector<1xf32>
    %reduce_sum3A_616 = vector.multi_reduction <add>, %reduce_sum3A_614, %reduce_sum3A_615 [1, 2] : vector<1x1x4096xf32> to vector<1xf32>
    %reduce_sum3A_617 = vector.shape_cast %reduce_sum3A_616 : vector<1xf32> to vector<1x1x1xf32>
    %reduce_sum3A_618 = vector.extract %reduce_sum3A_617[0, 0, 0] : f32 from vector<1x1x1xf32>
    %broadcast_in_dim3A_619 = vector.broadcast %reduce_sum3A_618 : f32 to vector<1x1xf32>
    %add3A_620 = arith.addf %mul3A_610, %broadcast_in_dim3A_619 : vector<1x1xf32>
    %dma_wait3A_621 = arith.constant 4 : i32
    %dma_wait3A_622 = arith.constant 4 : i32
    %dma_wait3A_623 = tpu.memref_slice %arg8[%dma_wait3A_622] : memref<6x!tpu.dma_semaphore, #tpu.memory_space<semaphore_mem>> -> memref<1x!tpu.dma_semaphore, #tpu.memory_space<semaphore_mem>>
    %dma_wait3A_624 = tpu.memref_squeeze %dma_wait3A_623 : memref<1x!tpu.dma_semaphore, #tpu.memory_space<semaphore_mem>> -> memref<!tpu.dma_semaphore, #tpu.memory_space<semaphore_mem>>
    %dma_wait3A_625 = arith.constant 0 : i32
    %dma_wait3A_626 = arith.constant 0 : i32
    %dma_wait3A_627 = tpu.memref_slice %arg6[%dma_wait3A_621, %dma_wait3A_625, %dma_wait3A_626] : memref<6x4096x128xf32, #tpu.memory_space<vmem>> -> memref<1x4096x128xf32, #tpu.memory_space<vmem>>
    %dma_wait3A_628 = tpu.memref_squeeze %dma_wait3A_627 : memref<1x4096x128xf32, #tpu.memory_space<vmem>> -> memref<4096x128xf32, #tpu.memory_space<vmem>>
    %dma_wait3A_629 = arith.constant 40960 : i32
    %dma_wait3A_630 = arith.constant 0 : i32
    %dma_wait3A_631 = tpu.memref_slice %arg3[%dma_wait3A_629, %dma_wait3A_630] : memref<100000x128xf32, #tpu.memory_space<any>> -> memref<4096x128xf32, #tpu.memory_space<any>>
    tpu.wait_dma2 semaphore(%dma_wait3A_624 : memref<!tpu.dma_semaphore, #tpu.memory_space<semaphore_mem>>) src(%dma_wait3A_631 : memref<4096x128xf32, #tpu.memory_space<any>>) dst(%dma_wait3A_628 : memref<4096x128xf32, #tpu.memory_space<vmem>>)
    %get3A_632 = arith.constant 4 : index
    %get3A_633 = arith.constant 0 : index
    %get3A_634 = arith.constant 0 : index
    %get3A_635 = vector.load %arg6[%get3A_632, %get3A_633, %get3A_634] : memref<6x4096x128xf32, #tpu.memory_space<vmem>>, vector<1x4096x128xf32>
    %get3A_636 = vector.shape_cast %get3A_635 : vector<1x4096x128xf32> to vector<4096x128xf32>
    %dot_general3A_637 = arith.constant dense<0.000000e+00> : vector<1x4096xf32>
    %dot_general3A_638 = tpu.matmul %max3A_64, %get3A_636, %dot_general3A_637 {dimension_numbers = #tpu.dot_dimension_numbers<[1], [1], [0], [0], [0, 0, 1, 0], [], []>, transpose_lhs_hint = false} : vector<1x128xf32>, vector<4096x128xf32>, vector<1x4096xf32> -> vector<1x4096xf32>
    %get3A_639 = arith.constant 0 : index
    %get3A_640 = arith.constant 40960 : index
    %get3A_641 = vector.load %arg4[%get3A_639, %get3A_640] : memref<1x102400xf32, #tpu.memory_space<vmem>>, vector<1x4096xf32>
    %add3A_642 = arith.addf %dot_general3A_638, %get3A_641 : vector<1x4096xf32>
    %dma_start3A_643 = arith.constant 3 : i32
    %dma_start3A_644 = arith.constant 3 : i32
    %dma_start3A_645 = tpu.memref_slice %arg8[%dma_start3A_644] : memref<6x!tpu.dma_semaphore, #tpu.memory_space<semaphore_mem>> -> memref<1x!tpu.dma_semaphore, #tpu.memory_space<semaphore_mem>>
    %dma_start3A_646 = tpu.memref_squeeze %dma_start3A_645 : memref<1x!tpu.dma_semaphore, #tpu.memory_space<semaphore_mem>> -> memref<!tpu.dma_semaphore, #tpu.memory_space<semaphore_mem>>
    %dma_start3A_647 = arith.constant 0 : i32
    %dma_start3A_648 = arith.constant 0 : i32
    %dma_start3A_649 = tpu.memref_slice %arg6[%dma_start3A_643, %dma_start3A_647, %dma_start3A_648] : memref<6x4096x128xf32, #tpu.memory_space<vmem>> -> memref<1x4096x128xf32, #tpu.memory_space<vmem>>
    %dma_start3A_650 = tpu.memref_squeeze %dma_start3A_649 : memref<1x4096x128xf32, #tpu.memory_space<vmem>> -> memref<4096x128xf32, #tpu.memory_space<vmem>>
    %dma_start3A_651 = arith.constant 61440 : i32
    %dma_start3A_652 = arith.constant 0 : i32
    %dma_start3A_653 = tpu.memref_slice %arg3[%dma_start3A_651, %dma_start3A_652] : memref<100000x128xf32, #tpu.memory_space<any>> -> memref<4096x128xf32, #tpu.memory_space<any>>
    tpu.enqueue_dma source(%dma_start3A_653 : memref<4096x128xf32, #tpu.memory_space<any>>) target(%dma_start3A_650 : memref<4096x128xf32, #tpu.memory_space<vmem>>) target_semaphore(%dma_start3A_646 : memref<!tpu.dma_semaphore, #tpu.memory_space<semaphore_mem>>)
    %swap3A_654 = arith.constant 0 : index
    %swap3A_655 = arith.constant 40960 : index
    %swap3A_656 = vector.load %arg7[%swap3A_654, %swap3A_655] : memref<1x102400xf32, #tpu.memory_space<vmem>>, vector<1x4096xf32>
    tpu.vector_store %arg7[%swap3A_654, %swap3A_655], %add3A_642 {strides = array<i32>} : memref<1x102400xf32, #tpu.memory_space<vmem>>, vector<1x4096xf32>,
    %reduce_max3A_657 = vector.shape_cast %add3A_642 : vector<1x4096xf32> to vector<1x1x4096xf32>
    %reduce_max3A_658 = arith.constant dense<0xFF800000> : vector<1xf32>
    %reduce_max3A_659 = vector.multi_reduction <maximumf>, %reduce_max3A_657, %reduce_max3A_658 [1, 2] : vector<1x1x4096xf32> to vector<1xf32>
    %reduce_max3A_660 = vector.shape_cast %reduce_max3A_659 : vector<1xf32> to vector<1x1x1xf32>
    %reduce_max3A_661 = vector.extract %reduce_max3A_660[0, 0, 0] : f32 from vector<1x1x1xf32>
    %broadcast_in_dim3A_662 = vector.broadcast %reduce_max3A_661 : f32 to vector<1x1xf32>
    %max3A_663 = arith.maximumf %max3A_607, %broadcast_in_dim3A_662 : vector<1x1xf32>
    %sub3A_664 = arith.subf %max3A_607, %max3A_663 : vector<1x1xf32>
    %exp3A_665 = math.exp %sub3A_664 : vector<1x1xf32>
    %mul3A_666 = arith.mulf %add3A_620, %exp3A_665 : vector<1x1xf32>
    %sub3A_667 = vector.broadcast %max3A_663 : vector<1x1xf32> to vector<1x4096xf32>
    %sub3A_668 = arith.subf %add3A_642, %sub3A_667 : vector<1x4096xf32>
    %exp3A_669 = math.exp %sub3A_668 : vector<1x4096xf32>
    %reduce_sum3A_670 = vector.shape_cast %exp3A_669 : vector<1x4096xf32> to vector<1x1x4096xf32>
    %reduce_sum3A_671 = arith.constant dense<0.000000e+00> : vector<1xf32>
    %reduce_sum3A_672 = vector.multi_reduction <add>, %reduce_sum3A_670, %reduce_sum3A_671 [1, 2] : vector<1x1x4096xf32> to vector<1xf32>
    %reduce_sum3A_673 = vector.shape_cast %reduce_sum3A_672 : vector<1xf32> to vector<1x1x1xf32>
    %reduce_sum3A_674 = vector.extract %reduce_sum3A_673[0, 0, 0] : f32 from vector<1x1x1xf32>
    %broadcast_in_dim3A_675 = vector.broadcast %reduce_sum3A_674 : f32 to vector<1x1xf32>
    %add3A_676 = arith.addf %mul3A_666, %broadcast_in_dim3A_675 : vector<1x1xf32>
    %dma_wait3A_677 = arith.constant 5 : i32
    %dma_wait3A_678 = arith.constant 5 : i32
    %dma_wait3A_679 = tpu.memref_slice %arg8[%dma_wait3A_678] : memref<6x!tpu.dma_semaphore, #tpu.memory_space<semaphore_mem>> -> memref<1x!tpu.dma_semaphore, #tpu.memory_space<semaphore_mem>>
    %dma_wait3A_680 = tpu.memref_squeeze %dma_wait3A_679 : memref<1x!tpu.dma_semaphore, #tpu.memory_space<semaphore_mem>> -> memref<!tpu.dma_semaphore, #tpu.memory_space<semaphore_mem>>
    %dma_wait3A_681 = arith.constant 0 : i32
    %dma_wait3A_682 = arith.constant 0 : i32
    %dma_wait3A_683 = tpu.memref_slice %arg6[%dma_wait3A_677, %dma_wait3A_681, %dma_wait3A_682] : memref<6x4096x128xf32, #tpu.memory_space<vmem>> -> memref<1x4096x128xf32, #tpu.memory_space<vmem>>
    %dma_wait3A_684 = tpu.memref_squeeze %dma_wait3A_683 : memref<1x4096x128xf32, #tpu.memory_space<vmem>> -> memref<4096x128xf32, #tpu.memory_space<vmem>>
    %dma_wait3A_685 = arith.constant 45056 : i32
    %dma_wait3A_686 = arith.constant 0 : i32
    %dma_wait3A_687 = tpu.memref_slice %arg3[%dma_wait3A_685, %dma_wait3A_686] : memref<100000x128xf32, #tpu.memory_space<any>> -> memref<4096x128xf32, #tpu.memory_space<any>>
    tpu.wait_dma2 semaphore(%dma_wait3A_680 : memref<!tpu.dma_semaphore, #tpu.memory_space<semaphore_mem>>) src(%dma_wait3A_687 : memref<4096x128xf32, #tpu.memory_space<any>>) dst(%dma_wait3A_684 : memref<4096x128xf32, #tpu.memory_space<vmem>>)
    %get3A_688 = arith.constant 5 : index
    %get3A_689 = arith.constant 0 : index
    %get3A_690 = arith.constant 0 : index
    %get3A_691 = vector.load %arg6[%get3A_688, %get3A_689, %get3A_690] : memref<6x4096x128xf32, #tpu.memory_space<vmem>>, vector<1x4096x128xf32>
    %get3A_692 = vector.shape_cast %get3A_691 : vector<1x4096x128xf32> to vector<4096x128xf32>
    %dot_general3A_693 = arith.constant dense<0.000000e+00> : vector<1x4096xf32>
    %dot_general3A_694 = tpu.matmul %max3A_64, %get3A_692, %dot_general3A_693 {dimension_numbers = #tpu.dot_dimension_numbers<[1], [1], [0], [0], [0, 0, 1, 0], [], []>, transpose_lhs_hint = false} : vector<1x128xf32>, vector<4096x128xf32>, vector<1x4096xf32> -> vector<1x4096xf32>
    %get3A_695 = arith.constant 0 : index
    %get3A_696 = arith.constant 45056 : index
    %get3A_697 = vector.load %arg4[%get3A_695, %get3A_696] : memref<1x102400xf32, #tpu.memory_space<vmem>>, vector<1x4096xf32>
    %add3A_698 = arith.addf %dot_general3A_694, %get3A_697 : vector<1x4096xf32>
    %dma_start3A_699 = arith.constant 4 : i32
    %dma_start3A_700 = arith.constant 4 : i32
    %dma_start3A_701 = tpu.memref_slice %arg8[%dma_start3A_700] : memref<6x!tpu.dma_semaphore, #tpu.memory_space<semaphore_mem>> -> memref<1x!tpu.dma_semaphore, #tpu.memory_space<semaphore_mem>>
    %dma_start3A_702 = tpu.memref_squeeze %dma_start3A_701 : memref<1x!tpu.dma_semaphore, #tpu.memory_space<semaphore_mem>> -> memref<!tpu.dma_semaphore, #tpu.memory_space<semaphore_mem>>
    %dma_start3A_703 = arith.constant 0 : i32
    %dma_start3A_704 = arith.constant 0 : i32
    %dma_start3A_705 = tpu.memref_slice %arg6[%dma_start3A_699, %dma_start3A_703, %dma_start3A_704] : memref<6x4096x128xf32, #tpu.memory_space<vmem>> -> memref<1x4096x128xf32, #tpu.memory_space<vmem>>
    %dma_start3A_706 = tpu.memref_squeeze %dma_start3A_705 : memref<1x4096x128xf32, #tpu.memory_space<vmem>> -> memref<4096x128xf32, #tpu.memory_space<vmem>>
    %dma_start3A_707 = arith.constant 65536 : i32
    %dma_start3A_708 = arith.constant 0 : i32
    %dma_start3A_709 = tpu.memref_slice %arg3[%dma_start3A_707, %dma_start3A_708] : memref<100000x128xf32, #tpu.memory_space<any>> -> memref<4096x128xf32, #tpu.memory_space<any>>
    tpu.enqueue_dma source(%dma_start3A_709 : memref<4096x128xf32, #tpu.memory_space<any>>) target(%dma_start3A_706 : memref<4096x128xf32, #tpu.memory_space<vmem>>) target_semaphore(%dma_start3A_702 : memref<!tpu.dma_semaphore, #tpu.memory_space<semaphore_mem>>)
    %swap3A_710 = arith.constant 0 : index
    %swap3A_711 = arith.constant 45056 : index
    %swap3A_712 = vector.load %arg7[%swap3A_710, %swap3A_711] : memref<1x102400xf32, #tpu.memory_space<vmem>>, vector<1x4096xf32>
    tpu.vector_store %arg7[%swap3A_710, %swap3A_711], %add3A_698 {strides = array<i32>} : memref<1x102400xf32, #tpu.memory_space<vmem>>, vector<1x4096xf32>,
    %reduce_max3A_713 = vector.shape_cast %add3A_698 : vector<1x4096xf32> to vector<1x1x4096xf32>
    %reduce_max3A_714 = arith.constant dense<0xFF800000> : vector<1xf32>
    %reduce_max3A_715 = vector.multi_reduction <maximumf>, %reduce_max3A_713, %reduce_max3A_714 [1, 2] : vector<1x1x4096xf32> to vector<1xf32>
    %reduce_max3A_716 = vector.shape_cast %reduce_max3A_715 : vector<1xf32> to vector<1x1x1xf32>
    %reduce_max3A_717 = vector.extract %reduce_max3A_716[0, 0, 0] : f32 from vector<1x1x1xf32>
    %broadcast_in_dim3A_718 = vector.broadcast %reduce_max3A_717 : f32 to vector<1x1xf32>
    %max3A_719 = arith.maximumf %max3A_663, %broadcast_in_dim3A_718 : vector<1x1xf32>
    %sub3A_720 = arith.subf %max3A_663, %max3A_719 : vector<1x1xf32>
    %exp3A_721 = math.exp %sub3A_720 : vector<1x1xf32>
    %mul3A_722 = arith.mulf %add3A_676, %exp3A_721 : vector<1x1xf32>
    %sub3A_723 = vector.broadcast %max3A_719 : vector<1x1xf32> to vector<1x4096xf32>
    %sub3A_724 = arith.subf %add3A_698, %sub3A_723 : vector<1x4096xf32>
    %exp3A_725 = math.exp %sub3A_724 : vector<1x4096xf32>
    %reduce_sum3A_726 = vector.shape_cast %exp3A_725 : vector<1x4096xf32> to vector<1x1x4096xf32>
    %reduce_sum3A_727 = arith.constant dense<0.000000e+00> : vector<1xf32>
    %reduce_sum3A_728 = vector.multi_reduction <add>, %reduce_sum3A_726, %reduce_sum3A_727 [1, 2] : vector<1x1x4096xf32> to vector<1xf32>
    %reduce_sum3A_729 = vector.shape_cast %reduce_sum3A_728 : vector<1xf32> to vector<1x1x1xf32>
    %reduce_sum3A_730 = vector.extract %reduce_sum3A_729[0, 0, 0] : f32 from vector<1x1x1xf32>
    %broadcast_in_dim3A_731 = vector.broadcast %reduce_sum3A_730 : f32 to vector<1x1xf32>
    %add3A_732 = arith.addf %mul3A_722, %broadcast_in_dim3A_731 : vector<1x1xf32>
    %dma_wait3A_733 = arith.constant 0 : i32
    %dma_wait3A_734 = arith.constant 0 : i32
    %dma_wait3A_735 = tpu.memref_slice %arg8[%dma_wait3A_734] : memref<6x!tpu.dma_semaphore, #tpu.memory_space<semaphore_mem>> -> memref<1x!tpu.dma_semaphore, #tpu.memory_space<semaphore_mem>>
    %dma_wait3A_736 = tpu.memref_squeeze %dma_wait3A_735 : memref<1x!tpu.dma_semaphore, #tpu.memory_space<semaphore_mem>> -> memref<!tpu.dma_semaphore, #tpu.memory_space<semaphore_mem>>
    %dma_wait3A_737 = arith.constant 0 : i32
    %dma_wait3A_738 = arith.constant 0 : i32
    %dma_wait3A_739 = tpu.memref_slice %arg6[%dma_wait3A_733, %dma_wait3A_737, %dma_wait3A_738] : memref<6x4096x128xf32, #tpu.memory_space<vmem>> -> memref<1x4096x128xf32, #tpu.memory_space<vmem>>
    %dma_wait3A_740 = tpu.memref_squeeze %dma_wait3A_739 : memref<1x4096x128xf32, #tpu.memory_space<vmem>> -> memref<4096x128xf32, #tpu.memory_space<vmem>>
    %dma_wait3A_741 = arith.constant 49152 : i32
    %dma_wait3A_742 = arith.constant 0 : i32
    %dma_wait3A_743 = tpu.memref_slice %arg3[%dma_wait3A_741, %dma_wait3A_742] : memref<100000x128xf32, #tpu.memory_space<any>> -> memref<4096x128xf32, #tpu.memory_space<any>>
    tpu.wait_dma2 semaphore(%dma_wait3A_736 : memref<!tpu.dma_semaphore, #tpu.memory_space<semaphore_mem>>) src(%dma_wait3A_743 : memref<4096x128xf32, #tpu.memory_space<any>>) dst(%dma_wait3A_740 : memref<4096x128xf32, #tpu.memory_space<vmem>>)
    %get3A_744 = arith.constant 0 : index
    %get3A_745 = arith.constant 0 : index
    %get3A_746 = arith.constant 0 : index
    %get3A_747 = vector.load %arg6[%get3A_744, %get3A_745, %get3A_746] : memref<6x4096x128xf32, #tpu.memory_space<vmem>>, vector<1x4096x128xf32>
    %get3A_748 = vector.shape_cast %get3A_747 : vector<1x4096x128xf32> to vector<4096x128xf32>
    %dot_general3A_749 = arith.constant dense<0.000000e+00> : vector<1x4096xf32>
    %dot_general3A_750 = tpu.matmul %max3A_64, %get3A_748, %dot_general3A_749 {dimension_numbers = #tpu.dot_dimension_numbers<[1], [1], [0], [0], [0, 0, 1, 0], [], []>, transpose_lhs_hint = false} : vector<1x128xf32>, vector<4096x128xf32>, vector<1x4096xf32> -> vector<1x4096xf32>
    %get3A_751 = arith.constant 0 : index
    %get3A_752 = arith.constant 49152 : index
    %get3A_753 = vector.load %arg4[%get3A_751, %get3A_752] : memref<1x102400xf32, #tpu.memory_space<vmem>>, vector<1x4096xf32>
    %add3A_754 = arith.addf %dot_general3A_750, %get3A_753 : vector<1x4096xf32>
    %dma_start3A_755 = arith.constant 5 : i32
    %dma_start3A_756 = arith.constant 5 : i32
    %dma_start3A_757 = tpu.memref_slice %arg8[%dma_start3A_756] : memref<6x!tpu.dma_semaphore, #tpu.memory_space<semaphore_mem>> -> memref<1x!tpu.dma_semaphore, #tpu.memory_space<semaphore_mem>>
    %dma_start3A_758 = tpu.memref_squeeze %dma_start3A_757 : memref<1x!tpu.dma_semaphore, #tpu.memory_space<semaphore_mem>> -> memref<!tpu.dma_semaphore, #tpu.memory_space<semaphore_mem>>
    %dma_start3A_759 = arith.constant 0 : i32
    %dma_start3A_760 = arith.constant 0 : i32
    %dma_start3A_761 = tpu.memref_slice %arg6[%dma_start3A_755, %dma_start3A_759, %dma_start3A_760] : memref<6x4096x128xf32, #tpu.memory_space<vmem>> -> memref<1x4096x128xf32, #tpu.memory_space<vmem>>
    %dma_start3A_762 = tpu.memref_squeeze %dma_start3A_761 : memref<1x4096x128xf32, #tpu.memory_space<vmem>> -> memref<4096x128xf32, #tpu.memory_space<vmem>>
    %dma_start3A_763 = arith.constant 69632 : i32
    %dma_start3A_764 = arith.constant 0 : i32
    %dma_start3A_765 = tpu.memref_slice %arg3[%dma_start3A_763, %dma_start3A_764] : memref<100000x128xf32, #tpu.memory_space<any>> -> memref<4096x128xf32, #tpu.memory_space<any>>
    tpu.enqueue_dma source(%dma_start3A_765 : memref<4096x128xf32, #tpu.memory_space<any>>) target(%dma_start3A_762 : memref<4096x128xf32, #tpu.memory_space<vmem>>) target_semaphore(%dma_start3A_758 : memref<!tpu.dma_semaphore, #tpu.memory_space<semaphore_mem>>)
    %swap3A_766 = arith.constant 0 : index
    %swap3A_767 = arith.constant 49152 : index
    %swap3A_768 = vector.load %arg7[%swap3A_766, %swap3A_767] : memref<1x102400xf32, #tpu.memory_space<vmem>>, vector<1x4096xf32>
    tpu.vector_store %arg7[%swap3A_766, %swap3A_767], %add3A_754 {strides = array<i32>} : memref<1x102400xf32, #tpu.memory_space<vmem>>, vector<1x4096xf32>,
    %reduce_max3A_769 = vector.shape_cast %add3A_754 : vector<1x4096xf32> to vector<1x1x4096xf32>
    %reduce_max3A_770 = arith.constant dense<0xFF800000> : vector<1xf32>
    %reduce_max3A_771 = vector.multi_reduction <maximumf>, %reduce_max3A_769, %reduce_max3A_770 [1, 2] : vector<1x1x4096xf32> to vector<1xf32>
    %reduce_max3A_772 = vector.shape_cast %reduce_max3A_771 : vector<1xf32> to vector<1x1x1xf32>
    %reduce_max3A_773 = vector.extract %reduce_max3A_772[0, 0, 0] : f32 from vector<1x1x1xf32>
    %broadcast_in_dim3A_774 = vector.broadcast %reduce_max3A_773 : f32 to vector<1x1xf32>
    %max3A_775 = arith.maximumf %max3A_719, %broadcast_in_dim3A_774 : vector<1x1xf32>
    %sub3A_776 = arith.subf %max3A_719, %max3A_775 : vector<1x1xf32>
    %exp3A_777 = math.exp %sub3A_776 : vector<1x1xf32>
    %mul3A_778 = arith.mulf %add3A_732, %exp3A_777 : vector<1x1xf32>
    %sub3A_779 = vector.broadcast %max3A_775 : vector<1x1xf32> to vector<1x4096xf32>
    %sub3A_780 = arith.subf %add3A_754, %sub3A_779 : vector<1x4096xf32>
    %exp3A_781 = math.exp %sub3A_780 : vector<1x4096xf32>
    %reduce_sum3A_782 = vector.shape_cast %exp3A_781 : vector<1x4096xf32> to vector<1x1x4096xf32>
    %reduce_sum3A_783 = arith.constant dense<0.000000e+00> : vector<1xf32>
    %reduce_sum3A_784 = vector.multi_reduction <add>, %reduce_sum3A_782, %reduce_sum3A_783 [1, 2] : vector<1x1x4096xf32> to vector<1xf32>
    %reduce_sum3A_785 = vector.shape_cast %reduce_sum3A_784 : vector<1xf32> to vector<1x1x1xf32>
    %reduce_sum3A_786 = vector.extract %reduce_sum3A_785[0, 0, 0] : f32 from vector<1x1x1xf32>
    %broadcast_in_dim3A_787 = vector.broadcast %reduce_sum3A_786 : f32 to vector<1x1xf32>
    %add3A_788 = arith.addf %mul3A_778, %broadcast_in_dim3A_787 : vector<1x1xf32>
    %dma_wait3A_789 = arith.constant 1 : i32
    %dma_wait3A_790 = arith.constant 1 : i32
    %dma_wait3A_791 = tpu.memref_slice %arg8[%dma_wait3A_790] : memref<6x!tpu.dma_semaphore, #tpu.memory_space<semaphore_mem>> -> memref<1x!tpu.dma_semaphore, #tpu.memory_space<semaphore_mem>>
    %dma_wait3A_792 = tpu.memref_squeeze %dma_wait3A_791 : memref<1x!tpu.dma_semaphore, #tpu.memory_space<semaphore_mem>> -> memref<!tpu.dma_semaphore, #tpu.memory_space<semaphore_mem>>
    %dma_wait3A_793 = arith.constant 0 : i32
    %dma_wait3A_794 = arith.constant 0 : i32
    %dma_wait3A_795 = tpu.memref_slice %arg6[%dma_wait3A_789, %dma_wait3A_793, %dma_wait3A_794] : memref<6x4096x128xf32, #tpu.memory_space<vmem>> -> memref<1x4096x128xf32, #tpu.memory_space<vmem>>
    %dma_wait3A_796 = tpu.memref_squeeze %dma_wait3A_795 : memref<1x4096x128xf32, #tpu.memory_space<vmem>> -> memref<4096x128xf32, #tpu.memory_space<vmem>>
    %dma_wait3A_797 = arith.constant 53248 : i32
    %dma_wait3A_798 = arith.constant 0 : i32
    %dma_wait3A_799 = tpu.memref_slice %arg3[%dma_wait3A_797, %dma_wait3A_798] : memref<100000x128xf32, #tpu.memory_space<any>> -> memref<4096x128xf32, #tpu.memory_space<any>>
    tpu.wait_dma2 semaphore(%dma_wait3A_792 : memref<!tpu.dma_semaphore, #tpu.memory_space<semaphore_mem>>) src(%dma_wait3A_799 : memref<4096x128xf32, #tpu.memory_space<any>>) dst(%dma_wait3A_796 : memref<4096x128xf32, #tpu.memory_space<vmem>>)
    %get3A_800 = arith.constant 1 : index
    %get3A_801 = arith.constant 0 : index
    %get3A_802 = arith.constant 0 : index
    %get3A_803 = vector.load %arg6[%get3A_800, %get3A_801, %get3A_802] : memref<6x4096x128xf32, #tpu.memory_space<vmem>>, vector<1x4096x128xf32>
    %get3A_804 = vector.shape_cast %get3A_803 : vector<1x4096x128xf32> to vector<4096x128xf32>
    %dot_general3A_805 = arith.constant dense<0.000000e+00> : vector<1x4096xf32>
    %dot_general3A_806 = tpu.matmul %max3A_64, %get3A_804, %dot_general3A_805 {dimension_numbers = #tpu.dot_dimension_numbers<[1], [1], [0], [0], [0, 0, 1, 0], [], []>, transpose_lhs_hint = false} : vector<1x128xf32>, vector<4096x128xf32>, vector<1x4096xf32> -> vector<1x4096xf32>
    %get3A_807 = arith.constant 0 : index
    %get3A_808 = arith.constant 53248 : index
    %get3A_809 = vector.load %arg4[%get3A_807, %get3A_808] : memref<1x102400xf32, #tpu.memory_space<vmem>>, vector<1x4096xf32>
    %add3A_810 = arith.addf %dot_general3A_806, %get3A_809 : vector<1x4096xf32>
    %dma_start3A_811 = arith.constant 0 : i32
    %dma_start3A_812 = arith.constant 0 : i32
    %dma_start3A_813 = tpu.memref_slice %arg8[%dma_start3A_812] : memref<6x!tpu.dma_semaphore, #tpu.memory_space<semaphore_mem>> -> memref<1x!tpu.dma_semaphore, #tpu.memory_space<semaphore_mem>>
    %dma_start3A_814 = tpu.memref_squeeze %dma_start3A_813 : memref<1x!tpu.dma_semaphore, #tpu.memory_space<semaphore_mem>> -> memref<!tpu.dma_semaphore, #tpu.memory_space<semaphore_mem>>
    %dma_start3A_815 = arith.constant 0 : i32
    %dma_start3A_816 = arith.constant 0 : i32
    %dma_start3A_817 = tpu.memref_slice %arg6[%dma_start3A_811, %dma_start3A_815, %dma_start3A_816] : memref<6x4096x128xf32, #tpu.memory_space<vmem>> -> memref<1x4096x128xf32, #tpu.memory_space<vmem>>
    %dma_start3A_818 = tpu.memref_squeeze %dma_start3A_817 : memref<1x4096x128xf32, #tpu.memory_space<vmem>> -> memref<4096x128xf32, #tpu.memory_space<vmem>>
    %dma_start3A_819 = arith.constant 73728 : i32
    %dma_start3A_820 = arith.constant 0 : i32
    %dma_start3A_821 = tpu.memref_slice %arg3[%dma_start3A_819, %dma_start3A_820] : memref<100000x128xf32, #tpu.memory_space<any>> -> memref<4096x128xf32, #tpu.memory_space<any>>
    tpu.enqueue_dma source(%dma_start3A_821 : memref<4096x128xf32, #tpu.memory_space<any>>) target(%dma_start3A_818 : memref<4096x128xf32, #tpu.memory_space<vmem>>) target_semaphore(%dma_start3A_814 : memref<!tpu.dma_semaphore, #tpu.memory_space<semaphore_mem>>)
    %swap3A_822 = arith.constant 0 : index
    %swap3A_823 = arith.constant 53248 : index
    %swap3A_824 = vector.load %arg7[%swap3A_822, %swap3A_823] : memref<1x102400xf32, #tpu.memory_space<vmem>>, vector<1x4096xf32>
    tpu.vector_store %arg7[%swap3A_822, %swap3A_823], %add3A_810 {strides = array<i32>} : memref<1x102400xf32, #tpu.memory_space<vmem>>, vector<1x4096xf32>,
    %reduce_max3A_825 = vector.shape_cast %add3A_810 : vector<1x4096xf32> to vector<1x1x4096xf32>
    %reduce_max3A_826 = arith.constant dense<0xFF800000> : vector<1xf32>
    %reduce_max3A_827 = vector.multi_reduction <maximumf>, %reduce_max3A_825, %reduce_max3A_826 [1, 2] : vector<1x1x4096xf32> to vector<1xf32>
    %reduce_max3A_828 = vector.shape_cast %reduce_max3A_827 : vector<1xf32> to vector<1x1x1xf32>
    %reduce_max3A_829 = vector.extract %reduce_max3A_828[0, 0, 0] : f32 from vector<1x1x1xf32>
    %broadcast_in_dim3A_830 = vector.broadcast %reduce_max3A_829 : f32 to vector<1x1xf32>
    %max3A_831 = arith.maximumf %max3A_775, %broadcast_in_dim3A_830 : vector<1x1xf32>
    %sub3A_832 = arith.subf %max3A_775, %max3A_831 : vector<1x1xf32>
    %exp3A_833 = math.exp %sub3A_832 : vector<1x1xf32>
    %mul3A_834 = arith.mulf %add3A_788, %exp3A_833 : vector<1x1xf32>
    %sub3A_835 = vector.broadcast %max3A_831 : vector<1x1xf32> to vector<1x4096xf32>
    %sub3A_836 = arith.subf %add3A_810, %sub3A_835 : vector<1x4096xf32>
    %exp3A_837 = math.exp %sub3A_836 : vector<1x4096xf32>
    %reduce_sum3A_838 = vector.shape_cast %exp3A_837 : vector<1x4096xf32> to vector<1x1x4096xf32>
    %reduce_sum3A_839 = arith.constant dense<0.000000e+00> : vector<1xf32>
    %reduce_sum3A_840 = vector.multi_reduction <add>, %reduce_sum3A_838, %reduce_sum3A_839 [1, 2] : vector<1x1x4096xf32> to vector<1xf32>
    %reduce_sum3A_841 = vector.shape_cast %reduce_sum3A_840 : vector<1xf32> to vector<1x1x1xf32>
    %reduce_sum3A_842 = vector.extract %reduce_sum3A_841[0, 0, 0] : f32 from vector<1x1x1xf32>
    %broadcast_in_dim3A_843 = vector.broadcast %reduce_sum3A_842 : f32 to vector<1x1xf32>
    %add3A_844 = arith.addf %mul3A_834, %broadcast_in_dim3A_843 : vector<1x1xf32>
    %dma_wait3A_845 = arith.constant 2 : i32
    %dma_wait3A_846 = arith.constant 2 : i32
    %dma_wait3A_847 = tpu.memref_slice %arg8[%dma_wait3A_846] : memref<6x!tpu.dma_semaphore, #tpu.memory_space<semaphore_mem>> -> memref<1x!tpu.dma_semaphore, #tpu.memory_space<semaphore_mem>>
    %dma_wait3A_848 = tpu.memref_squeeze %dma_wait3A_847 : memref<1x!tpu.dma_semaphore, #tpu.memory_space<semaphore_mem>> -> memref<!tpu.dma_semaphore, #tpu.memory_space<semaphore_mem>>
    %dma_wait3A_849 = arith.constant 0 : i32
    %dma_wait3A_850 = arith.constant 0 : i32
    %dma_wait3A_851 = tpu.memref_slice %arg6[%dma_wait3A_845, %dma_wait3A_849, %dma_wait3A_850] : memref<6x4096x128xf32, #tpu.memory_space<vmem>> -> memref<1x4096x128xf32, #tpu.memory_space<vmem>>
    %dma_wait3A_852 = tpu.memref_squeeze %dma_wait3A_851 : memref<1x4096x128xf32, #tpu.memory_space<vmem>> -> memref<4096x128xf32, #tpu.memory_space<vmem>>
    %dma_wait3A_853 = arith.constant 57344 : i32
    %dma_wait3A_854 = arith.constant 0 : i32
    %dma_wait3A_855 = tpu.memref_slice %arg3[%dma_wait3A_853, %dma_wait3A_854] : memref<100000x128xf32, #tpu.memory_space<any>> -> memref<4096x128xf32, #tpu.memory_space<any>>
    tpu.wait_dma2 semaphore(%dma_wait3A_848 : memref<!tpu.dma_semaphore, #tpu.memory_space<semaphore_mem>>) src(%dma_wait3A_855 : memref<4096x128xf32, #tpu.memory_space<any>>) dst(%dma_wait3A_852 : memref<4096x128xf32, #tpu.memory_space<vmem>>)
    %get3A_856 = arith.constant 2 : index
    %get3A_857 = arith.constant 0 : index
    %get3A_858 = arith.constant 0 : index
    %get3A_859 = vector.load %arg6[%get3A_856, %get3A_857, %get3A_858] : memref<6x4096x128xf32, #tpu.memory_space<vmem>>, vector<1x4096x128xf32>
    %get3A_860 = vector.shape_cast %get3A_859 : vector<1x4096x128xf32> to vector<4096x128xf32>
    %dot_general3A_861 = arith.constant dense<0.000000e+00> : vector<1x4096xf32>
    %dot_general3A_862 = tpu.matmul %max3A_64, %get3A_860, %dot_general3A_861 {dimension_numbers = #tpu.dot_dimension_numbers<[1], [1], [0], [0], [0, 0, 1, 0], [], []>, transpose_lhs_hint = false} : vector<1x128xf32>, vector<4096x128xf32>, vector<1x4096xf32> -> vector<1x4096xf32>
    %get3A_863 = arith.constant 0 : index
    %get3A_864 = arith.constant 57344 : index
    %get3A_865 = vector.load %arg4[%get3A_863, %get3A_864] : memref<1x102400xf32, #tpu.memory_space<vmem>>, vector<1x4096xf32>
    %add3A_866 = arith.addf %dot_general3A_862, %get3A_865 : vector<1x4096xf32>
    %dma_start3A_867 = arith.constant 1 : i32
    %dma_start3A_868 = arith.constant 1 : i32
    %dma_start3A_869 = tpu.memref_slice %arg8[%dma_start3A_868] : memref<6x!tpu.dma_semaphore, #tpu.memory_space<semaphore_mem>> -> memref<1x!tpu.dma_semaphore, #tpu.memory_space<semaphore_mem>>
    %dma_start3A_870 = tpu.memref_squeeze %dma_start3A_869 : memref<1x!tpu.dma_semaphore, #tpu.memory_space<semaphore_mem>> -> memref<!tpu.dma_semaphore, #tpu.memory_space<semaphore_mem>>
    %dma_start3A_871 = arith.constant 0 : i32
    %dma_start3A_872 = arith.constant 0 : i32
    %dma_start3A_873 = tpu.memref_slice %arg6[%dma_start3A_867, %dma_start3A_871, %dma_start3A_872] : memref<6x4096x128xf32, #tpu.memory_space<vmem>> -> memref<1x4096x128xf32, #tpu.memory_space<vmem>>
    %dma_start3A_874 = tpu.memref_squeeze %dma_start3A_873 : memref<1x4096x128xf32, #tpu.memory_space<vmem>> -> memref<4096x128xf32, #tpu.memory_space<vmem>>
    %dma_start3A_875 = arith.constant 77824 : i32
    %dma_start3A_876 = arith.constant 0 : i32
    %dma_start3A_877 = tpu.memref_slice %arg3[%dma_start3A_875, %dma_start3A_876] : memref<100000x128xf32, #tpu.memory_space<any>> -> memref<4096x128xf32, #tpu.memory_space<any>>
    tpu.enqueue_dma source(%dma_start3A_877 : memref<4096x128xf32, #tpu.memory_space<any>>) target(%dma_start3A_874 : memref<4096x128xf32, #tpu.memory_space<vmem>>) target_semaphore(%dma_start3A_870 : memref<!tpu.dma_semaphore, #tpu.memory_space<semaphore_mem>>)
    %swap3A_878 = arith.constant 0 : index
    %swap3A_879 = arith.constant 57344 : index
    %swap3A_880 = vector.load %arg7[%swap3A_878, %swap3A_879] : memref<1x102400xf32, #tpu.memory_space<vmem>>, vector<1x4096xf32>
    tpu.vector_store %arg7[%swap3A_878, %swap3A_879], %add3A_866 {strides = array<i32>} : memref<1x102400xf32, #tpu.memory_space<vmem>>, vector<1x4096xf32>,
    %reduce_max3A_881 = vector.shape_cast %add3A_866 : vector<1x4096xf32> to vector<1x1x4096xf32>
    %reduce_max3A_882 = arith.constant dense<0xFF800000> : vector<1xf32>
    %reduce_max3A_883 = vector.multi_reduction <maximumf>, %reduce_max3A_881, %reduce_max3A_882 [1, 2] : vector<1x1x4096xf32> to vector<1xf32>
    %reduce_max3A_884 = vector.shape_cast %reduce_max3A_883 : vector<1xf32> to vector<1x1x1xf32>
    %reduce_max3A_885 = vector.extract %reduce_max3A_884[0, 0, 0] : f32 from vector<1x1x1xf32>
    %broadcast_in_dim3A_886 = vector.broadcast %reduce_max3A_885 : f32 to vector<1x1xf32>
    %max3A_887 = arith.maximumf %max3A_831, %broadcast_in_dim3A_886 : vector<1x1xf32>
    %sub3A_888 = arith.subf %max3A_831, %max3A_887 : vector<1x1xf32>
    %exp3A_889 = math.exp %sub3A_888 : vector<1x1xf32>
    %mul3A_890 = arith.mulf %add3A_844, %exp3A_889 : vector<1x1xf32>
    %sub3A_891 = vector.broadcast %max3A_887 : vector<1x1xf32> to vector<1x4096xf32>
    %sub3A_892 = arith.subf %add3A_866, %sub3A_891 : vector<1x4096xf32>
    %exp3A_893 = math.exp %sub3A_892 : vector<1x4096xf32>
    %reduce_sum3A_894 = vector.shape_cast %exp3A_893 : vector<1x4096xf32> to vector<1x1x4096xf32>
    %reduce_sum3A_895 = arith.constant dense<0.000000e+00> : vector<1xf32>
    %reduce_sum3A_896 = vector.multi_reduction <add>, %reduce_sum3A_894, %reduce_sum3A_895 [1, 2] : vector<1x1x4096xf32> to vector<1xf32>
    %reduce_sum3A_897 = vector.shape_cast %reduce_sum3A_896 : vector<1xf32> to vector<1x1x1xf32>
    %reduce_sum3A_898 = vector.extract %reduce_sum3A_897[0, 0, 0] : f32 from vector<1x1x1xf32>
    %broadcast_in_dim3A_899 = vector.broadcast %reduce_sum3A_898 : f32 to vector<1x1xf32>
    %add3A_900 = arith.addf %mul3A_890, %broadcast_in_dim3A_899 : vector<1x1xf32>
    %dma_wait3A_901 = arith.constant 3 : i32
    %dma_wait3A_902 = arith.constant 3 : i32
    %dma_wait3A_903 = tpu.memref_slice %arg8[%dma_wait3A_902] : memref<6x!tpu.dma_semaphore, #tpu.memory_space<semaphore_mem>> -> memref<1x!tpu.dma_semaphore, #tpu.memory_space<semaphore_mem>>
    %dma_wait3A_904 = tpu.memref_squeeze %dma_wait3A_903 : memref<1x!tpu.dma_semaphore, #tpu.memory_space<semaphore_mem>> -> memref<!tpu.dma_semaphore, #tpu.memory_space<semaphore_mem>>
    %dma_wait3A_905 = arith.constant 0 : i32
    %dma_wait3A_906 = arith.constant 0 : i32
    %dma_wait3A_907 = tpu.memref_slice %arg6[%dma_wait3A_901, %dma_wait3A_905, %dma_wait3A_906] : memref<6x4096x128xf32, #tpu.memory_space<vmem>> -> memref<1x4096x128xf32, #tpu.memory_space<vmem>>
    %dma_wait3A_908 = tpu.memref_squeeze %dma_wait3A_907 : memref<1x4096x128xf32, #tpu.memory_space<vmem>> -> memref<4096x128xf32, #tpu.memory_space<vmem>>
    %dma_wait3A_909 = arith.constant 61440 : i32
    %dma_wait3A_910 = arith.constant 0 : i32
    %dma_wait3A_911 = tpu.memref_slice %arg3[%dma_wait3A_909, %dma_wait3A_910] : memref<100000x128xf32, #tpu.memory_space<any>> -> memref<4096x128xf32, #tpu.memory_space<any>>
    tpu.wait_dma2 semaphore(%dma_wait3A_904 : memref<!tpu.dma_semaphore, #tpu.memory_space<semaphore_mem>>) src(%dma_wait3A_911 : memref<4096x128xf32, #tpu.memory_space<any>>) dst(%dma_wait3A_908 : memref<4096x128xf32, #tpu.memory_space<vmem>>)
    %get3A_912 = arith.constant 3 : index
    %get3A_913 = arith.constant 0 : index
    %get3A_914 = arith.constant 0 : index
    %get3A_915 = vector.load %arg6[%get3A_912, %get3A_913, %get3A_914] : memref<6x4096x128xf32, #tpu.memory_space<vmem>>, vector<1x4096x128xf32>
    %get3A_916 = vector.shape_cast %get3A_915 : vector<1x4096x128xf32> to vector<4096x128xf32>
    %dot_general3A_917 = arith.constant dense<0.000000e+00> : vector<1x4096xf32>
    %dot_general3A_918 = tpu.matmul %max3A_64, %get3A_916, %dot_general3A_917 {dimension_numbers = #tpu.dot_dimension_numbers<[1], [1], [0], [0], [0, 0, 1, 0], [], []>, transpose_lhs_hint = false} : vector<1x128xf32>, vector<4096x128xf32>, vector<1x4096xf32> -> vector<1x4096xf32>
    %get3A_919 = arith.constant 0 : index
    %get3A_920 = arith.constant 61440 : index
    %get3A_921 = vector.load %arg4[%get3A_919, %get3A_920] : memref<1x102400xf32, #tpu.memory_space<vmem>>, vector<1x4096xf32>
    %add3A_922 = arith.addf %dot_general3A_918, %get3A_921 : vector<1x4096xf32>
    %dma_start3A_923 = arith.constant 2 : i32
    %dma_start3A_924 = arith.constant 2 : i32
    %dma_start3A_925 = tpu.memref_slice %arg8[%dma_start3A_924] : memref<6x!tpu.dma_semaphore, #tpu.memory_space<semaphore_mem>> -> memref<1x!tpu.dma_semaphore, #tpu.memory_space<semaphore_mem>>
    %dma_start3A_926 = tpu.memref_squeeze %dma_start3A_925 : memref<1x!tpu.dma_semaphore, #tpu.memory_space<semaphore_mem>> -> memref<!tpu.dma_semaphore, #tpu.memory_space<semaphore_mem>>
    %dma_start3A_927 = arith.constant 0 : i32
    %dma_start3A_928 = arith.constant 0 : i32
    %dma_start3A_929 = tpu.memref_slice %arg6[%dma_start3A_923, %dma_start3A_927, %dma_start3A_928] : memref<6x4096x128xf32, #tpu.memory_space<vmem>> -> memref<1x4096x128xf32, #tpu.memory_space<vmem>>
    %dma_start3A_930 = tpu.memref_squeeze %dma_start3A_929 : memref<1x4096x128xf32, #tpu.memory_space<vmem>> -> memref<4096x128xf32, #tpu.memory_space<vmem>>
    %dma_start3A_931 = arith.constant 81920 : i32
    %dma_start3A_932 = arith.constant 0 : i32
    %dma_start3A_933 = tpu.memref_slice %arg3[%dma_start3A_931, %dma_start3A_932] : memref<100000x128xf32, #tpu.memory_space<any>> -> memref<4096x128xf32, #tpu.memory_space<any>>
    tpu.enqueue_dma source(%dma_start3A_933 : memref<4096x128xf32, #tpu.memory_space<any>>) target(%dma_start3A_930 : memref<4096x128xf32, #tpu.memory_space<vmem>>) target_semaphore(%dma_start3A_926 : memref<!tpu.dma_semaphore, #tpu.memory_space<semaphore_mem>>)
    %swap3A_934 = arith.constant 0 : index
    %swap3A_935 = arith.constant 61440 : index
    %swap3A_936 = vector.load %arg7[%swap3A_934, %swap3A_935] : memref<1x102400xf32, #tpu.memory_space<vmem>>, vector<1x4096xf32>
    tpu.vector_store %arg7[%swap3A_934, %swap3A_935], %add3A_922 {strides = array<i32>} : memref<1x102400xf32, #tpu.memory_space<vmem>>, vector<1x4096xf32>,
    %reduce_max3A_937 = vector.shape_cast %add3A_922 : vector<1x4096xf32> to vector<1x1x4096xf32>
    %reduce_max3A_938 = arith.constant dense<0xFF800000> : vector<1xf32>
    %reduce_max3A_939 = vector.multi_reduction <maximumf>, %reduce_max3A_937, %reduce_max3A_938 [1, 2] : vector<1x1x4096xf32> to vector<1xf32>
    %reduce_max3A_940 = vector.shape_cast %reduce_max3A_939 : vector<1xf32> to vector<1x1x1xf32>
    %reduce_max3A_941 = vector.extract %reduce_max3A_940[0, 0, 0] : f32 from vector<1x1x1xf32>
    %broadcast_in_dim3A_942 = vector.broadcast %reduce_max3A_941 : f32 to vector<1x1xf32>
    %max3A_943 = arith.maximumf %max3A_887, %broadcast_in_dim3A_942 : vector<1x1xf32>
    %sub3A_944 = arith.subf %max3A_887, %max3A_943 : vector<1x1xf32>
    %exp3A_945 = math.exp %sub3A_944 : vector<1x1xf32>
    %mul3A_946 = arith.mulf %add3A_900, %exp3A_945 : vector<1x1xf32>
    %sub3A_947 = vector.broadcast %max3A_943 : vector<1x1xf32> to vector<1x4096xf32>
    %sub3A_948 = arith.subf %add3A_922, %sub3A_947 : vector<1x4096xf32>
    %exp3A_949 = math.exp %sub3A_948 : vector<1x4096xf32>
    %reduce_sum3A_950 = vector.shape_cast %exp3A_949 : vector<1x4096xf32> to vector<1x1x4096xf32>
    %reduce_sum3A_951 = arith.constant dense<0.000000e+00> : vector<1xf32>
    %reduce_sum3A_952 = vector.multi_reduction <add>, %reduce_sum3A_950, %reduce_sum3A_951 [1, 2] : vector<1x1x4096xf32> to vector<1xf32>
    %reduce_sum3A_953 = vector.shape_cast %reduce_sum3A_952 : vector<1xf32> to vector<1x1x1xf32>
    %reduce_sum3A_954 = vector.extract %reduce_sum3A_953[0, 0, 0] : f32 from vector<1x1x1xf32>
    %broadcast_in_dim3A_955 = vector.broadcast %reduce_sum3A_954 : f32 to vector<1x1xf32>
    %add3A_956 = arith.addf %mul3A_946, %broadcast_in_dim3A_955 : vector<1x1xf32>
    %dma_wait3A_957 = arith.constant 4 : i32
    %dma_wait3A_958 = arith.constant 4 : i32
    %dma_wait3A_959 = tpu.memref_slice %arg8[%dma_wait3A_958] : memref<6x!tpu.dma_semaphore, #tpu.memory_space<semaphore_mem>> -> memref<1x!tpu.dma_semaphore, #tpu.memory_space<semaphore_mem>>
    %dma_wait3A_960 = tpu.memref_squeeze %dma_wait3A_959 : memref<1x!tpu.dma_semaphore, #tpu.memory_space<semaphore_mem>> -> memref<!tpu.dma_semaphore, #tpu.memory_space<semaphore_mem>>
    %dma_wait3A_961 = arith.constant 0 : i32
    %dma_wait3A_962 = arith.constant 0 : i32
    %dma_wait3A_963 = tpu.memref_slice %arg6[%dma_wait3A_957, %dma_wait3A_961, %dma_wait3A_962] : memref<6x4096x128xf32, #tpu.memory_space<vmem>> -> memref<1x4096x128xf32, #tpu.memory_space<vmem>>
    %dma_wait3A_964 = tpu.memref_squeeze %dma_wait3A_963 : memref<1x4096x128xf32, #tpu.memory_space<vmem>> -> memref<4096x128xf32, #tpu.memory_space<vmem>>
    %dma_wait3A_965 = arith.constant 65536 : i32
    %dma_wait3A_966 = arith.constant 0 : i32
    %dma_wait3A_967 = tpu.memref_slice %arg3[%dma_wait3A_965, %dma_wait3A_966] : memref<100000x128xf32, #tpu.memory_space<any>> -> memref<4096x128xf32, #tpu.memory_space<any>>
    tpu.wait_dma2 semaphore(%dma_wait3A_960 : memref<!tpu.dma_semaphore, #tpu.memory_space<semaphore_mem>>) src(%dma_wait3A_967 : memref<4096x128xf32, #tpu.memory_space<any>>) dst(%dma_wait3A_964 : memref<4096x128xf32, #tpu.memory_space<vmem>>)
    %get3A_968 = arith.constant 4 : index
    %get3A_969 = arith.constant 0 : index
    %get3A_970 = arith.constant 0 : index
    %get3A_971 = vector.load %arg6[%get3A_968, %get3A_969, %get3A_970] : memref<6x4096x128xf32, #tpu.memory_space<vmem>>, vector<1x4096x128xf32>
    %get3A_972 = vector.shape_cast %get3A_971 : vector<1x4096x128xf32> to vector<4096x128xf32>
    %dot_general3A_973 = arith.constant dense<0.000000e+00> : vector<1x4096xf32>
    %dot_general3A_974 = tpu.matmul %max3A_64, %get3A_972, %dot_general3A_973 {dimension_numbers = #tpu.dot_dimension_numbers<[1], [1], [0], [0], [0, 0, 1, 0], [], []>, transpose_lhs_hint = false} : vector<1x128xf32>, vector<4096x128xf32>, vector<1x4096xf32> -> vector<1x4096xf32>
    %get3A_975 = arith.constant 0 : index
    %get3A_976 = arith.constant 65536 : index
    %get3A_977 = vector.load %arg4[%get3A_975, %get3A_976] : memref<1x102400xf32, #tpu.memory_space<vmem>>, vector<1x4096xf32>
    %add3A_978 = arith.addf %dot_general3A_974, %get3A_977 : vector<1x4096xf32>
    %dma_start3A_979 = arith.constant 3 : i32
    %dma_start3A_980 = arith.constant 3 : i32
    %dma_start3A_981 = tpu.memref_slice %arg8[%dma_start3A_980] : memref<6x!tpu.dma_semaphore, #tpu.memory_space<semaphore_mem>> -> memref<1x!tpu.dma_semaphore, #tpu.memory_space<semaphore_mem>>
    %dma_start3A_982 = tpu.memref_squeeze %dma_start3A_981 : memref<1x!tpu.dma_semaphore, #tpu.memory_space<semaphore_mem>> -> memref<!tpu.dma_semaphore, #tpu.memory_space<semaphore_mem>>
    %dma_start3A_983 = arith.constant 0 : i32
    %dma_start3A_984 = arith.constant 0 : i32
    %dma_start3A_985 = tpu.memref_slice %arg6[%dma_start3A_979, %dma_start3A_983, %dma_start3A_984] : memref<6x4096x128xf32, #tpu.memory_space<vmem>> -> memref<1x4096x128xf32, #tpu.memory_space<vmem>>
    %dma_start3A_986 = tpu.memref_squeeze %dma_start3A_985 : memref<1x4096x128xf32, #tpu.memory_space<vmem>> -> memref<4096x128xf32, #tpu.memory_space<vmem>>
    %dma_start3A_987 = arith.constant 86016 : i32
    %dma_start3A_988 = arith.constant 0 : i32
    %dma_start3A_989 = tpu.memref_slice %arg3[%dma_start3A_987, %dma_start3A_988] : memref<100000x128xf32, #tpu.memory_space<any>> -> memref<4096x128xf32, #tpu.memory_space<any>>
    tpu.enqueue_dma source(%dma_start3A_989 : memref<4096x128xf32, #tpu.memory_space<any>>) target(%dma_start3A_986 : memref<4096x128xf32, #tpu.memory_space<vmem>>) target_semaphore(%dma_start3A_982 : memref<!tpu.dma_semaphore, #tpu.memory_space<semaphore_mem>>)
    %swap3A_990 = arith.constant 0 : index
    %swap3A_991 = arith.constant 65536 : index
    %swap3A_992 = vector.load %arg7[%swap3A_990, %swap3A_991] : memref<1x102400xf32, #tpu.memory_space<vmem>>, vector<1x4096xf32>
    tpu.vector_store %arg7[%swap3A_990, %swap3A_991], %add3A_978 {strides = array<i32>} : memref<1x102400xf32, #tpu.memory_space<vmem>>, vector<1x4096xf32>,
    %reduce_max3A_993 = vector.shape_cast %add3A_978 : vector<1x4096xf32> to vector<1x1x4096xf32>
    %reduce_max3A_994 = arith.constant dense<0xFF800000> : vector<1xf32>
    %reduce_max3A_995 = vector.multi_reduction <maximumf>, %reduce_max3A_993, %reduce_max3A_994 [1, 2] : vector<1x1x4096xf32> to vector<1xf32>
    %reduce_max3A_996 = vector.shape_cast %reduce_max3A_995 : vector<1xf32> to vector<1x1x1xf32>
    %reduce_max3A_997 = vector.extract %reduce_max3A_996[0, 0, 0] : f32 from vector<1x1x1xf32>
    %broadcast_in_dim3A_998 = vector.broadcast %reduce_max3A_997 : f32 to vector<1x1xf32>
    %max3A_999 = arith.maximumf %max3A_943, %broadcast_in_dim3A_998 : vector<1x1xf32>
    %sub3A_1000 = arith.subf %max3A_943, %max3A_999 : vector<1x1xf32>
    %exp3A_1001 = math.exp %sub3A_1000 : vector<1x1xf32>
    %mul3A_1002 = arith.mulf %add3A_956, %exp3A_1001 : vector<1x1xf32>
    %sub3A_1003 = vector.broadcast %max3A_999 : vector<1x1xf32> to vector<1x4096xf32>
    %sub3A_1004 = arith.subf %add3A_978, %sub3A_1003 : vector<1x4096xf32>
    %exp3A_1005 = math.exp %sub3A_1004 : vector<1x4096xf32>
    %reduce_sum3A_1006 = vector.shape_cast %exp3A_1005 : vector<1x4096xf32> to vector<1x1x4096xf32>
    %reduce_sum3A_1007 = arith.constant dense<0.000000e+00> : vector<1xf32>
    %reduce_sum3A_1008 = vector.multi_reduction <add>, %reduce_sum3A_1006, %reduce_sum3A_1007 [1, 2] : vector<1x1x4096xf32> to vector<1xf32>
    %reduce_sum3A_1009 = vector.shape_cast %reduce_sum3A_1008 : vector<1xf32> to vector<1x1x1xf32>
    %reduce_sum3A_1010 = vector.extract %reduce_sum3A_1009[0, 0, 0] : f32 from vector<1x1x1xf32>
    %broadcast_in_dim3A_1011 = vector.broadcast %reduce_sum3A_1010 : f32 to vector<1x1xf32>
    %add3A_1012 = arith.addf %mul3A_1002, %broadcast_in_dim3A_1011 : vector<1x1xf32>
    %dma_wait3A_1013 = arith.constant 5 : i32
    %dma_wait3A_1014 = arith.constant 5 : i32
    %dma_wait3A_1015 = tpu.memref_slice %arg8[%dma_wait3A_1014] : memref<6x!tpu.dma_semaphore, #tpu.memory_space<semaphore_mem>> -> memref<1x!tpu.dma_semaphore, #tpu.memory_space<semaphore_mem>>
    %dma_wait3A_1016 = tpu.memref_squeeze %dma_wait3A_1015 : memref<1x!tpu.dma_semaphore, #tpu.memory_space<semaphore_mem>> -> memref<!tpu.dma_semaphore, #tpu.memory_space<semaphore_mem>>
    %dma_wait3A_1017 = arith.constant 0 : i32
    %dma_wait3A_1018 = arith.constant 0 : i32
    %dma_wait3A_1019 = tpu.memref_slice %arg6[%dma_wait3A_1013, %dma_wait3A_1017, %dma_wait3A_1018] : memref<6x4096x128xf32, #tpu.memory_space<vmem>> -> memref<1x4096x128xf32, #tpu.memory_space<vmem>>
    %dma_wait3A_1020 = tpu.memref_squeeze %dma_wait3A_1019 : memref<1x4096x128xf32, #tpu.memory_space<vmem>> -> memref<4096x128xf32, #tpu.memory_space<vmem>>
    %dma_wait3A_1021 = arith.constant 69632 : i32
    %dma_wait3A_1022 = arith.constant 0 : i32
    %dma_wait3A_1023 = tpu.memref_slice %arg3[%dma_wait3A_1021, %dma_wait3A_1022] : memref<100000x128xf32, #tpu.memory_space<any>> -> memref<4096x128xf32, #tpu.memory_space<any>>
    tpu.wait_dma2 semaphore(%dma_wait3A_1016 : memref<!tpu.dma_semaphore, #tpu.memory_space<semaphore_mem>>) src(%dma_wait3A_1023 : memref<4096x128xf32, #tpu.memory_space<any>>) dst(%dma_wait3A_1020 : memref<4096x128xf32, #tpu.memory_space<vmem>>)
    %get3A_1024 = arith.constant 5 : index
    %get3A_1025 = arith.constant 0 : index
    %get3A_1026 = arith.constant 0 : index
    %get3A_1027 = vector.load %arg6[%get3A_1024, %get3A_1025, %get3A_1026] : memref<6x4096x128xf32, #tpu.memory_space<vmem>>, vector<1x4096x128xf32>
    %get3A_1028 = vector.shape_cast %get3A_1027 : vector<1x4096x128xf32> to vector<4096x128xf32>
    %dot_general3A_1029 = arith.constant dense<0.000000e+00> : vector<1x4096xf32>
    %dot_general3A_1030 = tpu.matmul %max3A_64, %get3A_1028, %dot_general3A_1029 {dimension_numbers = #tpu.dot_dimension_numbers<[1], [1], [0], [0], [0, 0, 1, 0], [], []>, transpose_lhs_hint = false} : vector<1x128xf32>, vector<4096x128xf32>, vector<1x4096xf32> -> vector<1x4096xf32>
    %get3A_1031 = arith.constant 0 : index
    %get3A_1032 = arith.constant 69632 : index
    %get3A_1033 = vector.load %arg4[%get3A_1031, %get3A_1032] : memref<1x102400xf32, #tpu.memory_space<vmem>>, vector<1x4096xf32>
    %add3A_1034 = arith.addf %dot_general3A_1030, %get3A_1033 : vector<1x4096xf32>
    %dma_start3A_1035 = arith.constant 4 : i32
    %dma_start3A_1036 = arith.constant 4 : i32
    %dma_start3A_1037 = tpu.memref_slice %arg8[%dma_start3A_1036] : memref<6x!tpu.dma_semaphore, #tpu.memory_space<semaphore_mem>> -> memref<1x!tpu.dma_semaphore, #tpu.memory_space<semaphore_mem>>
    %dma_start3A_1038 = tpu.memref_squeeze %dma_start3A_1037 : memref<1x!tpu.dma_semaphore, #tpu.memory_space<semaphore_mem>> -> memref<!tpu.dma_semaphore, #tpu.memory_space<semaphore_mem>>
    %dma_start3A_1039 = arith.constant 0 : i32
    %dma_start3A_1040 = arith.constant 0 : i32
    %dma_start3A_1041 = tpu.memref_slice %arg6[%dma_start3A_1035, %dma_start3A_1039, %dma_start3A_1040] : memref<6x4096x128xf32, #tpu.memory_space<vmem>> -> memref<1x4096x128xf32, #tpu.memory_space<vmem>>
    %dma_start3A_1042 = tpu.memref_squeeze %dma_start3A_1041 : memref<1x4096x128xf32, #tpu.memory_space<vmem>> -> memref<4096x128xf32, #tpu.memory_space<vmem>>
    %dma_start3A_1043 = arith.constant 90112 : i32
    %dma_start3A_1044 = arith.constant 0 : i32
    %dma_start3A_1045 = tpu.memref_slice %arg3[%dma_start3A_1043, %dma_start3A_1044] : memref<100000x128xf32, #tpu.memory_space<any>> -> memref<4096x128xf32, #tpu.memory_space<any>>
    tpu.enqueue_dma source(%dma_start3A_1045 : memref<4096x128xf32, #tpu.memory_space<any>>) target(%dma_start3A_1042 : memref<4096x128xf32, #tpu.memory_space<vmem>>) target_semaphore(%dma_start3A_1038 : memref<!tpu.dma_semaphore, #tpu.memory_space<semaphore_mem>>)
    %swap3A_1046 = arith.constant 0 : index
    %swap3A_1047 = arith.constant 69632 : index
    %swap3A_1048 = vector.load %arg7[%swap3A_1046, %swap3A_1047] : memref<1x102400xf32, #tpu.memory_space<vmem>>, vector<1x4096xf32>
    tpu.vector_store %arg7[%swap3A_1046, %swap3A_1047], %add3A_1034 {strides = array<i32>} : memref<1x102400xf32, #tpu.memory_space<vmem>>, vector<1x4096xf32>,
    %reduce_max3A_1049 = vector.shape_cast %add3A_1034 : vector<1x4096xf32> to vector<1x1x4096xf32>
    %reduce_max3A_1050 = arith.constant dense<0xFF800000> : vector<1xf32>
    %reduce_max3A_1051 = vector.multi_reduction <maximumf>, %reduce_max3A_1049, %reduce_max3A_1050 [1, 2] : vector<1x1x4096xf32> to vector<1xf32>
    %reduce_max3A_1052 = vector.shape_cast %reduce_max3A_1051 : vector<1xf32> to vector<1x1x1xf32>
    %reduce_max3A_1053 = vector.extract %reduce_max3A_1052[0, 0, 0] : f32 from vector<1x1x1xf32>
    %broadcast_in_dim3A_1054 = vector.broadcast %reduce_max3A_1053 : f32 to vector<1x1xf32>
    %max3A_1055 = arith.maximumf %max3A_999, %broadcast_in_dim3A_1054 : vector<1x1xf32>
    %sub3A_1056 = arith.subf %max3A_999, %max3A_1055 : vector<1x1xf32>
    %exp3A_1057 = math.exp %sub3A_1056 : vector<1x1xf32>
    %mul3A_1058 = arith.mulf %add3A_1012, %exp3A_1057 : vector<1x1xf32>
    %sub3A_1059 = vector.broadcast %max3A_1055 : vector<1x1xf32> to vector<1x4096xf32>
    %sub3A_1060 = arith.subf %add3A_1034, %sub3A_1059 : vector<1x4096xf32>
    %exp3A_1061 = math.exp %sub3A_1060 : vector<1x4096xf32>
    %reduce_sum3A_1062 = vector.shape_cast %exp3A_1061 : vector<1x4096xf32> to vector<1x1x4096xf32>
    %reduce_sum3A_1063 = arith.constant dense<0.000000e+00> : vector<1xf32>
    %reduce_sum3A_1064 = vector.multi_reduction <add>, %reduce_sum3A_1062, %reduce_sum3A_1063 [1, 2] : vector<1x1x4096xf32> to vector<1xf32>
    %reduce_sum3A_1065 = vector.shape_cast %reduce_sum3A_1064 : vector<1xf32> to vector<1x1x1xf32>
    %reduce_sum3A_1066 = vector.extract %reduce_sum3A_1065[0, 0, 0] : f32 from vector<1x1x1xf32>
    %broadcast_in_dim3A_1067 = vector.broadcast %reduce_sum3A_1066 : f32 to vector<1x1xf32>
    %add3A_1068 = arith.addf %mul3A_1058, %broadcast_in_dim3A_1067 : vector<1x1xf32>
    %dma_wait3A_1069 = arith.constant 0 : i32
    %dma_wait3A_1070 = arith.constant 0 : i32
    %dma_wait3A_1071 = tpu.memref_slice %arg8[%dma_wait3A_1070] : memref<6x!tpu.dma_semaphore, #tpu.memory_space<semaphore_mem>> -> memref<1x!tpu.dma_semaphore, #tpu.memory_space<semaphore_mem>>
    %dma_wait3A_1072 = tpu.memref_squeeze %dma_wait3A_1071 : memref<1x!tpu.dma_semaphore, #tpu.memory_space<semaphore_mem>> -> memref<!tpu.dma_semaphore, #tpu.memory_space<semaphore_mem>>
    %dma_wait3A_1073 = arith.constant 0 : i32
    %dma_wait3A_1074 = arith.constant 0 : i32
    %dma_wait3A_1075 = tpu.memref_slice %arg6[%dma_wait3A_1069, %dma_wait3A_1073, %dma_wait3A_1074] : memref<6x4096x128xf32, #tpu.memory_space<vmem>> -> memref<1x4096x128xf32, #tpu.memory_space<vmem>>
    %dma_wait3A_1076 = tpu.memref_squeeze %dma_wait3A_1075 : memref<1x4096x128xf32, #tpu.memory_space<vmem>> -> memref<4096x128xf32, #tpu.memory_space<vmem>>
    %dma_wait3A_1077 = arith.constant 73728 : i32
    %dma_wait3A_1078 = arith.constant 0 : i32
    %dma_wait3A_1079 = tpu.memref_slice %arg3[%dma_wait3A_1077, %dma_wait3A_1078] : memref<100000x128xf32, #tpu.memory_space<any>> -> memref<4096x128xf32, #tpu.memory_space<any>>
    tpu.wait_dma2 semaphore(%dma_wait3A_1072 : memref<!tpu.dma_semaphore, #tpu.memory_space<semaphore_mem>>) src(%dma_wait3A_1079 : memref<4096x128xf32, #tpu.memory_space<any>>) dst(%dma_wait3A_1076 : memref<4096x128xf32, #tpu.memory_space<vmem>>)
    %get3A_1080 = arith.constant 0 : index
    %get3A_1081 = arith.constant 0 : index
    %get3A_1082 = arith.constant 0 : index
    %get3A_1083 = vector.load %arg6[%get3A_1080, %get3A_1081, %get3A_1082] : memref<6x4096x128xf32, #tpu.memory_space<vmem>>, vector<1x4096x128xf32>
    %get3A_1084 = vector.shape_cast %get3A_1083 : vector<1x4096x128xf32> to vector<4096x128xf32>
    %dot_general3A_1085 = arith.constant dense<0.000000e+00> : vector<1x4096xf32>
    %dot_general3A_1086 = tpu.matmul %max3A_64, %get3A_1084, %dot_general3A_1085 {dimension_numbers = #tpu.dot_dimension_numbers<[1], [1], [0], [0], [0, 0, 1, 0], [], []>, transpose_lhs_hint = false} : vector<1x128xf32>, vector<4096x128xf32>, vector<1x4096xf32> -> vector<1x4096xf32>
    %get3A_1087 = arith.constant 0 : index
    %get3A_1088 = arith.constant 73728 : index
    %get3A_1089 = vector.load %arg4[%get3A_1087, %get3A_1088] : memref<1x102400xf32, #tpu.memory_space<vmem>>, vector<1x4096xf32>
    %add3A_1090 = arith.addf %dot_general3A_1086, %get3A_1089 : vector<1x4096xf32>
    %dma_start3A_1091 = arith.constant 5 : i32
    %dma_start3A_1092 = arith.constant 5 : i32
    %dma_start3A_1093 = tpu.memref_slice %arg8[%dma_start3A_1092] : memref<6x!tpu.dma_semaphore, #tpu.memory_space<semaphore_mem>> -> memref<1x!tpu.dma_semaphore, #tpu.memory_space<semaphore_mem>>
    %dma_start3A_1094 = tpu.memref_squeeze %dma_start3A_1093 : memref<1x!tpu.dma_semaphore, #tpu.memory_space<semaphore_mem>> -> memref<!tpu.dma_semaphore, #tpu.memory_space<semaphore_mem>>
    %dma_start3A_1095 = arith.constant 0 : i32
    %dma_start3A_1096 = arith.constant 0 : i32
    %dma_start3A_1097 = tpu.memref_slice %arg6[%dma_start3A_1091, %dma_start3A_1095, %dma_start3A_1096] : memref<6x4096x128xf32, #tpu.memory_space<vmem>> -> memref<1x4096x128xf32, #tpu.memory_space<vmem>>
    %dma_start3A_1098 = tpu.memref_squeeze %dma_start3A_1097 : memref<1x4096x128xf32, #tpu.memory_space<vmem>> -> memref<4096x128xf32, #tpu.memory_space<vmem>>
    %dma_start3A_1099 = arith.constant 94208 : i32
    %dma_start3A_1100 = arith.constant 0 : i32
    %dma_start3A_1101 = tpu.memref_slice %arg3[%dma_start3A_1099, %dma_start3A_1100] : memref<100000x128xf32, #tpu.memory_space<any>> -> memref<4096x128xf32, #tpu.memory_space<any>>
    tpu.enqueue_dma source(%dma_start3A_1101 : memref<4096x128xf32, #tpu.memory_space<any>>) target(%dma_start3A_1098 : memref<4096x128xf32, #tpu.memory_space<vmem>>) target_semaphore(%dma_start3A_1094 : memref<!tpu.dma_semaphore, #tpu.memory_space<semaphore_mem>>)
    %swap3A_1102 = arith.constant 0 : index
    %swap3A_1103 = arith.constant 73728 : index
    %swap3A_1104 = vector.load %arg7[%swap3A_1102, %swap3A_1103] : memref<1x102400xf32, #tpu.memory_space<vmem>>, vector<1x4096xf32>
    tpu.vector_store %arg7[%swap3A_1102, %swap3A_1103], %add3A_1090 {strides = array<i32>} : memref<1x102400xf32, #tpu.memory_space<vmem>>, vector<1x4096xf32>,
    %reduce_max3A_1105 = vector.shape_cast %add3A_1090 : vector<1x4096xf32> to vector<1x1x4096xf32>
    %reduce_max3A_1106 = arith.constant dense<0xFF800000> : vector<1xf32>
    %reduce_max3A_1107 = vector.multi_reduction <maximumf>, %reduce_max3A_1105, %reduce_max3A_1106 [1, 2] : vector<1x1x4096xf32> to vector<1xf32>
    %reduce_max3A_1108 = vector.shape_cast %reduce_max3A_1107 : vector<1xf32> to vector<1x1x1xf32>
    %reduce_max3A_1109 = vector.extract %reduce_max3A_1108[0, 0, 0] : f32 from vector<1x1x1xf32>
    %broadcast_in_dim3A_1110 = vector.broadcast %reduce_max3A_1109 : f32 to vector<1x1xf32>
    %max3A_1111 = arith.maximumf %max3A_1055, %broadcast_in_dim3A_1110 : vector<1x1xf32>
    %sub3A_1112 = arith.subf %max3A_1055, %max3A_1111 : vector<1x1xf32>
    %exp3A_1113 = math.exp %sub3A_1112 : vector<1x1xf32>
    %mul3A_1114 = arith.mulf %add3A_1068, %exp3A_1113 : vector<1x1xf32>
    %sub3A_1115 = vector.broadcast %max3A_1111 : vector<1x1xf32> to vector<1x4096xf32>
    %sub3A_1116 = arith.subf %add3A_1090, %sub3A_1115 : vector<1x4096xf32>
    %exp3A_1117 = math.exp %sub3A_1116 : vector<1x4096xf32>
    %reduce_sum3A_1118 = vector.shape_cast %exp3A_1117 : vector<1x4096xf32> to vector<1x1x4096xf32>
    %reduce_sum3A_1119 = arith.constant dense<0.000000e+00> : vector<1xf32>
    %reduce_sum3A_1120 = vector.multi_reduction <add>, %reduce_sum3A_1118, %reduce_sum3A_1119 [1, 2] : vector<1x1x4096xf32> to vector<1xf32>
    %reduce_sum3A_1121 = vector.shape_cast %reduce_sum3A_1120 : vector<1xf32> to vector<1x1x1xf32>
    %reduce_sum3A_1122 = vector.extract %reduce_sum3A_1121[0, 0, 0] : f32 from vector<1x1x1xf32>
    %broadcast_in_dim3A_1123 = vector.broadcast %reduce_sum3A_1122 : f32 to vector<1x1xf32>
    %add3A_1124 = arith.addf %mul3A_1114, %broadcast_in_dim3A_1123 : vector<1x1xf32>
    %dma_wait3A_1125 = arith.constant 1 : i32
    %dma_wait3A_1126 = arith.constant 1 : i32
    %dma_wait3A_1127 = tpu.memref_slice %arg8[%dma_wait3A_1126] : memref<6x!tpu.dma_semaphore, #tpu.memory_space<semaphore_mem>> -> memref<1x!tpu.dma_semaphore, #tpu.memory_space<semaphore_mem>>
    %dma_wait3A_1128 = tpu.memref_squeeze %dma_wait3A_1127 : memref<1x!tpu.dma_semaphore, #tpu.memory_space<semaphore_mem>> -> memref<!tpu.dma_semaphore, #tpu.memory_space<semaphore_mem>>
    %dma_wait3A_1129 = arith.constant 0 : i32
    %dma_wait3A_1130 = arith.constant 0 : i32
    %dma_wait3A_1131 = tpu.memref_slice %arg6[%dma_wait3A_1125, %dma_wait3A_1129, %dma_wait3A_1130] : memref<6x4096x128xf32, #tpu.memory_space<vmem>> -> memref<1x4096x128xf32, #tpu.memory_space<vmem>>
    %dma_wait3A_1132 = tpu.memref_squeeze %dma_wait3A_1131 : memref<1x4096x128xf32, #tpu.memory_space<vmem>> -> memref<4096x128xf32, #tpu.memory_space<vmem>>
    %dma_wait3A_1133 = arith.constant 77824 : i32
    %dma_wait3A_1134 = arith.constant 0 : i32
    %dma_wait3A_1135 = tpu.memref_slice %arg3[%dma_wait3A_1133, %dma_wait3A_1134] : memref<100000x128xf32, #tpu.memory_space<any>> -> memref<4096x128xf32, #tpu.memory_space<any>>
    tpu.wait_dma2 semaphore(%dma_wait3A_1128 : memref<!tpu.dma_semaphore, #tpu.memory_space<semaphore_mem>>) src(%dma_wait3A_1135 : memref<4096x128xf32, #tpu.memory_space<any>>) dst(%dma_wait3A_1132 : memref<4096x128xf32, #tpu.memory_space<vmem>>)
    %get3A_1136 = arith.constant 1 : index
    %get3A_1137 = arith.constant 0 : index
    %get3A_1138 = arith.constant 0 : index
    %get3A_1139 = vector.load %arg6[%get3A_1136, %get3A_1137, %get3A_1138] : memref<6x4096x128xf32, #tpu.memory_space<vmem>>, vector<1x4096x128xf32>
    %get3A_1140 = vector.shape_cast %get3A_1139 : vector<1x4096x128xf32> to vector<4096x128xf32>
    %dot_general3A_1141 = arith.constant dense<0.000000e+00> : vector<1x4096xf32>
    %dot_general3A_1142 = tpu.matmul %max3A_64, %get3A_1140, %dot_general3A_1141 {dimension_numbers = #tpu.dot_dimension_numbers<[1], [1], [0], [0], [0, 0, 1, 0], [], []>, transpose_lhs_hint = false} : vector<1x128xf32>, vector<4096x128xf32>, vector<1x4096xf32> -> vector<1x4096xf32>
    %get3A_1143 = arith.constant 0 : index
    %get3A_1144 = arith.constant 77824 : index
    %get3A_1145 = vector.load %arg4[%get3A_1143, %get3A_1144] : memref<1x102400xf32, #tpu.memory_space<vmem>>, vector<1x4096xf32>
    %add3A_1146 = arith.addf %dot_general3A_1142, %get3A_1145 : vector<1x4096xf32>
    %dma_start3A_1147 = arith.constant 0 : i32
    %dma_start3A_1148 = arith.constant 0 : i32
    %dma_start3A_1149 = tpu.memref_slice %arg8[%dma_start3A_1148] : memref<6x!tpu.dma_semaphore, #tpu.memory_space<semaphore_mem>> -> memref<1x!tpu.dma_semaphore, #tpu.memory_space<semaphore_mem>>
    %dma_start3A_1150 = tpu.memref_squeeze %dma_start3A_1149 : memref<1x!tpu.dma_semaphore, #tpu.memory_space<semaphore_mem>> -> memref<!tpu.dma_semaphore, #tpu.memory_space<semaphore_mem>>
    %dma_start3A_1151 = arith.constant 0 : i32
    %dma_start3A_1152 = arith.constant 0 : i32
    %dma_start3A_1153 = tpu.memref_slice %arg6[%dma_start3A_1147, %dma_start3A_1151, %dma_start3A_1152] : memref<6x4096x128xf32, #tpu.memory_space<vmem>> -> memref<1x1696x128xf32, #tpu.memory_space<vmem>>
    %dma_start3A_1154 = tpu.memref_squeeze %dma_start3A_1153 : memref<1x1696x128xf32, #tpu.memory_space<vmem>> -> memref<1696x128xf32, #tpu.memory_space<vmem>>
    %dma_start3A_1155 = arith.constant 98304 : i32
    %dma_start3A_1156 = arith.constant 0 : i32
    %dma_start3A_1157 = tpu.memref_slice %arg3[%dma_start3A_1155, %dma_start3A_1156] : memref<100000x128xf32, #tpu.memory_space<any>> -> memref<1696x128xf32, #tpu.memory_space<any>>
    tpu.enqueue_dma source(%dma_start3A_1157 : memref<1696x128xf32, #tpu.memory_space<any>>) target(%dma_start3A_1154 : memref<1696x128xf32, #tpu.memory_space<vmem>>) target_semaphore(%dma_start3A_1150 : memref<!tpu.dma_semaphore, #tpu.memory_space<semaphore_mem>>)
    %swap3A_1158 = arith.constant 0 : index
    %swap3A_1159 = arith.constant 77824 : index
    %swap3A_1160 = vector.load %arg7[%swap3A_1158, %swap3A_1159] : memref<1x102400xf32, #tpu.memory_space<vmem>>, vector<1x4096xf32>
    tpu.vector_store %arg7[%swap3A_1158, %swap3A_1159], %add3A_1146 {strides = array<i32>} : memref<1x102400xf32, #tpu.memory_space<vmem>>, vector<1x4096xf32>,
    %reduce_max3A_1161 = vector.shape_cast %add3A_1146 : vector<1x4096xf32> to vector<1x1x4096xf32>
    %reduce_max3A_1162 = arith.constant dense<0xFF800000> : vector<1xf32>
    %reduce_max3A_1163 = vector.multi_reduction <maximumf>, %reduce_max3A_1161, %reduce_max3A_1162 [1, 2] : vector<1x1x4096xf32> to vector<1xf32>
    %reduce_max3A_1164 = vector.shape_cast %reduce_max3A_1163 : vector<1xf32> to vector<1x1x1xf32>
    %reduce_max3A_1165 = vector.extract %reduce_max3A_1164[0, 0, 0] : f32 from vector<1x1x1xf32>
    %broadcast_in_dim3A_1166 = vector.broadcast %reduce_max3A_1165 : f32 to vector<1x1xf32>
    %max3A_1167 = arith.maximumf %max3A_1111, %broadcast_in_dim3A_1166 : vector<1x1xf32>
    %sub3A_1168 = arith.subf %max3A_1111, %max3A_1167 : vector<1x1xf32>
    %exp3A_1169 = math.exp %sub3A_1168 : vector<1x1xf32>
    %mul3A_1170 = arith.mulf %add3A_1124, %exp3A_1169 : vector<1x1xf32>
    %sub3A_1171 = vector.broadcast %max3A_1167 : vector<1x1xf32> to vector<1x4096xf32>
    %sub3A_1172 = arith.subf %add3A_1146, %sub3A_1171 : vector<1x4096xf32>
    %exp3A_1173 = math.exp %sub3A_1172 : vector<1x4096xf32>
    %reduce_sum3A_1174 = vector.shape_cast %exp3A_1173 : vector<1x4096xf32> to vector<1x1x4096xf32>
    %reduce_sum3A_1175 = arith.constant dense<0.000000e+00> : vector<1xf32>
    %reduce_sum3A_1176 = vector.multi_reduction <add>, %reduce_sum3A_1174, %reduce_sum3A_1175 [1, 2] : vector<1x1x4096xf32> to vector<1xf32>
    %reduce_sum3A_1177 = vector.shape_cast %reduce_sum3A_1176 : vector<1xf32> to vector<1x1x1xf32>
    %reduce_sum3A_1178 = vector.extract %reduce_sum3A_1177[0, 0, 0] : f32 from vector<1x1x1xf32>
    %broadcast_in_dim3A_1179 = vector.broadcast %reduce_sum3A_1178 : f32 to vector<1x1xf32>
    %add3A_1180 = arith.addf %mul3A_1170, %broadcast_in_dim3A_1179 : vector<1x1xf32>
    %dma_wait3A_1181 = arith.constant 2 : i32
    %dma_wait3A_1182 = arith.constant 2 : i32
    %dma_wait3A_1183 = tpu.memref_slice %arg8[%dma_wait3A_1182] : memref<6x!tpu.dma_semaphore, #tpu.memory_space<semaphore_mem>> -> memref<1x!tpu.dma_semaphore, #tpu.memory_space<semaphore_mem>>
    %dma_wait3A_1184 = tpu.memref_squeeze %dma_wait3A_1183 : memref<1x!tpu.dma_semaphore, #tpu.memory_space<semaphore_mem>> -> memref<!tpu.dma_semaphore, #tpu.memory_space<semaphore_mem>>
    %dma_wait3A_1185 = arith.constant 0 : i32
    %dma_wait3A_1186 = arith.constant 0 : i32
    %dma_wait3A_1187 = tpu.memref_slice %arg6[%dma_wait3A_1181, %dma_wait3A_1185, %dma_wait3A_1186] : memref<6x4096x128xf32, #tpu.memory_space<vmem>> -> memref<1x4096x128xf32, #tpu.memory_space<vmem>>
    %dma_wait3A_1188 = tpu.memref_squeeze %dma_wait3A_1187 : memref<1x4096x128xf32, #tpu.memory_space<vmem>> -> memref<4096x128xf32, #tpu.memory_space<vmem>>
    %dma_wait3A_1189 = arith.constant 81920 : i32
    %dma_wait3A_1190 = arith.constant 0 : i32
    %dma_wait3A_1191 = tpu.memref_slice %arg3[%dma_wait3A_1189, %dma_wait3A_1190] : memref<100000x128xf32, #tpu.memory_space<any>> -> memref<4096x128xf32, #tpu.memory_space<any>>
    tpu.wait_dma2 semaphore(%dma_wait3A_1184 : memref<!tpu.dma_semaphore, #tpu.memory_space<semaphore_mem>>) src(%dma_wait3A_1191 : memref<4096x128xf32, #tpu.memory_space<any>>) dst(%dma_wait3A_1188 : memref<4096x128xf32, #tpu.memory_space<vmem>>)
    %get3A_1192 = arith.constant 2 : index
    %get3A_1193 = arith.constant 0 : index
    %get3A_1194 = arith.constant 0 : index
    %get3A_1195 = vector.load %arg6[%get3A_1192, %get3A_1193, %get3A_1194] : memref<6x4096x128xf32, #tpu.memory_space<vmem>>, vector<1x4096x128xf32>
    %get3A_1196 = vector.shape_cast %get3A_1195 : vector<1x4096x128xf32> to vector<4096x128xf32>
    %dot_general3A_1197 = arith.constant dense<0.000000e+00> : vector<1x4096xf32>
    %dot_general3A_1198 = tpu.matmul %max3A_64, %get3A_1196, %dot_general3A_1197 {dimension_numbers = #tpu.dot_dimension_numbers<[1], [1], [0], [0], [0, 0, 1, 0], [], []>, transpose_lhs_hint = false} : vector<1x128xf32>, vector<4096x128xf32>, vector<1x4096xf32> -> vector<1x4096xf32>
    %get3A_1199 = arith.constant 0 : index
    %get3A_1200 = arith.constant 81920 : index
    %get3A_1201 = vector.load %arg4[%get3A_1199, %get3A_1200] : memref<1x102400xf32, #tpu.memory_space<vmem>>, vector<1x4096xf32>
    %add3A_1202 = arith.addf %dot_general3A_1198, %get3A_1201 : vector<1x4096xf32>
    %swap3A_1203 = arith.constant 0 : index
    %swap3A_1204 = arith.constant 81920 : index
    %swap3A_1205 = vector.load %arg7[%swap3A_1203, %swap3A_1204] : memref<1x102400xf32, #tpu.memory_space<vmem>>, vector<1x4096xf32>
    tpu.vector_store %arg7[%swap3A_1203, %swap3A_1204], %add3A_1202 {strides = array<i32>} : memref<1x102400xf32, #tpu.memory_space<vmem>>, vector<1x4096xf32>,
    %reduce_max3A_1206 = vector.shape_cast %add3A_1202 : vector<1x4096xf32> to vector<1x1x4096xf32>
    %reduce_max3A_1207 = arith.constant dense<0xFF800000> : vector<1xf32>
    %reduce_max3A_1208 = vector.multi_reduction <maximumf>, %reduce_max3A_1206, %reduce_max3A_1207 [1, 2] : vector<1x1x4096xf32> to vector<1xf32>
    %reduce_max3A_1209 = vector.shape_cast %reduce_max3A_1208 : vector<1xf32> to vector<1x1x1xf32>
    %reduce_max3A_1210 = vector.extract %reduce_max3A_1209[0, 0, 0] : f32 from vector<1x1x1xf32>
    %broadcast_in_dim3A_1211 = vector.broadcast %reduce_max3A_1210 : f32 to vector<1x1xf32>
    %max3A_1212 = arith.maximumf %max3A_1167, %broadcast_in_dim3A_1211 : vector<1x1xf32>
    %sub3A_1213 = arith.subf %max3A_1167, %max3A_1212 : vector<1x1xf32>
    %exp3A_1214 = math.exp %sub3A_1213 : vector<1x1xf32>
    %mul3A_1215 = arith.mulf %add3A_1180, %exp3A_1214 : vector<1x1xf32>
    %sub3A_1216 = vector.broadcast %max3A_1212 : vector<1x1xf32> to vector<1x4096xf32>
    %sub3A_1217 = arith.subf %add3A_1202, %sub3A_1216 : vector<1x4096xf32>
    %exp3A_1218 = math.exp %sub3A_1217 : vector<1x4096xf32>
    %reduce_sum3A_1219 = vector.shape_cast %exp3A_1218 : vector<1x4096xf32> to vector<1x1x4096xf32>
    %reduce_sum3A_1220 = arith.constant dense<0.000000e+00> : vector<1xf32>
    %reduce_sum3A_1221 = vector.multi_reduction <add>, %reduce_sum3A_1219, %reduce_sum3A_1220 [1, 2] : vector<1x1x4096xf32> to vector<1xf32>
    %reduce_sum3A_1222 = vector.shape_cast %reduce_sum3A_1221 : vector<1xf32> to vector<1x1x1xf32>
    %reduce_sum3A_1223 = vector.extract %reduce_sum3A_1222[0, 0, 0] : f32 from vector<1x1x1xf32>
    %broadcast_in_dim3A_1224 = vector.broadcast %reduce_sum3A_1223 : f32 to vector<1x1xf32>
    %add3A_1225 = arith.addf %mul3A_1215, %broadcast_in_dim3A_1224 : vector<1x1xf32>
    %dma_wait3A_1226 = arith.constant 3 : i32
    %dma_wait3A_1227 = arith.constant 3 : i32
    %dma_wait3A_1228 = tpu.memref_slice %arg8[%dma_wait3A_1227] : memref<6x!tpu.dma_semaphore, #tpu.memory_space<semaphore_mem>> -> memref<1x!tpu.dma_semaphore, #tpu.memory_space<semaphore_mem>>
    %dma_wait3A_1229 = tpu.memref_squeeze %dma_wait3A_1228 : memref<1x!tpu.dma_semaphore, #tpu.memory_space<semaphore_mem>> -> memref<!tpu.dma_semaphore, #tpu.memory_space<semaphore_mem>>
    %dma_wait3A_1230 = arith.constant 0 : i32
    %dma_wait3A_1231 = arith.constant 0 : i32
    %dma_wait3A_1232 = tpu.memref_slice %arg6[%dma_wait3A_1226, %dma_wait3A_1230, %dma_wait3A_1231] : memref<6x4096x128xf32, #tpu.memory_space<vmem>> -> memref<1x4096x128xf32, #tpu.memory_space<vmem>>
    %dma_wait3A_1233 = tpu.memref_squeeze %dma_wait3A_1232 : memref<1x4096x128xf32, #tpu.memory_space<vmem>> -> memref<4096x128xf32, #tpu.memory_space<vmem>>
    %dma_wait3A_1234 = arith.constant 86016 : i32
    %dma_wait3A_1235 = arith.constant 0 : i32
    %dma_wait3A_1236 = tpu.memref_slice %arg3[%dma_wait3A_1234, %dma_wait3A_1235] : memref<100000x128xf32, #tpu.memory_space<any>> -> memref<4096x128xf32, #tpu.memory_space<any>>
    tpu.wait_dma2 semaphore(%dma_wait3A_1229 : memref<!tpu.dma_semaphore, #tpu.memory_space<semaphore_mem>>) src(%dma_wait3A_1236 : memref<4096x128xf32, #tpu.memory_space<any>>) dst(%dma_wait3A_1233 : memref<4096x128xf32, #tpu.memory_space<vmem>>)
    %get3A_1237 = arith.constant 3 : index
    %get3A_1238 = arith.constant 0 : index
    %get3A_1239 = arith.constant 0 : index
    %get3A_1240 = vector.load %arg6[%get3A_1237, %get3A_1238, %get3A_1239] : memref<6x4096x128xf32, #tpu.memory_space<vmem>>, vector<1x4096x128xf32>
    %get3A_1241 = vector.shape_cast %get3A_1240 : vector<1x4096x128xf32> to vector<4096x128xf32>
    %dot_general3A_1242 = arith.constant dense<0.000000e+00> : vector<1x4096xf32>
    %dot_general3A_1243 = tpu.matmul %max3A_64, %get3A_1241, %dot_general3A_1242 {dimension_numbers = #tpu.dot_dimension_numbers<[1], [1], [0], [0], [0, 0, 1, 0], [], []>, transpose_lhs_hint = false} : vector<1x128xf32>, vector<4096x128xf32>, vector<1x4096xf32> -> vector<1x4096xf32>
    %get3A_1244 = arith.constant 0 : index
    %get3A_1245 = arith.constant 86016 : index
    %get3A_1246 = vector.load %arg4[%get3A_1244, %get3A_1245] : memref<1x102400xf32, #tpu.memory_space<vmem>>, vector<1x4096xf32>
    %add3A_1247 = arith.addf %dot_general3A_1243, %get3A_1246 : vector<1x4096xf32>
    %swap3A_1248 = arith.constant 0 : index
    %swap3A_1249 = arith.constant 86016 : index
    %swap3A_1250 = vector.load %arg7[%swap3A_1248, %swap3A_1249] : memref<1x102400xf32, #tpu.memory_space<vmem>>, vector<1x4096xf32>
    tpu.vector_store %arg7[%swap3A_1248, %swap3A_1249], %add3A_1247 {strides = array<i32>} : memref<1x102400xf32, #tpu.memory_space<vmem>>, vector<1x4096xf32>,
    %reduce_max3A_1251 = vector.shape_cast %add3A_1247 : vector<1x4096xf32> to vector<1x1x4096xf32>
    %reduce_max3A_1252 = arith.constant dense<0xFF800000> : vector<1xf32>
    %reduce_max3A_1253 = vector.multi_reduction <maximumf>, %reduce_max3A_1251, %reduce_max3A_1252 [1, 2] : vector<1x1x4096xf32> to vector<1xf32>
    %reduce_max3A_1254 = vector.shape_cast %reduce_max3A_1253 : vector<1xf32> to vector<1x1x1xf32>
    %reduce_max3A_1255 = vector.extract %reduce_max3A_1254[0, 0, 0] : f32 from vector<1x1x1xf32>
    %broadcast_in_dim3A_1256 = vector.broadcast %reduce_max3A_1255 : f32 to vector<1x1xf32>
    %max3A_1257 = arith.maximumf %max3A_1212, %broadcast_in_dim3A_1256 : vector<1x1xf32>
    %sub3A_1258 = arith.subf %max3A_1212, %max3A_1257 : vector<1x1xf32>
    %exp3A_1259 = math.exp %sub3A_1258 : vector<1x1xf32>
    %mul3A_1260 = arith.mulf %add3A_1225, %exp3A_1259 : vector<1x1xf32>
    %sub3A_1261 = vector.broadcast %max3A_1257 : vector<1x1xf32> to vector<1x4096xf32>
    %sub3A_1262 = arith.subf %add3A_1247, %sub3A_1261 : vector<1x4096xf32>
    %exp3A_1263 = math.exp %sub3A_1262 : vector<1x4096xf32>
    %reduce_sum3A_1264 = vector.shape_cast %exp3A_1263 : vector<1x4096xf32> to vector<1x1x4096xf32>
    %reduce_sum3A_1265 = arith.constant dense<0.000000e+00> : vector<1xf32>
    %reduce_sum3A_1266 = vector.multi_reduction <add>, %reduce_sum3A_1264, %reduce_sum3A_1265 [1, 2] : vector<1x1x4096xf32> to vector<1xf32>
    %reduce_sum3A_1267 = vector.shape_cast %reduce_sum3A_1266 : vector<1xf32> to vector<1x1x1xf32>
    %reduce_sum3A_1268 = vector.extract %reduce_sum3A_1267[0, 0, 0] : f32 from vector<1x1x1xf32>
    %broadcast_in_dim3A_1269 = vector.broadcast %reduce_sum3A_1268 : f32 to vector<1x1xf32>
    %add3A_1270 = arith.addf %mul3A_1260, %broadcast_in_dim3A_1269 : vector<1x1xf32>
    %dma_wait3A_1271 = arith.constant 4 : i32
    %dma_wait3A_1272 = arith.constant 4 : i32
    %dma_wait3A_1273 = tpu.memref_slice %arg8[%dma_wait3A_1272] : memref<6x!tpu.dma_semaphore, #tpu.memory_space<semaphore_mem>> -> memref<1x!tpu.dma_semaphore, #tpu.memory_space<semaphore_mem>>
    %dma_wait3A_1274 = tpu.memref_squeeze %dma_wait3A_1273 : memref<1x!tpu.dma_semaphore, #tpu.memory_space<semaphore_mem>> -> memref<!tpu.dma_semaphore, #tpu.memory_space<semaphore_mem>>
    %dma_wait3A_1275 = arith.constant 0 : i32
    %dma_wait3A_1276 = arith.constant 0 : i32
    %dma_wait3A_1277 = tpu.memref_slice %arg6[%dma_wait3A_1271, %dma_wait3A_1275, %dma_wait3A_1276] : memref<6x4096x128xf32, #tpu.memory_space<vmem>> -> memref<1x4096x128xf32, #tpu.memory_space<vmem>>
    %dma_wait3A_1278 = tpu.memref_squeeze %dma_wait3A_1277 : memref<1x4096x128xf32, #tpu.memory_space<vmem>> -> memref<4096x128xf32, #tpu.memory_space<vmem>>
    %dma_wait3A_1279 = arith.constant 90112 : i32
    %dma_wait3A_1280 = arith.constant 0 : i32
    %dma_wait3A_1281 = tpu.memref_slice %arg3[%dma_wait3A_1279, %dma_wait3A_1280] : memref<100000x128xf32, #tpu.memory_space<any>> -> memref<4096x128xf32, #tpu.memory_space<any>>
    tpu.wait_dma2 semaphore(%dma_wait3A_1274 : memref<!tpu.dma_semaphore, #tpu.memory_space<semaphore_mem>>) src(%dma_wait3A_1281 : memref<4096x128xf32, #tpu.memory_space<any>>) dst(%dma_wait3A_1278 : memref<4096x128xf32, #tpu.memory_space<vmem>>)
    %get3A_1282 = arith.constant 4 : index
    %get3A_1283 = arith.constant 0 : index
    %get3A_1284 = arith.constant 0 : index
    %get3A_1285 = vector.load %arg6[%get3A_1282, %get3A_1283, %get3A_1284] : memref<6x4096x128xf32, #tpu.memory_space<vmem>>, vector<1x4096x128xf32>
    %get3A_1286 = vector.shape_cast %get3A_1285 : vector<1x4096x128xf32> to vector<4096x128xf32>
    %dot_general3A_1287 = arith.constant dense<0.000000e+00> : vector<1x4096xf32>
    %dot_general3A_1288 = tpu.matmul %max3A_64, %get3A_1286, %dot_general3A_1287 {dimension_numbers = #tpu.dot_dimension_numbers<[1], [1], [0], [0], [0, 0, 1, 0], [], []>, transpose_lhs_hint = false} : vector<1x128xf32>, vector<4096x128xf32>, vector<1x4096xf32> -> vector<1x4096xf32>
    %get3A_1289 = arith.constant 0 : index
    %get3A_1290 = arith.constant 90112 : index
    %get3A_1291 = vector.load %arg4[%get3A_1289, %get3A_1290] : memref<1x102400xf32, #tpu.memory_space<vmem>>, vector<1x4096xf32>
    %add3A_1292 = arith.addf %dot_general3A_1288, %get3A_1291 : vector<1x4096xf32>
    %swap3A_1293 = arith.constant 0 : index
    %swap3A_1294 = arith.constant 90112 : index
    %swap3A_1295 = vector.load %arg7[%swap3A_1293, %swap3A_1294] : memref<1x102400xf32, #tpu.memory_space<vmem>>, vector<1x4096xf32>
    tpu.vector_store %arg7[%swap3A_1293, %swap3A_1294], %add3A_1292 {strides = array<i32>} : memref<1x102400xf32, #tpu.memory_space<vmem>>, vector<1x4096xf32>,
    %reduce_max3A_1296 = vector.shape_cast %add3A_1292 : vector<1x4096xf32> to vector<1x1x4096xf32>
    %reduce_max3A_1297 = arith.constant dense<0xFF800000> : vector<1xf32>
    %reduce_max3A_1298 = vector.multi_reduction <maximumf>, %reduce_max3A_1296, %reduce_max3A_1297 [1, 2] : vector<1x1x4096xf32> to vector<1xf32>
    %reduce_max3A_1299 = vector.shape_cast %reduce_max3A_1298 : vector<1xf32> to vector<1x1x1xf32>
    %reduce_max3A_1300 = vector.extract %reduce_max3A_1299[0, 0, 0] : f32 from vector<1x1x1xf32>
    %broadcast_in_dim3A_1301 = vector.broadcast %reduce_max3A_1300 : f32 to vector<1x1xf32>
    %max3A_1302 = arith.maximumf %max3A_1257, %broadcast_in_dim3A_1301 : vector<1x1xf32>
    %sub3A_1303 = arith.subf %max3A_1257, %max3A_1302 : vector<1x1xf32>
    %exp3A_1304 = math.exp %sub3A_1303 : vector<1x1xf32>
    %mul3A_1305 = arith.mulf %add3A_1270, %exp3A_1304 : vector<1x1xf32>
    %sub3A_1306 = vector.broadcast %max3A_1302 : vector<1x1xf32> to vector<1x4096xf32>
    %sub3A_1307 = arith.subf %add3A_1292, %sub3A_1306 : vector<1x4096xf32>
    %exp3A_1308 = math.exp %sub3A_1307 : vector<1x4096xf32>
    %reduce_sum3A_1309 = vector.shape_cast %exp3A_1308 : vector<1x4096xf32> to vector<1x1x4096xf32>
    %reduce_sum3A_1310 = arith.constant dense<0.000000e+00> : vector<1xf32>
    %reduce_sum3A_1311 = vector.multi_reduction <add>, %reduce_sum3A_1309, %reduce_sum3A_1310 [1, 2] : vector<1x1x4096xf32> to vector<1xf32>
    %reduce_sum3A_1312 = vector.shape_cast %reduce_sum3A_1311 : vector<1xf32> to vector<1x1x1xf32>
    %reduce_sum3A_1313 = vector.extract %reduce_sum3A_1312[0, 0, 0] : f32 from vector<1x1x1xf32>
    %broadcast_in_dim3A_1314 = vector.broadcast %reduce_sum3A_1313 : f32 to vector<1x1xf32>
    %add3A_1315 = arith.addf %mul3A_1305, %broadcast_in_dim3A_1314 : vector<1x1xf32>
    %dma_wait3A_1316 = arith.constant 5 : i32
    %dma_wait3A_1317 = arith.constant 5 : i32
    %dma_wait3A_1318 = tpu.memref_slice %arg8[%dma_wait3A_1317] : memref<6x!tpu.dma_semaphore, #tpu.memory_space<semaphore_mem>> -> memref<1x!tpu.dma_semaphore, #tpu.memory_space<semaphore_mem>>
    %dma_wait3A_1319 = tpu.memref_squeeze %dma_wait3A_1318 : memref<1x!tpu.dma_semaphore, #tpu.memory_space<semaphore_mem>> -> memref<!tpu.dma_semaphore, #tpu.memory_space<semaphore_mem>>
    %dma_wait3A_1320 = arith.constant 0 : i32
    %dma_wait3A_1321 = arith.constant 0 : i32
    %dma_wait3A_1322 = tpu.memref_slice %arg6[%dma_wait3A_1316, %dma_wait3A_1320, %dma_wait3A_1321] : memref<6x4096x128xf32, #tpu.memory_space<vmem>> -> memref<1x4096x128xf32, #tpu.memory_space<vmem>>
    %dma_wait3A_1323 = tpu.memref_squeeze %dma_wait3A_1322 : memref<1x4096x128xf32, #tpu.memory_space<vmem>> -> memref<4096x128xf32, #tpu.memory_space<vmem>>
    %dma_wait3A_1324 = arith.constant 94208 : i32
    %dma_wait3A_1325 = arith.constant 0 : i32
    %dma_wait3A_1326 = tpu.memref_slice %arg3[%dma_wait3A_1324, %dma_wait3A_1325] : memref<100000x128xf32, #tpu.memory_space<any>> -> memref<4096x128xf32, #tpu.memory_space<any>>
    tpu.wait_dma2 semaphore(%dma_wait3A_1319 : memref<!tpu.dma_semaphore, #tpu.memory_space<semaphore_mem>>) src(%dma_wait3A_1326 : memref<4096x128xf32, #tpu.memory_space<any>>) dst(%dma_wait3A_1323 : memref<4096x128xf32, #tpu.memory_space<vmem>>)
    %get3A_1327 = arith.constant 5 : index
    %get3A_1328 = arith.constant 0 : index
    %get3A_1329 = arith.constant 0 : index
    %get3A_1330 = vector.load %arg6[%get3A_1327, %get3A_1328, %get3A_1329] : memref<6x4096x128xf32, #tpu.memory_space<vmem>>, vector<1x4096x128xf32>
    %get3A_1331 = vector.shape_cast %get3A_1330 : vector<1x4096x128xf32> to vector<4096x128xf32>
    %dot_general3A_1332 = arith.constant dense<0.000000e+00> : vector<1x4096xf32>
    %dot_general3A_1333 = tpu.matmul %max3A_64, %get3A_1331, %dot_general3A_1332 {dimension_numbers = #tpu.dot_dimension_numbers<[1], [1], [0], [0], [0, 0, 1, 0], [], []>, transpose_lhs_hint = false} : vector<1x128xf32>, vector<4096x128xf32>, vector<1x4096xf32> -> vector<1x4096xf32>
    %get3A_1334 = arith.constant 0 : index
    %get3A_1335 = arith.constant 94208 : index
    %get3A_1336 = vector.load %arg4[%get3A_1334, %get3A_1335] : memref<1x102400xf32, #tpu.memory_space<vmem>>, vector<1x4096xf32>
    %add3A_1337 = arith.addf %dot_general3A_1333, %get3A_1336 : vector<1x4096xf32>
    %swap3A_1338 = arith.constant 0 : index
    %swap3A_1339 = arith.constant 94208 : index
    %swap3A_1340 = vector.load %arg7[%swap3A_1338, %swap3A_1339] : memref<1x102400xf32, #tpu.memory_space<vmem>>, vector<1x4096xf32>
    tpu.vector_store %arg7[%swap3A_1338, %swap3A_1339], %add3A_1337 {strides = array<i32>} : memref<1x102400xf32, #tpu.memory_space<vmem>>, vector<1x4096xf32>,
    %reduce_max3A_1341 = vector.shape_cast %add3A_1337 : vector<1x4096xf32> to vector<1x1x4096xf32>
    %reduce_max3A_1342 = arith.constant dense<0xFF800000> : vector<1xf32>
    %reduce_max3A_1343 = vector.multi_reduction <maximumf>, %reduce_max3A_1341, %reduce_max3A_1342 [1, 2] : vector<1x1x4096xf32> to vector<1xf32>
    %reduce_max3A_1344 = vector.shape_cast %reduce_max3A_1343 : vector<1xf32> to vector<1x1x1xf32>
    %reduce_max3A_1345 = vector.extract %reduce_max3A_1344[0, 0, 0] : f32 from vector<1x1x1xf32>
    %broadcast_in_dim3A_1346 = vector.broadcast %reduce_max3A_1345 : f32 to vector<1x1xf32>
    %max3A_1347 = arith.maximumf %max3A_1302, %broadcast_in_dim3A_1346 : vector<1x1xf32>
    %sub3A_1348 = arith.subf %max3A_1302, %max3A_1347 : vector<1x1xf32>
    %exp3A_1349 = math.exp %sub3A_1348 : vector<1x1xf32>
    %mul3A_1350 = arith.mulf %add3A_1315, %exp3A_1349 : vector<1x1xf32>
    %sub3A_1351 = vector.broadcast %max3A_1347 : vector<1x1xf32> to vector<1x4096xf32>
    %sub3A_1352 = arith.subf %add3A_1337, %sub3A_1351 : vector<1x4096xf32>
    %exp3A_1353 = math.exp %sub3A_1352 : vector<1x4096xf32>
    %reduce_sum3A_1354 = vector.shape_cast %exp3A_1353 : vector<1x4096xf32> to vector<1x1x4096xf32>
    %reduce_sum3A_1355 = arith.constant dense<0.000000e+00> : vector<1xf32>
    %reduce_sum3A_1356 = vector.multi_reduction <add>, %reduce_sum3A_1354, %reduce_sum3A_1355 [1, 2] : vector<1x1x4096xf32> to vector<1xf32>
    %reduce_sum3A_1357 = vector.shape_cast %reduce_sum3A_1356 : vector<1xf32> to vector<1x1x1xf32>
    %reduce_sum3A_1358 = vector.extract %reduce_sum3A_1357[0, 0, 0] : f32 from vector<1x1x1xf32>
    %broadcast_in_dim3A_1359 = vector.broadcast %reduce_sum3A_1358 : f32 to vector<1x1xf32>
    %add3A_1360 = arith.addf %mul3A_1350, %broadcast_in_dim3A_1359 : vector<1x1xf32>
    %dma_wait3A_1361 = arith.constant 0 : i32
    %dma_wait3A_1362 = arith.constant 0 : i32
    %dma_wait3A_1363 = tpu.memref_slice %arg8[%dma_wait3A_1362] : memref<6x!tpu.dma_semaphore, #tpu.memory_space<semaphore_mem>> -> memref<1x!tpu.dma_semaphore, #tpu.memory_space<semaphore_mem>>
    %dma_wait3A_1364 = tpu.memref_squeeze %dma_wait3A_1363 : memref<1x!tpu.dma_semaphore, #tpu.memory_space<semaphore_mem>> -> memref<!tpu.dma_semaphore, #tpu.memory_space<semaphore_mem>>
    %dma_wait3A_1365 = arith.constant 0 : i32
    %dma_wait3A_1366 = arith.constant 0 : i32
    %dma_wait3A_1367 = tpu.memref_slice %arg6[%dma_wait3A_1361, %dma_wait3A_1365, %dma_wait3A_1366] : memref<6x4096x128xf32, #tpu.memory_space<vmem>> -> memref<1x1696x128xf32, #tpu.memory_space<vmem>>
    %dma_wait3A_1368 = tpu.memref_squeeze %dma_wait3A_1367 : memref<1x1696x128xf32, #tpu.memory_space<vmem>> -> memref<1696x128xf32, #tpu.memory_space<vmem>>
    %dma_wait3A_1369 = arith.constant 98304 : i32
    %dma_wait3A_1370 = arith.constant 0 : i32
    %dma_wait3A_1371 = tpu.memref_slice %arg3[%dma_wait3A_1369, %dma_wait3A_1370] : memref<100000x128xf32, #tpu.memory_space<any>> -> memref<1696x128xf32, #tpu.memory_space<any>>
    tpu.wait_dma2 semaphore(%dma_wait3A_1364 : memref<!tpu.dma_semaphore, #tpu.memory_space<semaphore_mem>>) src(%dma_wait3A_1371 : memref<1696x128xf32, #tpu.memory_space<any>>) dst(%dma_wait3A_1368 : memref<1696x128xf32, #tpu.memory_space<vmem>>)
    %get3A_1372 = arith.constant 0 : index
    %get3A_1373 = arith.constant 0 : index
    %get3A_1374 = arith.constant 0 : index
    %get3A_1375 = vector.load %arg6[%get3A_1372, %get3A_1373, %get3A_1374] : memref<6x4096x128xf32, #tpu.memory_space<vmem>>, vector<1x4096x128xf32>
    %get3A_1376 = vector.shape_cast %get3A_1375 : vector<1x4096x128xf32> to vector<4096x128xf32>
    %dot_general3A_1377 = arith.constant dense<0.000000e+00> : vector<1x4096xf32>
    %dot_general3A_1378 = tpu.matmul %max3A_64, %get3A_1376, %dot_general3A_1377 {dimension_numbers = #tpu.dot_dimension_numbers<[1], [1], [0], [0], [0, 0, 1, 0], [], []>, transpose_lhs_hint = false} : vector<1x128xf32>, vector<4096x128xf32>, vector<1x4096xf32> -> vector<1x4096xf32>
    %get3A_1379 = arith.constant 0 : index
    %get3A_1380 = arith.constant 98304 : index
    %get3A_1381 = vector.load %arg4[%get3A_1379, %get3A_1380] : memref<1x102400xf32, #tpu.memory_space<vmem>>, vector<1x4096xf32>
    %add3A_1382 = arith.addf %dot_general3A_1378, %get3A_1381 : vector<1x4096xf32>
    %swap3A_1383 = arith.constant 0 : index
    %swap3A_1384 = arith.constant 98304 : index
    %swap3A_1385 = vector.load %arg7[%swap3A_1383, %swap3A_1384] : memref<1x102400xf32, #tpu.memory_space<vmem>>, vector<1x4096xf32>
    tpu.vector_store %arg7[%swap3A_1383, %swap3A_1384], %add3A_1382 {strides = array<i32>} : memref<1x102400xf32, #tpu.memory_space<vmem>>, vector<1x4096xf32>,
    %iota3A = tpu.iota {dimensions = array<i32: 1>} : vector<1x4096xi32>
    %lt3A = arith.constant 1696 : i32
    %lt3A_1386 = vector.broadcast %lt3A : i32 to vector<1x4096xi32>
    %lt3A_1387 = arith.cmpi slt, %iota3A, %lt3A_1386 : vector<1x4096xi32>
    %jit3A = arith.constant 0xFF800000 : f32
    %broadcast_in_dim3A_1388 = vector.broadcast %jit3A : f32 to vector<1x4096xf32>
    %select_n3A = arith.select %lt3A_1387, %add3A_1382, %broadcast_in_dim3A_1388 : vector<1x4096xi1>, vector<1x4096xf32>
    %reduce_max3A_1389 = vector.shape_cast %select_n3A : vector<1x4096xf32> to vector<1x1x4096xf32>
    %reduce_max3A_1390 = arith.constant dense<0xFF800000> : vector<1xf32>
    %reduce_max3A_1391 = vector.multi_reduction <maximumf>, %reduce_max3A_1389, %reduce_max3A_1390 [1, 2] : vector<1x1x4096xf32> to vector<1xf32>
    %reduce_max3A_1392 = vector.shape_cast %reduce_max3A_1391 : vector<1xf32> to vector<1x1x1xf32>
    %reduce_max3A_1393 = vector.extract %reduce_max3A_1392[0, 0, 0] : f32 from vector<1x1x1xf32>
    %broadcast_in_dim3A_1394 = vector.broadcast %reduce_max3A_1393 : f32 to vector<1x1xf32>
    %max3A_1395 = arith.maximumf %max3A_1347, %broadcast_in_dim3A_1394 : vector<1x1xf32>
    %sub3A_1396 = arith.subf %max3A_1347, %max3A_1395 : vector<1x1xf32>
    %exp3A_1397 = math.exp %sub3A_1396 : vector<1x1xf32>
    %mul3A_1398 = arith.mulf %add3A_1360, %exp3A_1397 : vector<1x1xf32>
    %sub3A_1399 = vector.broadcast %max3A_1395 : vector<1x1xf32> to vector<1x4096xf32>
    %sub3A_1400 = arith.subf %select_n3A, %sub3A_1399 : vector<1x4096xf32>
    %exp3A_1401 = math.exp %sub3A_1400 : vector<1x4096xf32>
    %reduce_sum3A_1402 = vector.shape_cast %exp3A_1401 : vector<1x4096xf32> to vector<1x1x4096xf32>
    %reduce_sum3A_1403 = arith.constant dense<0.000000e+00> : vector<1xf32>
    %reduce_sum3A_1404 = vector.multi_reduction <add>, %reduce_sum3A_1402, %reduce_sum3A_1403 [1, 2] : vector<1x1x4096xf32> to vector<1xf32>
    %reduce_sum3A_1405 = vector.shape_cast %reduce_sum3A_1404 : vector<1xf32> to vector<1x1x1xf32>
    %reduce_sum3A_1406 = vector.extract %reduce_sum3A_1405[0, 0, 0] : f32 from vector<1x1x1xf32>
    %broadcast_in_dim3A_1407 = vector.broadcast %reduce_sum3A_1406 : f32 to vector<1x1xf32>
    %add3A_1408 = arith.addf %mul3A_1398, %broadcast_in_dim3A_1407 : vector<1x1xf32>
    %log3A = math.log %add3A_1408 : vector<1x1xf32>
    %add3A_1409 = arith.addf %max3A_1395, %log3A : vector<1x1xf32>
    %get3A_1410 = arith.constant 0 : index
    %get3A_1411 = arith.constant 0 : index
    %get3A_1412 = vector.load %arg7[%get3A_1410, %get3A_1411] : memref<1x102400xf32, #tpu.memory_space<vmem>>, vector<1x100000xf32>
    %sub3A_1413 = vector.broadcast %add3A_1409 : vector<1x1xf32> to vector<1x100000xf32>
    %sub3A_1414 = arith.subf %get3A_1412, %sub3A_1413 : vector<1x100000xf32>
    %swap3A_1415 = arith.constant 0 : index
    %swap3A_1416 = arith.constant 0 : index
    %swap3A_1417 = vector.load %arg5[%swap3A_1415, %swap3A_1416] : memref<1x100000xf32, #tpu.memory_space<vmem>>, vector<1x100000xf32>
    tpu.vector_store %arg5[%swap3A_1415, %swap3A_1416], %sub3A_1414 {strides = array<i32>} : memref<1x100000xf32, #tpu.memory_space<vmem>>, vector<1x100000xf32>,
    return
  }
}

</mosaic_0001>

<sc_bundles>
// kernel: kernel.4.cloned.1.call-start
scs
__scs_entry_jumppad:
0x0: {  	(pc) =	sbr.rel $0x88, $3  }
0x1: {  	(tag) =	ssettag $0x0;
	lr =	simm.s32 $0x1  }
0x2: {  	[smem:$0x3F9B] =	sst lr;
	_ =	strace $0xD0000000  }
0x3: {  	_ = 	snop  }
0x4: {  	_ = 	snop  }
0x5: {  	_ = 	snop  }
0x6: {  	_ = 	snop  }
0x7: {  	_ = 	snop  }
__scs_overlays_trampoline_lowered:
0x8: {  	[smem:$0x3FAA] =	sst s0  }
0x9: {  	[smem:$0x3FAB] =	sst s1  }
0xa: {  	[smem:$0x3FAC] =	sst s2  }
0xb: {  	[smem:$0x3FAD] =	sst s3  }
0xc: {  	[smem:$0x3FAE] =	sst s4  }
0xd: {  	[smem:$0x3FAF] =	sst s5  }
0xe: {  	[smem:$0x3FB0] =	sst s6  }
0xf: {  	[smem:$0x3FB1] =	sst s7  }
0x10: {  	[smem:$0x3FB2] =	sst s8  }
0x11: {  	[smem:$0x3FB3] =	sst s9;
	s0 =	simm.s32 @!p0 $0x0  }
0x12: {  	s1 =	sld [smem:$0x3F99];
	s0 =	simm.s32 @p0 $0x1  }
0x13: {  	[smem:$0x3FB4] =	sst s0;
	s0 =	simm.s32 @!p1 $0x0  }
0x14: {  	s2 =	sld [smem:$0x3F98];
	s0 =	simm.s32 @p1 $0x1  }
0x15: {  	[smem:$0x3FB5] =	sst s0;
	s0 =	simm.s32 @!p2 $0x0  }
0x16: {  	s3 =	sld [smem:$0x3FDB];
	s0 =	simm.s32 @p2 $0x1  }
0x17: {  	s4 =	simm.s32 $0x1BF5;
	[smem:$0x3FB7] =	sst s0  }
0x18: {  	s0 =	sld [smem:$0x3F9A];
	_ =	swait.ge [sflag:s4], $0x0  }
0x19: {  	s7 =	sld [smem:$0x3F9B]  }
0x1a: {  	s8 =	sadd.s32 $0xFFFFE003, lr  }
0x1b: {  	s9 =	sadd.s32 $0xFFFFFEF7, lr;
	s5 =	simm.s32 $0xFFFFFFFF;
	p2 =	slt.u32 s8, $0xFFFFF086  }
0x1c: {  	p1 =	slt.u32 s9, $0xF7A;
	s5 =	simm.s32 @!p2 $0x0  }
0x1d: {  	s5 =	simm.s32 @p1 $0x1;
	p0 =	seq.s32 s7, s2  }
0x1e: {  	s7 =	smul.u32 @!p0 $0xF7A, s2;
	p2 =	seq.s32 @!p0 s5, $0x0  }
0x1f: {  	s9 =	smul.u32 $0xF7A, s1;
	s8 =	simm.s32 @!p0 $0x1BF5;
	p2 =	por !p2, p0  }
0x20: {  	[sflag:s8] =	ssyncset.s32 @!p0 $0xFFFFF086;
	s6 =	sadd.s32 @!p0 s3, s7;
	s7 =	simm.s32 @!p0 $0x108  }
0x21: {  	s3 =	sadd.s32 s3, s9;
	s6 =	sadd.s32 @!p0 $0x88, s6;
	s7 =	simm.s32 @p2 $0x1082  }
0x22: {  	[simem:s7], [sflag:s8] =	dma.local @!p0 [hbm:s6], $0xF7A  }
0x23: {  	s9 =	sor.u32 $0xD0000000, s2;
	s6 =	simm.s32 $0x108;
	_ =	swait.ge @!p0 [sflag:s8], $0x0  }
0x24: {  	s3 =	sadd.s32 $0x88, s3;
	s6 =	simm.s32 @!p1 $0x1082;
	[sflag:s4] =	ssyncset.s32 $0xFFFFF086  }
0x25: {  	[simem:s6], [sflag:s4] =	dma.local [hbm:s3], $0xF7A  }
0x26: {  	[smem:$0x3F9B] =	sst s1;
	(tag) =	ssettag s2;
	_ =	strace s9  }
0x27: {  	s1 =	sld [smem:$0x3FAB]  }
0x28: {  	s2 =	sld [smem:$0x3FAC]  }
0x29: {  	s4 =	sld [smem:$0x3FAE]  }
0x2a: {  	p0 =	seq.s32 s5, $0x0;
	s5 =	sld [smem:$0x3FAF]  }
0x2b: {  	s6 =	sld [smem:$0x3FB0]  }
0x2c: {  	s7 =	sld [smem:$0x3FB1]  }
0x2d: {  	s3 =	simm.s32 $0x108;
	s8 =	sld [smem:$0x3FB2]  }
0x2e: {  	s3 =	simm.s32 @!p0 $0x1082;
	s9 =	sld [smem:$0x3FB3]  }
0x2f: {  	lr =	sadd.s32 s0, s3;
	s0 =	sld [smem:$0x3FAA]  }
0x30: {  	s3 =	sld [smem:$0x3FAD]  }
0x31: {  	[smem:$0x3FB6] =	sst s10  }
0x32: {  	s10 =	sld [smem:$0x3FB4];
	_ =	sdelay $0x3  }
0x33: {  	p0 =	seq.s32 s10, $0x1;
	s10 =	sld [smem:$0x3FB6];
	_ =	sdelay $0x3  }
0x34: {  	[smem:$0x3FB6] =	sst s10  }
0x35: {  	s10 =	sld [smem:$0x3FB5];
	_ =	sdelay $0x3  }
0x36: {  	p1 =	seq.s32 s10, $0x1;
	s10 =	sld [smem:$0x3FB6];
	_ =	sdelay $0x3  }
0x37: {  	[smem:$0x3FB6] =	sst s10  }
0x38: {  	s10 =	sld [smem:$0x3FB7]  }
0x39: {  	_ = 	snop;
	(pc) =	sbr.ind lr, $3  }
0x3a: {  	_ = 	snop  }
0x3b: {  	_ = 	snop  }
0x3c: {  	p2 =	seq.s32 s10, $0x1;
	s10 =	sld [smem:$0x3FB6]  }
0x3d: {  	_ =	shalt  }
0x3e: {  	_ =	shalt  }
0x3f: {  	_ =	shalt  }
0x40: {  	_ =	shalt  }
0x41: {  	_ =	shalt  }
0x42: {  	_ =	shalt  }
0x43: {  	_ =	shalt  }
0x44: {  	_ =	shalt  }
0x45: {  	_ =	shalt  }
0x46: {  	_ =	shalt  }
0x47: {  	_ =	shalt  }
0x48: {  	_ =	shalt  }
0x49: {  	_ =	shalt  }
0x4a: {  	_ =	shalt  }
0x4b: {  	_ =	shalt  }
0x4c: {  	_ =	shalt  }
0x4d: {  	_ =	shalt  }
0x4e: {  	_ =	shalt  }
0x4f: {  	_ =	shalt  }
0x50: {  	_ =	shalt  }
0x51: {  	_ =	shalt  }
0x52: {  	_ =	shalt  }
0x53: {  	_ =	shalt  }
0x54: {  	_ =	shalt  }
0x55: {  	_ =	shalt  }
0x56: {  	_ =	shalt  }
0x57: {  	_ =	shalt  }
0x58: {  	_ =	shalt  }
0x59: {  	_ =	shalt  }
0x5a: {  	_ =	shalt  }
0x5b: {  	_ =	shalt  }
0x5c: {  	_ =	shalt  }
0x5d: {  	_ =	shalt  }
0x5e: {  	_ =	shalt  }
0x5f: {  	_ =	shalt  }
0x60: {  	_ =	shalt  }
0x61: {  	_ =	shalt  }
0x62: {  	_ =	shalt  }
0x63: {  	_ =	shalt  }
0x64: {  	_ =	shalt  }
0x65: {  	_ =	shalt  }
0x66: {  	_ =	shalt  }
0x67: {  	_ =	shalt  }
0x68: {  	_ =	shalt  }
0x69: {  	_ =	shalt  }
0x6a: {  	_ =	shalt  }
0x6b: {  	_ =	shalt  }
0x6c: {  	_ =	shalt  }
0x6d: {  	_ =	shalt  }
0x6e: {  	_ =	shalt  }
0x6f: {  	_ =	shalt  }
0x70: {  	_ =	shalt  }
0x71: {  	_ =	shalt  }
0x72: {  	_ =	shalt  }
0x73: {  	_ =	shalt  }
0x74: {  	_ =	shalt  }
0x75: {  	_ =	shalt  }
0x76: {  	_ =	shalt  }
0x77: {  	_ =	shalt  }
0x78: {  	_ =	shalt  }
0x79: {  	_ =	shalt  }
0x7a: {  	_ =	shalt  }
0x7b: {  	_ =	shalt  }
0x7c: {  	_ =	shalt  }
0x7d: {  	_ =	shalt  }
0x7e: {  	_ =	shalt  }
0x7f: {  	_ =	shalt  }
0x80: {  	_ =	shalt  }
0x81: {  	_ =	shalt  }
0x82: {  	_ =	shalt  }
0x83: {  	_ =	shalt  }
0x84: {  	_ =	shalt  }
0x85: {  	_ =	shalt  }
0x86: {  	_ =	shalt  }
0x87: {  	_ =	shalt  }
.Lfunc_end0:
.L_simem_size_0:
called_computation_lowered:
.L_overlay_start_0:
0x88: {  	s2 =	sld [smem:$0x3FD9]  }
0x89: {  	s3 =	sld [smem:$0x3FFE];
	_ =	sdelay $0x1  }
0x8a: {  	s1 =	srdreg.scid  }
0x8b: {  	s0 =	sand.u32 $0x1, s1  }
0x8c: {  	s18 =	sshll.u32 s0, $0xA;
	s2 =	sadd.s32 s3, s2  }
0x8d: {  	s2 =	sadd.s32 s2, s18  }
0x8e: {  	[smem:$0x3FC2] =	sst s2  }
0x8f: {  	_ = 	snop  }
0x90: {  	s2 =	sld [smem:$0x3FC9]  }
0x91: {  	s19 =	sld [smem:$0x3FC8]  }
0x92: {  	s4 =	sld [smem:$0x3FD0];
	(tm) =	ssettm $0x1  }
0x93: {  	s5 =	sld [smem:$0x3FFB];
	_ =	sdelay $0x3  }
0x94: {  	_ =	strace s5  }
0x95: {  	s5 =	sld [smem:$0x3FFC];
	_ =	sdelay $0x3  }
0x96: {  	_ =	strace s5  }
0x97: {  	s5 =	sld [smem:$0x3FFD];
	_ =	sdelay $0x3  }
0x98: {  	_ =	strace s5  }
0x99: {  	_ =	strace $0x8FFFFFFF  }
0x9a: {  	s20 =	sld [smem:$0x3FDB];
	_ =	sdelay $0x1  }
0x9b: {  	s6 =	simm.s32 $_scs_section_size  }
0x9c: {  	s7 =	simm.s32 $_size__tile_overlayer_lowered;
	s8 =	simm.s32 $_tile_overlayer_lowered  }
0x9d: {  	s23 =	simm.s32 $0x1BFF;
	s22 =	sshll.u32 s8, $0x1;
	s5 =	sadd.s32 s6, s20  }
0x9e: {  	s9 =	simm.s32 $0x0;
	s21 =	sshll.u32 s7, $0x1;
	s7 =	sadd.s32 s22, s5  }
0x9f: {  	[timem:s9], [sflag:s23] =	dma.local [hbm:s7], s21  }
0xa0: {  	_ =	swait.ge [sflag:s23], s21  }
0xa1: {  	s6 =	ssub.s32 $0x0, s21;
	[sflag:s23] =	ssyncset.done $0x0  }
0xa2: {  	[sflag:s23] =	ssyncadd.s32 s6;
	_ =	sdelay $0x1  }
0xa3: {  	s24 =	simm.s32 $0x1B8B  }
0xa4: {  	_ =	swait.ge [sflag:s24], $0x1  }
0xa5: {  	[sflag:s24] =	ssyncset.done $0x0  }
0xa6: {  	s25 =	simm.s32 $0x1B8E;
	[sflag:s24] =	ssyncadd.s32 $0xFFFFFFFF  }
0xa7: {  	s26 =	simm.s32 $execute0_lowered;
	[smem:$0x3FD2] =	sst s25  }
0xa8: {  	s6 =	sshll.u32 s26, $0x1;
	_ =	strace $0x80000046;
	[dreg:$0x1] =	wrdreg $0xFFFFFFFF  }
0xa9: {  	s28 =	simm.s32 $_size_execute0_lowered;
	s5 =	sadd.s32 s5, s6;
	[dreg:$0x0] =	wrdreg $0x0  }
0xaa: {  	s6 =	sshll.u32 s28, $0x1;
	[dreg:$0x2] =	wrdreg s5  }
0xab: {  	[dreg:$0x3] =	wrdreg s6  }
0xac: {  	[dreg:$0x4] =	wrdreg $0xC0  }
0xad: {  	_ =	task [dreg:s9], $0x5FFFF  }
0xae: {  	[dreg:$0x1] =	wrdreg $0xFFFFFFFF  }
0xaf: {  	[dreg:$0x0] =	wrdreg $0x60  }
0xb0: {  	[dreg:$0x2] =	wrdreg s19  }
0xb1: {  	[dreg:$0x3] =	wrdreg s2  }
0xb2: {  	[dreg:$0x4] =	wrdreg s4  }
0xb3: {  	[dreg:$0x5] =	wrdreg $0x9  }
0xb4: {  	_ =	task.clear_ibuf [dreg:s9], $0x6FFFF;
	_ =	strace $0x90000046  }
0xb5: {  	s29 =	simm.s32 $0x9;
	_ =	strace $0x80000048  }
0xb6: {  	_ =	swait.ge [sflag:s29], $0x1  }
0xb7: {  	[sflag:s29] =	ssyncadd.s32 $0xFFFFFFFF  }
0xb8: {  	_ =	strace $0x90000048  }
0xb9: {  	_ =	sfence  }
0xba: {  	s30 =	sld [smem:$0x0];
	_ =	sdelay $0x2  }
0xbb: {  	s31 =	sshll.u32 s1, $0xD;
	s1 =	sshrl.u32 s1, $0x2  }
0xbc: {  	s3 =	sand.u32 $0x4000, s31;
	s1 =	sadd.s32 s1, s30  }
0xbd: {  	s0 =	sor.u32 s3, s0;
	s1 =	sshll.u32 s1, $0x11  }
0xbe: {  	s0 =	sor.u32 s1, s0  }
0xbf: {  	s0 =	sadd.s32 $0x8F2B, s0  }
0xc0: {  	[sflag:s0] =	ssyncadd.remote.s32 $0x1  }
0xc1: {  	_ =	sfence.sel $0xFFFF  }
0xc2: {  	[dreg:$0x0] =	wrdreg $0xFFFFFFFF;
	(pc) =	sbr.abs _section_cstart, $3  }
0xc3: {  	[dreg:$0x1] =	wrdreg $0xFFFFFFFF  }
0xc4: {  	_ =	task.clear_ibuf [dreg:s9], $0x2FFFF;
	_ =	strace $0x9FFFFFFF  }
0xc5: {  	(tm) =	ssettm $0x7FFFFFFF  }
tec
execute0_lowered:
.L_overlay_start_1:
0x0: {  	(tag) =	ssettag $0x1  }
0x1: {  	s2 =	srdreg.scid;
	s0 =	stileid.u32  }
0x2: {  	s4 =	sand.u32 $0x1, s2;
	s7 =	sshll.u32 s0, $0x1  }
0x3: {  	s7 =	sor.u32 s4, s7  }
0x4: {  	p0 =	sgt.u32 s7, $0x18  }
.Ltmp0:
0x5: {  	s1 =	rddreg [dreg:$0x0];
	(pc) =	sbr.rel @p0 .LBB2_3-.Ltmp0, $4  }
0x6: {  	s5 =	rddreg [dreg:$0x1]  }
0x7: {  	s6 =	rddreg [dreg:$0x2];
	s3 =	simm.s32 $0x0  }
0x8: {  	[smem:$0x7FF] =	sst s3  }
0x9: {  	s2 =	rddreg [dreg:$0x3];
	_ =	strace $0x80000047  }
0xa: {  	v0 =	vlaneseq.u32  }
0xb: {  	v0 =	vmul.u32 $0x80, v0;
	_ =	sdelay $0x1  }
0xc: {  	s5 =	sadd.s32 s5, s7;
	v1 =	vor.u32 $0x800, v0  }
0xd: {  	s23 =	simm.s32 $0x2080;
	[dreg:$0x5] =	wrdreg s5;
	v2 =	vor.u32 $0x1000, v0;
	v3 =	vor.u32 $0x1800, v0;
	v4 =	vor.u32 $0x2000, v0  }
0xe: {  	s8 =	sshll.u32 s7, $0x6;
	s24 =	simm.s32 $0x4080;
	[dreg:$0x6] =	wrdreg s23;
	v5 =	vor.u32 $0x2800, v0;
	v6 =	vor.u32 $0x3000, v0;
	v7 =	vor.u32 $0x3800, v0  }
0xf: {  	s4 =	ssub.s32 $0x2, s4;
	s26 =	simm.s32 $0x6080;
	[dreg:$0x7] =	wrdreg s24;
	v8 =	vor.u32 $0x4000, v0;
	v9 =	vor.u32 $0x4800, v0;
	v10 =	vor.u32 $0x5000, v0  }
0x10: {  	s28 =	simm.s32 $0x8080;
	s29 =	simm.s32 $0xA080;
	[dreg:$0x8] =	wrdreg s26;
	v11 =	vor.u32 $0x5800, v0;
	v12 =	vor.u32 $0x6000, v0;
	v13 =	vor.u32 $0x6800, v0  }
0x11: {  	s30 =	simm.s32 $0xC080;
	s31 =	simm.s32 $0xE080;
	[dreg:$0x9] =	wrdreg s28;
	v14 =	vor.u32 $0x7000, v0;
	v15 =	vor.u32 $0x7800, v0;
	v16 =	vor.u32 $0x8000, v0  }
0x12: {  	s7 =	simm.s32 $0x400;
	s10 =	simm.s32 $0x10080;
	[dreg:$0xa] =	wrdreg s29;
	v17 =	vor.u32 $0x8800, v0;
	v18 =	vor.u32 $0x9000, v0;
	v19 =	vor.u32 $0x9800, v0  }
0x13: {  	s9 =	simm.s32 $0x80;
	s6 =	sadd.s32 s6, s8;
	[dreg:$0xb] =	wrdreg s30;
	v20 =	vor.u32 $0xA000, v0;
	v21 =	vor.u32 $0xA800, v0;
	v22 =	vor.u32 $0xB000, v0  }
0x14: {  	s25 =	sshrl.u32 s4, $0x1;
	s5 =	simm.s32 $0x2;
	[dreg:$0xc] =	wrdreg s31;
	v23 =	vor.u32 $0xB800, v0;
	v24 =	vor.u32 $0xC000, v0;
	v25 =	vor.u32 $0xC800, v0  }
0x15: {  	s8 =	simm.s32 $0xC3800;
	[dreg:$0xd] =	wrdreg s10;
	s4 =	ssub.s32 s4, s25;
	v26 =	vor.u32 $0xD000, v0;
	v27 =	vor.u32 $0xD800, v0;
	v28 =	vor.u32 $0xE000, v0  }
0x16: {  	[dreg:$0x4] =	wrdreg s6;
	s6 =	simm.s32 $0x1;
	s4 =	smax.u32 s4, $0x1;
	v29 =	vor.u32 $0xE800, v0;
	v30 =	vor.u32 $0xF000, v0;
	v31 =	vor.u32 $0xF800, v0  }
.LBB2_2:
0x17: {  	s10 =	rddreg [dreg:$0x5]  }
0x18: {  	[tilespmem:s3], [sflag:$0x2] =	stream.linear.gather [hbm4b:s10+s3], $0x8, $0x38;
	[tilespmem:$0x10280] =	vst v63  }
0x19: {  	_ =	swait.ge [sflag:s5], $0x8  }
0x1a: {  	[sflag:s5] =	ssyncset.done $0x0  }
0x1b: {  	[sflag:s5] =	ssyncadd.s32 $0xFFFFFFF8  }
0x1c: {  	v32 =	vld [tilespmem:$0x0];
	_ =	sdelay $0x4  }
0x1d: {  	(v2sf) =	vpush v32, $0x0;
	_ =	sdelay $0xd  }
0x1e: {  	(v2sf) =	vpush v32, $0x1  }
0x1f: {  	s10 =	spop (v2sf)  }
0x20: {  	s11 =	sshra.s32 s10, $0x1F  }
0x21: {  	s11 =	sshrl.u32 s11, $0x19  }
0x22: {  	s11 =	sadd.s32 s11, s10  }
0x23: {  	s12 =	sand.u32 $0xFFFFFF80, s11  }
0x24: {  	p0 =	slt.s32 s10, $0x1;
	p1 =	sne.s32 s10, s12  }
0x25: {  	p0 =	por !p0, !p1  }
0x26: {  	s12 =	simm.s32 $0x1;
	p0 =	por !p0, !p0  }
0x27: {  	s11 =	sshrl.u32 s11, $0x7;
	s12 =	simm.s32 @!p0 $0x0  }
0x28: {  	s11 =	ssub.s32 s11, s12  }
0x29: {  	s11 =	sshll.u32 s11, $0x7  }
0x2a: {  	s11 =	sand.u32 $0x1FFFFF80, s11  }
0x2b: {  	s11 =	sadd.s32 s1, s11  }
0x2c: {  	(v2sf) =	vpush v32, $0x2;
	[tilespmem:s9], [sflag:$0x1] =	stream.strided.gather [hbm4b:s11+s7], $0x2000, s8, s7, $0x38;
	[tilespmem:$0x10280] =	vst v63  }
0x2d: {  	s11 =	spop (v2sf)  }
0x2e: {  	s16 =	sshra.s32 s11, $0x1F  }
0x2f: {  	s12 =	sshrl.u32 s16, $0x19  }
0x30: {  	s12 =	sadd.s32 s12, s11  }
0x31: {  	s13 =	sand.u32 $0xFFFFFF80, s12  }
0x32: {  	p5 =	slt.s32 s11, $0x1;
	p6 =	sne.s32 s11, s13  }
0x33: {  	p0 =	por !p5, !p6  }
0x34: {  	s13 =	simm.s32 $0x1;
	p0 =	por !p0, !p0  }
0x35: {  	s12 =	sshrl.u32 s12, $0x7;
	s13 =	simm.s32 @!p0 $0x0  }
0x36: {  	s12 =	ssub.s32 s12, s13  }
0x37: {  	s12 =	sshll.u32 s12, $0x7  }
0x38: {  	s12 =	sand.u32 $0x1FFFFF80, s12  }
0x39: {  	s17 =	rddreg [dreg:$0x6];
	s12 =	sadd.s32 s1, s12  }
0x3a: {  	(v2sf) =	vpush v32, $0x3;
	[tilespmem:s17], [sflag:$0x1] =	stream.strided.gather [hbm4b:s12+s7], $0x2000, s8, s7, $0x38;
	[tilespmem:$0x10280] =	vst v63  }
0x3b: {  	s12 =	spop (v2sf)  }
0x3c: {  	s18 =	sshra.s32 s12, $0x1F  }
0x3d: {  	s13 =	sshrl.u32 s18, $0x19  }
0x3e: {  	s13 =	sadd.s32 s13, s12  }
0x3f: {  	s14 =	sand.u32 $0xFFFFFF80, s13  }
0x40: {  	p1 =	slt.s32 s12, $0x1;
	p2 =	sne.s32 s12, s14  }
0x41: {  	p0 =	por !p1, !p2  }
0x42: {  	s14 =	simm.s32 $0x1;
	p0 =	por !p0, !p0  }
0x43: {  	s13 =	sshrl.u32 s13, $0x7;
	s14 =	simm.s32 @!p0 $0x0  }
0x44: {  	s13 =	ssub.s32 s13, s14  }
0x45: {  	s13 =	sshll.u32 s13, $0x7  }
0x46: {  	s13 =	sand.u32 $0x1FFFFF80, s13  }
0x47: {  	s19 =	rddreg [dreg:$0x7];
	s13 =	sadd.s32 s1, s13  }
0x48: {  	(v2sf) =	vpush v32, $0x4;
	[tilespmem:s19], [sflag:$0x1] =	stream.strided.gather [hbm4b:s13+s7], $0x2000, s8, s7, $0x38;
	[tilespmem:$0x10280] =	vst v63  }
0x49: {  	s13 =	spop (v2sf)  }
0x4a: {  	s20 =	sshra.s32 s13, $0x1F  }
0x4b: {  	s14 =	sshrl.u32 s20, $0x19  }
0x4c: {  	s14 =	sadd.s32 s14, s13  }
0x4d: {  	s15 =	sand.u32 $0xFFFFFF80, s14  }
0x4e: {  	p3 =	slt.s32 s13, $0x1;
	p4 =	sne.s32 s13, s15  }
0x4f: {  	p0 =	por !p3, !p4  }
0x50: {  	s15 =	simm.s32 $0x1;
	p0 =	por !p0, !p0  }
0x51: {  	s14 =	sshrl.u32 s14, $0x7;
	s15 =	simm.s32 @!p0 $0x0  }
0x52: {  	s14 =	ssub.s32 s14, s15  }
0x53: {  	(v2sf) =	vpush v32, $0x5;
	s14 =	sshll.u32 s14, $0x7  }
0x54: {  	s14 =	sand.u32 $0x1FFFFF80, s14  }
0x55: {  	s21 =	rddreg [dreg:$0x8];
	s14 =	sadd.s32 s1, s14  }
0x56: {  	[tilespmem:s21], [sflag:$0x1] =	stream.strided.gather [hbm4b:s14+s7], $0x2000, s8, s7, $0x38;
	[tilespmem:$0x10280] =	vst v63  }
0x57: {  	s14 =	spop (v2sf)  }
0x58: {  	s22 =	sshra.s32 s14, $0x1F  }
0x59: {  	s15 =	sshrl.u32 s22, $0x19  }
0x5a: {  	s15 =	sadd.s32 s15, s14  }
0x5b: {  	s16 =	sand.u32 $0xFFFFFF80, s15  }
0x5c: {  	p5 =	slt.s32 s14, $0x1;
	p6 =	sne.s32 s14, s16  }
0x5d: {  	p0 =	por !p5, !p6  }
0x5e: {  	s16 =	simm.s32 $0x1;
	p0 =	por !p0, !p0  }
0x5f: {  	s15 =	sshrl.u32 s15, $0x7;
	s16 =	simm.s32 @!p0 $0x0  }
0x60: {  	(v2sf) =	vpush v32, $0x6;
	s15 =	ssub.s32 s15, s16  }
0x61: {  	s15 =	sshll.u32 s15, $0x7  }
0x62: {  	s17 =	sand.u32 $0x1FFFFF80, s15;
	s15 =	spop (v2sf)  }
0x63: {  	s23 =	rddreg [dreg:$0x9];
	s17 =	sadd.s32 s1, s17;
	s24 =	sshra.s32 s15, $0x1F  }
0x64: {  	[tilespmem:s23], [sflag:$0x1] =	stream.strided.gather [hbm4b:s17+s7], $0x2000, s8, s7, $0x38;
	[tilespmem:$0x10280] =	vst v63  }
0x65: {  	s16 =	sshrl.u32 s24, $0x19  }
0x66: {  	s16 =	sadd.s32 s16, s15  }
0x67: {  	s25 =	sand.u32 $0xFFFFFF80, s16  }
0x68: {  	p1 =	slt.s32 s15, $0x1;
	p2 =	sne.s32 s15, s25  }
0x69: {  	p0 =	por !p1, !p2  }
0x6a: {  	s17 =	simm.s32 $0x1;
	p0 =	por !p0, !p0  }
0x6b: {  	s16 =	sshrl.u32 s16, $0x7;
	s17 =	simm.s32 @!p0 $0x0  }
0x6c: {  	s16 =	ssub.s32 s16, s17  }
0x6d: {  	s16 =	sshll.u32 s16, $0x7  }
0x6e: {  	s16 =	sand.u32 $0x1FFFFF80, s16  }
0x6f: {  	s26 =	rddreg [dreg:$0xa];
	s18 =	sadd.s32 s1, s16;
	s16 =	spop (v2sf);
	(v2sf) =	vpush v32, $0x7  }
0x70: {  	[tilespmem:s26], [sflag:$0x1] =	stream.strided.gather [hbm4b:s18+s7], $0x2000, s8, s7, $0x38;
	[tilespmem:$0x10280] =	vst v63  }
0x71: {  	s28 =	sshra.s32 s16, $0x1F  }
0x72: {  	s17 =	sshrl.u32 s28, $0x19  }
0x73: {  	s17 =	sadd.s32 s17, s16  }
0x74: {  	s29 =	sand.u32 $0xFFFFFF80, s17  }
0x75: {  	p3 =	slt.s32 s16, $0x1;
	p4 =	sne.s32 s16, s29  }
0x76: {  	p0 =	por !p3, !p4  }
0x77: {  	s18 =	simm.s32 $0x1;
	p0 =	por !p0, !p0  }
0x78: {  	s17 =	sshrl.u32 s17, $0x7;
	s18 =	simm.s32 @!p0 $0x0  }
0x79: {  	s17 =	ssub.s32 s17, s18  }
0x7a: {  	s17 =	sshll.u32 s17, $0x7  }
0x7b: {  	s17 =	sand.u32 $0x1FFFFF80, s17  }
0x7c: {  	s30 =	rddreg [dreg:$0xb];
	s17 =	sadd.s32 s1, s17  }
0x7d: {  	[tilespmem:s30], [sflag:$0x1] =	stream.strided.gather [hbm4b:s17+s7], $0x2000, s8, s7, $0x38;
	[tilespmem:$0x10280] =	vst v63  }
0x7e: {  	s31 =	spop (v2sf)  }
0x7f: {  	s20 =	sshra.s32 s31, $0x1F  }
0x80: {  	s18 =	sshrl.u32 s20, $0x19  }
0x81: {  	s18 =	sadd.s32 s18, s31  }
0x82: {  	s19 =	sand.u32 $0xFFFFFF80, s18  }
0x83: {  	p5 =	slt.s32 s31, $0x1;
	p6 =	sne.s32 s31, s19  }
0x84: {  	p0 =	por !p5, !p6  }
0x85: {  	s19 =	simm.s32 $0x1;
	p0 =	por !p0, !p0  }
0x86: {  	s18 =	sshrl.u32 s18, $0x7;
	s19 =	simm.s32 @!p0 $0x0  }
0x87: {  	s18 =	ssub.s32 s18, s19  }
0x88: {  	s18 =	sshll.u32 s18, $0x7  }
0x89: {  	s18 =	sand.u32 $0x1FFFFF80, s18  }
0x8a: {  	s21 =	rddreg [dreg:$0xc];
	s18 =	sadd.s32 s1, s18  }
0x8b: {  	[tilespmem:s21], [sflag:$0x1] =	stream.strided.gather [hbm4b:s18+s7], $0x2000, s8, s7, $0x38;
	[tilespmem:$0x10280] =	vst v63  }
0x8c: {  	_ =	swait.ge [sflag:s6], $0x2000  }
0x8d: {  	[sflag:s6] =	ssyncset.done $0x0  }
0x8e: {  	[sflag:s6] =	ssyncadd.s32 $0xFFFFE000  }
0x8f: {  	_ =	swait.ge [sflag:s6], $0x2000  }
0x90: {  	[sflag:s6] =	ssyncset.done $0x0  }
0x91: {  	[sflag:s6] =	ssyncadd.s32 $0xFFFFE000  }
0x92: {  	_ =	swait.ge [sflag:s6], $0x2000  }
0x93: {  	[sflag:s6] =	ssyncset.done $0x0  }
0x94: {  	[sflag:s6] =	ssyncadd.s32 $0xFFFFE000  }
0x95: {  	_ =	swait.ge [sflag:s6], $0x2000  }
0x96: {  	[sflag:s6] =	ssyncset.done $0x0  }
0x97: {  	[sflag:s6] =	ssyncadd.s32 $0xFFFFE000  }
0x98: {  	_ =	swait.ge [sflag:s6], $0x2000  }
0x99: {  	[sflag:s6] =	ssyncset.done $0x0  }
0x9a: {  	[sflag:s6] =	ssyncadd.s32 $0xFFFFE000  }
0x9b: {  	_ =	swait.ge [sflag:s6], $0x2000  }
0x9c: {  	[sflag:s6] =	ssyncset.done $0x0  }
0x9d: {  	[sflag:s6] =	ssyncadd.s32 $0xFFFFE000  }
0x9e: {  	s10 =	sand.u32 $0x7F, s10;
	_ =	swait.ge [sflag:s6], $0x2000  }
0x9f: {  	v61 =	vor.u32 s10, v0;
	[sflag:s6] =	ssyncset.done $0x0  }
0xa0: {  	[sflag:s6] =	ssyncadd.s32 $0xFFFFE000  }
0xa1: {  	_ =	swait.ge [sflag:s6], $0x2000  }
0xa2: {  	[sflag:s6] =	ssyncset.done $0x0  }
0xa3: {  	[sflag:s6] =	ssyncadd.s32 $0xFFFFE000  }
0xa4: {  	v32 =	vld.idx.msk [tilespmem:v61+s9+$0x0], $0xffff  }
0xa5: {  	v33 =	vor.u32 s10, v1;
	_ =	sdelay $0x3  }
0xa6: {  	[tilespmem:$0x10080] =	vst v32  }
0xa7: {  	v32 =	vld.idx.msk [tilespmem:v33+s9+$0x0], $0xffff  }
0xa8: {  	v62 =	vor.u32 s10, v2;
	_ =	sdelay $0x3  }
0xa9: {  	[tilespmem:$0x10090] =	vst v32  }
0xaa: {  	v32 =	vld.idx.msk [tilespmem:v62+s9+$0x0], $0xffff  }
0xab: {  	v63 =	vor.u32 s10, v3;
	_ =	sdelay $0x3  }
0xac: {  	[tilespmem:$0x100A0] =	vst v32  }
0xad: {  	s22 =	sand.u32 $0x7F, s11;
	v32 =	vld.idx.msk [tilespmem:v63+s9+$0x0], $0xffff  }
0xae: {  	v36 =	vor.u32 s22, v4;
	_ =	sdelay $0x3  }
0xaf: {  	[tilespmem:$0x100B0] =	vst v32  }
0xb0: {  	v32 =	vld.idx.msk [tilespmem:v36+s9+$0x0], $0xffff  }
0xb1: {  	v37 =	vor.u32 s22, v5;
	_ =	sdelay $0x3  }
0xb2: {  	[tilespmem:$0x100C0] =	vst v32  }
0xb3: {  	v32 =	vld.idx.msk [tilespmem:v37+s9+$0x0], $0xffff  }
0xb4: {  	v38 =	vor.u32 s22, v6;
	_ =	sdelay $0x3  }
0xb5: {  	[tilespmem:$0x100D0] =	vst v32  }
0xb6: {  	v32 =	vld.idx.msk [tilespmem:v38+s9+$0x0], $0xffff  }
0xb7: {  	v39 =	vor.u32 s22, v7;
	_ =	sdelay $0x3  }
0xb8: {  	[tilespmem:$0x100E0] =	vst v32  }
0xb9: {  	s23 =	sand.u32 $0x7F, s12;
	v32 =	vld.idx.msk [tilespmem:v39+s9+$0x0], $0xffff  }
0xba: {  	v40 =	vor.u32 s23, v8;
	_ =	sdelay $0x3  }
0xbb: {  	[tilespmem:$0x100F0] =	vst v32  }
0xbc: {  	v32 =	vld.idx.msk [tilespmem:v40+s9+$0x0], $0xffff  }
0xbd: {  	v41 =	vor.u32 s23, v9;
	_ =	sdelay $0x3  }
0xbe: {  	[tilespmem:$0x10100] =	vst v32  }
0xbf: {  	v32 =	vld.idx.msk [tilespmem:v41+s9+$0x0], $0xffff  }
0xc0: {  	v42 =	vor.u32 s23, v10;
	_ =	sdelay $0x3  }
0xc1: {  	[tilespmem:$0x10110] =	vst v32  }
0xc2: {  	v32 =	vld.idx.msk [tilespmem:v42+s9+$0x0], $0xffff  }
0xc3: {  	v43 =	vor.u32 s23, v11;
	_ =	sdelay $0x3  }
0xc4: {  	[tilespmem:$0x10120] =	vst v32  }
0xc5: {  	s24 =	sand.u32 $0x7F, s13;
	v32 =	vld.idx.msk [tilespmem:v43+s9+$0x0], $0xffff  }
0xc6: {  	v44 =	vor.u32 s24, v12;
	_ =	sdelay $0x3  }
0xc7: {  	[tilespmem:$0x10130] =	vst v32  }
0xc8: {  	v32 =	vld.idx.msk [tilespmem:v44+s9+$0x0], $0xffff  }
0xc9: {  	v45 =	vor.u32 s24, v13;
	_ =	sdelay $0x3  }
0xca: {  	[tilespmem:$0x10140] =	vst v32  }
0xcb: {  	v32 =	vld.idx.msk [tilespmem:v45+s9+$0x0], $0xffff  }
0xcc: {  	v46 =	vor.u32 s24, v14;
	_ =	sdelay $0x3  }
0xcd: {  	[tilespmem:$0x10150] =	vst v32  }
0xce: {  	v32 =	vld.idx.msk [tilespmem:v46+s9+$0x0], $0xffff  }
0xcf: {  	v47 =	vor.u32 s24, v15;
	_ =	sdelay $0x3  }
0xd0: {  	[tilespmem:$0x10160] =	vst v32  }
0xd1: {  	s25 =	sand.u32 $0x7F, s14;
	v32 =	vld.idx.msk [tilespmem:v47+s9+$0x0], $0xffff  }
0xd2: {  	v48 =	vor.u32 s25, v16;
	_ =	sdelay $0x3  }
0xd3: {  	[tilespmem:$0x10170] =	vst v32  }
0xd4: {  	v32 =	vld.idx.msk [tilespmem:v48+s9+$0x0], $0xffff  }
0xd5: {  	v49 =	vor.u32 s25, v17;
	_ =	sdelay $0x3  }
0xd6: {  	[tilespmem:$0x10180] =	vst v32  }
0xd7: {  	v32 =	vld.idx.msk [tilespmem:v49+s9+$0x0], $0xffff  }
0xd8: {  	v50 =	vor.u32 s25, v18;
	_ =	sdelay $0x3  }
0xd9: {  	[tilespmem:$0x10190] =	vst v32  }
0xda: {  	v32 =	vld.idx.msk [tilespmem:v50+s9+$0x0], $0xffff  }
0xdb: {  	v51 =	vor.u32 s25, v19;
	_ =	sdelay $0x3  }
0xdc: {  	[tilespmem:$0x101A0] =	vst v32  }
0xdd: {  	s26 =	sand.u32 $0x7F, s15;
	v32 =	vld.idx.msk [tilespmem:v51+s9+$0x0], $0xffff  }
0xde: {  	v52 =	vor.u32 s26, v20;
	_ =	sdelay $0x3  }
0xdf: {  	[tilespmem:$0x101B0] =	vst v32  }
0xe0: {  	v32 =	vld.idx.msk [tilespmem:v52+s9+$0x0], $0xffff  }
0xe1: {  	v53 =	vor.u32 s26, v21;
	_ =	sdelay $0x3  }
0xe2: {  	[tilespmem:$0x101C0] =	vst v32  }
0xe3: {  	v32 =	vld.idx.msk [tilespmem:v53+s9+$0x0], $0xffff  }
0xe4: {  	v54 =	vor.u32 s26, v22;
	_ =	sdelay $0x3  }
0xe5: {  	[tilespmem:$0x101D0] =	vst v32  }
0xe6: {  	v32 =	vld.idx.msk [tilespmem:v54+s9+$0x0], $0xffff  }
0xe7: {  	v55 =	vor.u32 s26, v23;
	_ =	sdelay $0x3  }
0xe8: {  	[tilespmem:$0x101E0] =	vst v32  }
0xe9: {  	s28 =	sand.u32 $0x7F, s16;
	v32 =	vld.idx.msk [tilespmem:v55+s9+$0x0], $0xffff  }
0xea: {  	v56 =	vor.u32 s28, v24;
	_ =	sdelay $0x3  }
0xeb: {  	[tilespmem:$0x101F0] =	vst v32  }
0xec: {  	v32 =	vld.idx.msk [tilespmem:v56+s9+$0x0], $0xffff  }
0xed: {  	v57 =	vor.u32 s28, v25;
	_ =	sdelay $0x3  }
0xee: {  	[tilespmem:$0x10200] =	vst v32  }
0xef: {  	v32 =	vld.idx.msk [tilespmem:v57+s9+$0x0], $0xffff  }
0xf0: {  	v58 =	vor.u32 s28, v26;
	_ =	sdelay $0x3  }
0xf1: {  	[tilespmem:$0x10210] =	vst v32  }
0xf2: {  	v32 =	vld.idx.msk [tilespmem:v58+s9+$0x0], $0xffff  }
0xf3: {  	v59 =	vor.u32 s28, v27;
	_ =	sdelay $0x3  }
0xf4: {  	[tilespmem:$0x10220] =	vst v32  }
0xf5: {  	s29 =	sand.u32 $0x7F, s31;
	v32 =	vld.idx.msk [tilespmem:v59+s9+$0x0], $0xffff  }
0xf6: {  	v60 =	vor.u32 s29, v28;
	_ =	sdelay $0x3  }
0xf7: {  	[tilespmem:$0x10230] =	vst v32  }
0xf8: {  	v32 =	vld.idx.msk [tilespmem:v60+s9+$0x0], $0xffff  }
0xf9: {  	v61 =	vor.u32 s29, v29;
	_ =	sdelay $0x3  }
0xfa: {  	[tilespmem:$0x10240] =	vst v32  }
0xfb: {  	v32 =	vld.idx.msk [tilespmem:v61+s9+$0x0], $0xffff  }
0xfc: {  	v62 =	vor.u32 s29, v30;
	_ =	sdelay $0x3  }
0xfd: {  	[tilespmem:$0x10250] =	vst v32  }
0xfe: {  	v32 =	vld.idx.msk [tilespmem:v62+s9+$0x0], $0xffff  }
0xff: {  	v63 =	vor.u32 s29, v31;
	_ =	sdelay $0x3  }
0x100: {  	[tilespmem:$0x10260] =	vst v32  }
0x101: {  	v32 =	vld.idx.msk [tilespmem:v63+s9+$0x0], $0xffff;
	_ =	sdelay $0x3  }
0x102: {  	p0 =	sne.s32 s4, $0x1;
	s30 =	rddreg [dreg:$0x4]  }
.Ltmp1:
0x103: {  	s31 =	rddreg [dreg:$0xd];
	[tilespmem:$0x10270] =	vst v32;
	(pc) =	sbr.rel @p0 .LBB2_2-.Ltmp1, $4  }
0x104: {  	[hbm4b:s30+s3] =	stream.linear.scatter [tilespmem:s31], [sflag:$0x2], $0x200, $0x38;
	[tilespmem:$0x10280] =	vst v63  }
0x105: {  	_ =	swait.ge [sflag:s5], $0x200  }
0x106: {  	[sflag:s5] =	ssyncset.done $0x0  }
0x107: {  	s4 =	sadd.s32 $0xFFFFFFFF, s4;
	[sflag:s5] =	ssyncadd.s32 $0xFFFFFE00  }
.LBB2_3:
0x108: {  	_ =	sfence.sel $0x180000  }
0x109: {  	[bflag:$0x0] =	sbarrier.arrive $0xFFFF  }
0x10a: {  	p0 =	sne.s32 s0, $0x0;
	_ =	strace $0x90000047  }
0x10b: {  	s0 =	sadd.s32 @!p0 $0x100000, s2;
	[bflag:$0x2] =	sbarrier.arrive $0xFFFF  }
0x10c: {  	[sflag:s0] =	ssyncadd.tile.s32 @!p0 $0x1;
	_ =	shalt  }
.Lfunc_end2:
_tile_overlayer_lowered:
.L_overlay_start_2:
0x10d: {  	(tag) =	ssettag $0x2  }
0x10e: {  	s0 =	rddreg [dreg:$0x0];
	s2 =	stileid.u32  }
0x10f: {  	s1 =	rddreg [dreg:$0x1];
	p0 =	sne.s32 s2, $0x0  }
0x110: {  	s3 =	rddreg [dreg:$0x2];
	[bflag:$0x3] =	sbarrier.arrive $0xFFFF;
	s2 =	simm.s32 @!p0 $0x1C02  }
0x111: {  	[timem:s3], [sflag:s2] =	dma.local @!p0 [hbm:s0], s1  }
0x112: {  	s0 =	simm.s32 @!p0 $0x2  }
0x113: {  	_ =	swait.ge @!p0 [sflag:s0], s1  }
0x114: {  	s1 =	ssub.s32 @!p0 $0x0, s1;
	[sflag:s0] =	ssyncset.done @!p0 $0x0  }
0x115: {  	[sflag:s0] =	ssyncadd.s32 @!p0 s1  }
0x116: {  	[bflag:$0x3] =	sbarrier.arrive $0xFFFF  }
0x117: {  	_ =	shalt  }

</sc_bundles>
